<compile_context>
chip_gen: v7x
topology: tpu7x:2x2x1
jax: 0.10.2.dev20260603
libtpu: 0.0.44.dev20260713+nightly
codegen_flags: <defaults>
</compile_context>

<pallas_src>
import functools

import jax
import jax.numpy as jnp
from jax import lax
from jax.experimental import pallas as pl
from jax.experimental.pallas import tpu as pltpu
from jax.experimental.pallas import tpu_sc as plsc

N_NODES = 10000
D = 128
NPAD = 10240
E = 320000
NC, NS = 2, 16
NW = NC * NS
EB = 64
NB = 160
CHUNK = 8
NCHUNK = NB // CHUNK
NBUF = 5
EPT_PAD = NB * EB
EPAD = NW * EPT_PAD
T = 4096
TPT = T // NS
ROWS_PT = NPAD // NS


def _deg_kernel(e5):
    mesh = plsc.VectorSubcoreMesh(core_axis_name="c", subcore_axis_name="s")

    @functools.partial(
        pl.kernel,
        out_type=jax.ShapeDtypeStruct((NC, NPAD), jnp.float32),
        mesh=mesh,
        scratch_types=[
            pltpu.VMEM((NCHUNK, CHUNK, EB), jnp.int32),
            pltpu.VMEM((EB,), jnp.float32),
            pltpu.VMEM((ROWS_PT,), jnp.float32),
            pltpu.VMEM_SHARED((NPAD,), jnp.float32),
            pltpu.SemaphoreType.DMA,
        ],
    )
    def k(e_hbm, degp_hbm, dst_v, ones_v, outv, deg_sh, ssem):
        c = lax.axis_index("c")
        s = lax.axis_index("s")
        wid = c * NS + s
        z16 = jnp.zeros((16,), jnp.float32)
        o16 = jnp.ones((16,), jnp.float32)

        @pl.loop(0, ROWS_PT // 16)
        def _(i):
            outv[pl.ds(i * 16, 16)] = z16

        @pl.loop(0, EB // 16)
        def _(i):
            ones_v[pl.ds(i * 16, 16)] = o16

        pltpu.sync_copy(e_hbm.at[1, wid], dst_v)
        pltpu.sync_copy(outv, deg_sh.at[pl.ds(s * ROWS_PT, ROWS_PT)])
        plsc.subcore_barrier()

        @pl.loop(0, NCHUNK)
        def _(cc):
            for b in range(CHUNK):
                pltpu.async_copy(ones_v, deg_sh.at[dst_v.at[cc, b]], ssem,
                                 add=True)

                @pl.when(cc >= 1)
                def _():
                    pltpu.make_async_copy(ones_v, deg_sh.at[dst_v.at[cc, b]],
                                          ssem).wait()

        for b in range(CHUNK):
            pltpu.make_async_copy(ones_v, deg_sh.at[dst_v.at[0, b]],
                                  ssem).wait()

        plsc.subcore_barrier()
        pltpu.sync_copy(deg_sh.at[pl.ds(s * ROWS_PT, ROWS_PT)], outv)
        pltpu.sync_copy(outv, degp_hbm.at[c, pl.ds(s * ROWS_PT, ROWS_PT)])

    return k(e5)


def _xw_kernel(x, W_gcn, degp):
    BLK = 2048

    def body(x_ref, w_ref, degp_ref, y_ref, dinv_ref):
        i = pl.program_id(0)
        xw = jnp.dot(x_ref[...], w_ref[...], preferred_element_type=jnp.float32)
        ones2 = jnp.ones((NC, 1), jnp.float32)
        deg = lax.dot_general(degp_ref[...], ones2,
                              (((0,), (0,)), ((), ())),
                              preferred_element_type=jnp.float32)
        dinv = lax.rsqrt(deg + 1.0)
        row = i * BLK + lax.broadcasted_iota(jnp.int32, (BLK, 1), 0)
        y_ref[...] = jnp.where(row < N_NODES, xw * dinv, 0.0)
        dinv_ref[...] = dinv.reshape(BLK)

    return pl.pallas_call(
        body,
        grid=(NPAD // BLK,),
        in_specs=[
            pl.BlockSpec((BLK, D), lambda i: (i, 0)),
            pl.BlockSpec((D, D), lambda i: (0, 0)),
            pl.BlockSpec((NC, BLK), lambda i: (0, i)),
        ],
        out_specs=[
            pl.BlockSpec((BLK, D), lambda i: (i, 0)),
            pl.BlockSpec((BLK,), lambda i: (i,)),
        ],
        out_shape=[
            jax.ShapeDtypeStruct((NPAD, D), jnp.float32),
            jax.ShapeDtypeStruct((NPAD,), jnp.float32),
        ],
    )(x, W_gcn, degp)


def _edge_kernel(y, e5, tgt3d, dinv):
    mesh = plsc.VectorSubcoreMesh(core_axis_name="c", subcore_axis_name="s")

    @functools.partial(
        pl.kernel,
        out_type=[
            jax.ShapeDtypeStruct((NC, T, D), jnp.float32),
            jax.ShapeDtypeStruct((T, D), jnp.float32),
            jax.ShapeDtypeStruct((T,), jnp.float32),
        ],
        mesh=mesh,
        scratch_types=[
            pltpu.VMEM((2, CHUNK, EB), jnp.int32),
            pltpu.VMEM((2, CHUNK, EB), jnp.int32),
            pltpu.VMEM((2, 128), jnp.int32),
            pltpu.VMEM((NBUF, EB, D), jnp.float32),
            pltpu.VMEM((TPT,), jnp.float32),
            pltpu.VMEM_SHARED((NPAD, D), jnp.float32),
            pltpu.SemaphoreType.DMA,
            pltpu.SemaphoreType.DMA,
            pltpu.SemaphoreType.DMA,
        ],
    )
    def k(y_hbm, e_hbm, tgt_hbm, dinv_hbm,
          p_hbm, yt_hbm, dt_hbm,
          srcb, dstb, tgt_v, buf, dt_v, acc_sh, gsem, ssem, isem):
        c = lax.axis_index("c")
        s = lax.axis_index("s")
        wid = c * NS + s
        z16 = jnp.zeros((16,), jnp.float32)

        pltpu.sync_copy(e_hbm.at[0, wid, 0], srcb.at[0])
        pltpu.sync_copy(e_hbm.at[1, wid, 0], dstb.at[0])
        pltpu.sync_copy(tgt_hbm.at[s], tgt_v)

        for b in range(NBUF - 1):
            pltpu.async_copy(y_hbm.at[srcb.at[0, b]], buf.at[b], gsem)

        @pl.loop(0, EB)
        def _(r):
            for j in range(D // 16):
                buf[NBUF - 1, r, pl.ds(j * 16, 16)] = z16

        for kk in range(ROWS_PT // EB):
            pltpu.async_copy(buf.at[NBUF - 1],
                             acc_sh.at[pl.ds(s * ROWS_PT + kk * EB, EB)], isem)
        for kk in range(ROWS_PT // EB):
            pltpu.make_async_copy(buf.at[NBUF - 1],
                                  acc_sh.at[pl.ds(s * ROWS_PT, EB)],
                                  isem).wait()
        plsc.subcore_barrier()

        def start_gather(p, b, i):
            pltpu.async_copy(y_hbm.at[srcb.at[p, b]], buf.at[i], gsem)

        def wait_gather(p, b, i):
            pltpu.make_async_copy(y_hbm.at[srcb.at[p, b]], buf.at[i],
                                  gsem).wait()

        def start_scatter(p, b, i):
            pltpu.async_copy(buf.at[i], acc_sh.at[dstb.at[p, b]], ssem,
                             add=True)

        def wait_scatter(p, b, i):
            pltpu.make_async_copy(buf.at[i], acc_sh.at[dstb.at[p, b]],
                                  ssem).wait()

        @pl.loop(0, NCHUNK)
        def _(cc):
            p = lax.rem(cc, 2)
            pn = lax.rem(cc + 1, 2)
            g0 = cc * CHUNK

            def ib(off):
                return lax.rem(g0 + off, NBUF)

            for b in range(CHUNK):
                wait_gather(p, b, ib(b))
                start_scatter(p, b, ib(b))

                if b == 0:
                    @pl.when(cc >= 1)
                    def _():
                        wait_scatter(pn, CHUNK - 1, ib(-1))
                else:
                    wait_scatter(p, b - 1, ib(b - 1))

                if b == 0:
                    @pl.when(cc + 1 < NCHUNK)
                    def _():
                        pltpu.async_copy(e_hbm.at[0, wid, cc + 1], srcb.at[pn],
                                         isem)
                        pltpu.async_copy(e_hbm.at[1, wid, cc + 1], dstb.at[pn],
                                         isem)
                if b == 3:
                    @pl.when(cc + 1 < NCHUNK)
                    def _():
                        pltpu.make_async_copy(e_hbm.at[0, wid, 0], srcb.at[pn],
                                              isem).wait()
                        pltpu.make_async_copy(e_hbm.at[1, wid, 0], dstb.at[pn],
                                              isem).wait()

                bn = b + NBUF - 1
                if bn < CHUNK:
                    start_gather(p, bn, ib(bn))
                else:
                    @pl.when(cc + 1 < NCHUNK)
                    def _():
                        start_gather(pn, bn - CHUNK, ib(bn))

        wait_scatter((NCHUNK - 1) % 2, CHUNK - 1, (NB - 1) % NBUF)
        plsc.subcore_barrier()

        GB = 64

        def round_idx(r):
            if r < 4:
                return tgt_v.at[r // 2, pl.ds((r % 2) * GB, GB)]
            q = r - 4
            return tgt_v.at[c, pl.ds(q * GB, GB)]

        def round_table(r):
            return acc_sh if r < 4 else y_hbm

        def round_out(r):
            if r < 4:
                return p_hbm.at[c, pl.ds(s * TPT + r * GB, GB)]
            q = r - 4
            return yt_hbm.at[pl.ds(s * TPT + c * 128 + q * GB, GB)]

        for r in range(6):
            pltpu.async_copy(round_table(r).at[round_idx(r)],
                             buf.at[r % NBUF], gsem).wait()
            pltpu.sync_copy(buf.at[r % NBUF], round_out(r))

        @pl.when(c == 0)
        def _():
            for j in range(2):
                pltpu.async_copy(dinv_hbm.at[tgt_v.at[j]],
                                 dt_v.at[pl.ds(j * 128, 128)], gsem).wait()
            pltpu.sync_copy(dt_v, dt_hbm.at[pl.ds(s * TPT, TPT)])

    return k(y, e5, tgt3d, dinv)


def _mlp_kernel(truck_x, P, yt, dt, W_truck, b_truck, b_gcn,
                W_comb, b_comb, W_out, b_out):
    BLK = 1024
    NCLS = 64

    def body(tx_ref, p_ref, yt_ref, dt_ref, wt_ref, bt_ref, bg_ref,
             wc_ref, bc_ref, wo_ref, bo_ref, out_ref):
        te = jnp.maximum(
            jnp.dot(tx_ref[...], wt_ref[...], preferred_element_type=jnp.float32)
            + bt_ref[...], 0.0)
        pp = p_ref[...]
        dt_col = dt_ref[...].reshape(BLK, 1)
        node = jnp.maximum(
            dt_col * (pp[0] + pp[1] + yt_ref[...]) + bg_ref[...], 0.0)
        wc = wc_ref[...]
        h = jnp.maximum(
            jnp.dot(te, wc[:D], preferred_element_type=jnp.float32)
            + jnp.dot(node, wc[D:], preferred_element_type=jnp.float32)
            + bc_ref[...], 0.0)
        out_ref[...] = (
            lax.dot_general(wo_ref[...], h, (((0,), (1,)), ((), ())),
                            preferred_element_type=jnp.float32)
            + bo_ref[...])

    full = lambda shape: pl.BlockSpec(shape, lambda i: tuple(0 for _ in shape))
    return pl.pallas_call(
        body,
        grid=(T // BLK,),
        in_specs=[
            pl.BlockSpec((BLK, 32), lambda i: (i, 0)),
            pl.BlockSpec((NC, BLK, D), lambda i: (0, i, 0)),
            pl.BlockSpec((BLK, D), lambda i: (i, 0)),
            pl.BlockSpec((BLK,), lambda i: (i,)),
            full((32, D)), full((1, D)), full((1, D)),
            full((2 * D, D)), full((1, D)),
            full((D, NCLS)), full((NCLS, 1)),
        ],
        out_specs=pl.BlockSpec((NCLS, BLK), lambda i: (0, i)),
        out_shape=jax.ShapeDtypeStruct((NCLS, T), jnp.float32),
    )(truck_x, P, yt, dt, W_truck, b_truck, b_gcn, W_comb, b_comb,
      W_out, b_out)


def kernel(x, edge_index, truck_x, cur_targets, W_gcn, b_gcn, W_truck, b_truck,
           W_comb, b_comb, W_out, b_out):
    ei = edge_index.astype(jnp.int32)
    pad_rows = N_NODES + (jnp.arange(EPAD - E, dtype=jnp.int32)
                          % (NPAD - N_NODES))
    pad2 = jnp.broadcast_to(pad_rows, (2, EPAD - E))
    e5 = jnp.concatenate([ei, pad2], axis=1).reshape(2, NW, NCHUNK, CHUNK, EB)
    tgt3d = cur_targets.astype(jnp.int32).reshape(NS, 2, 128)

    degp = _deg_kernel(e5)
    y, dinv = _xw_kernel(x, W_gcn, degp)
    P, yt, dt = _edge_kernel(y, e5, tgt3d, dinv)

    out_t = _mlp_kernel(
        truck_x, P, yt, dt,
        W_truck, b_truck.reshape(1, D), b_gcn.reshape(1, D),
        W_comb, b_comb.reshape(1, D),
        W_out, b_out.reshape(64, 1))
    return out_t.T

# --- scband reference (transcript-rebuilt; emitter-appended) ---
"""Pipeline reference for scband-dispatch-gnn-38783554683458 (READ-ONLY COPY).

The authoritative reference and input builder live on the scoring server;
editing this copy changes nothing except your own understanding.
"""

import jax, jax.numpy as jnp
import numpy as np

N_NODES = 10000
N_EDGES = 320000
D_FEAT = 128
T_TRUCKS = 4096
TRUCK_IN = 32
HIDDEN = 128
N_CLASSES = 64


def setup_inputs(seed: int = 0) -> dict:
    key = jax.random.key(seed)
    ks = jax.random.split(key, 12)
    x = jax.random.normal(ks[0], (N_NODES, D_FEAT), dtype=jnp.float32)
    edge_index = jax.random.randint(ks[1], (2, N_EDGES), 0, N_NODES, dtype=jnp.int64)
    truck_x = jax.random.normal(ks[2], (T_TRUCKS, TRUCK_IN), dtype=jnp.float32)
    cur_targets = jax.random.randint(ks[3], (T_TRUCKS,), 0, N_NODES, dtype=jnp.int64)
    W_gcn = jax.random.normal(ks[4], (D_FEAT, HIDDEN), dtype=jnp.float32) * (1.0 / np.sqrt(D_FEAT))
    b_gcn = jnp.zeros((HIDDEN,), dtype=jnp.float32)
    W_truck = jax.random.normal(ks[5], (TRUCK_IN, HIDDEN), dtype=jnp.float32) * (1.0 / np.sqrt(TRUCK_IN))
    b_truck = jnp.zeros((HIDDEN,), dtype=jnp.float32)
    W_comb = jax.random.normal(ks[6], (2 * HIDDEN, HIDDEN), dtype=jnp.float32) * (1.0 / np.sqrt(2 * HIDDEN))
    b_comb = jnp.zeros((HIDDEN,), dtype=jnp.float32)
    W_out = jax.random.normal(ks[7], (HIDDEN, N_CLASSES), dtype=jnp.float32) * (1.0 / np.sqrt(HIDDEN))
    b_out = jnp.zeros((N_CLASSES,), dtype=jnp.float32)
    return {"x": x, "edge_index": edge_index, "truck_x": truck_x, "cur_targets": cur_targets,
            "W_gcn": W_gcn, "b_gcn": b_gcn, "W_truck": W_truck, "b_truck": b_truck,
            "W_comb": W_comb, "b_comb": b_comb, "W_out": W_out, "b_out": b_out}


def gcn_conv(x, edge_index, W, b):
    # PyG GCNConv: add self-loops, symmetric normalization D^-1/2 (A+I) D^-1/2 X W + b
    N = x.shape[0]
    loop = jnp.arange(N, dtype=edge_index.dtype)
    src = jnp.concatenate([edge_index[0], loop])
    dst = jnp.concatenate([edge_index[1], loop])
    ones = jnp.ones(src.shape[0], dtype=x.dtype)
    deg = jax.ops.segment_sum(ones, dst, num_segments=N)
    dinv = jnp.where(deg > 0, jax.lax.rsqrt(deg), 0.0)
    norm = dinv[src] * dinv[dst]
    xw = x @ W
    msgs = xw[src] * norm[:, None]
    agg = jax.ops.segment_sum(msgs, dst, num_segments=N)
    return agg + b


def reference(x, edge_index, truck_x, cur_targets, W_gcn, b_gcn, W_truck, b_truck, W_comb, b_comb, W_out, b_out):
    node_emb = jax.nn.relu(gcn_conv(x, edge_index, W_gcn, b_gcn))
    truck_emb = jax.nn.relu(truck_x @ W_truck + b_truck)
    node_emb_for_truck = node_emb[cur_targets]
    comb = jnp.concatenate([truck_emb, node_emb_for_truck], axis=1)
    comb = jax.nn.relu(comb @ W_comb + b_comb)
    out = comb @ W_out + b_out
    return out


if False:  # reference __main__ guard neutralized (emitter)
    inp = setup_inputs()
    out = reference(**inp)
    print(out.shape)

if __name__ == "__main__":
    import jax
    _d = setup_inputs()
    print(jax.jit(kernel)(*tuple(_d.values())))

</pallas_src>

<mosaic_0001>
#map = affine_map<(d0, d1) -> (0, 0)>
#map1 = affine_map<(d0, d1) -> (0, 0, 0, 0, 0)>
#map2 = affine_map<(d0, d1) -> (0, 0, 0)>
#map3 = affine_map<(d0, d1) -> (0)>
module attributes {stable_mosaic.version = 14 : i64} {
  func.func @k(%arg0: i32, %arg1: i32, %arg2: memref<10240x128xf32, #tpu.memory_space<hbm>>, %arg3: memref<2x32x20x8x64xi32, #tpu.memory_space<hbm>>, %arg4: memref<16x2x128xi32, #tpu.memory_space<hbm>>, %arg5: memref<10240xf32, #tpu.memory_space<hbm>>, %arg6: memref<2x4096x128xf32, #tpu.memory_space<hbm>>, %arg7: memref<4096x128xf32, #tpu.memory_space<hbm>>, %arg8: memref<4096xf32, #tpu.memory_space<hbm>>, %arg9: memref<2x8x64xi32, #tpu.memory_space<vmem>>, %arg10: memref<2x8x64xi32, #tpu.memory_space<vmem>>, %arg11: memref<2x128xi32, #tpu.memory_space<vmem>>, %arg12: memref<5x64x128xf32, #tpu.memory_space<vmem>>, %arg13: memref<256xf32, #tpu.memory_space<vmem>>, %arg14: memref<10240x128xf32, #tpu.memory_space<vmem_shared>>, %arg15: memref<!tpu.dma_semaphore, #tpu.memory_space<semaphore_mem>>, %arg16: memref<!tpu.dma_semaphore, #tpu.memory_space<semaphore_mem>>, %arg17: memref<!tpu.dma_semaphore, #tpu.memory_space<semaphore_mem>>) attributes {dimension_semantics = [#tpu.dimension_semantics<core_parallel>, #tpu.dimension_semantics<subcore_parallel>], iteration_bounds = array<i64: 2, 16>, scalar_prefetch = 0 : i64, scratch_operands = 9 : i64, tpu.core_type = #tpu.core_type<sc_vector_subcore>, window_params = [{transform_indices = #map}, {transform_indices = #map1}, {transform_indices = #map2}, {transform_indices = #map3}, {transform_indices = #map2}, {transform_indices = #map}, {transform_indices = #map3}]} {
    %mul3A = arith.constant 16 : i32
    %mul3A_0 = arith.muli %arg0, %mul3A : i32
    %add3A = arith.addi %mul3A_0, %arg1 : i32
    %broadcast_in_dim3A = arith.constant 0.000000e+00 : f32
    %broadcast_in_dim3A_1 = vector.broadcast %broadcast_in_dim3A : f32 to vector<16xf32>
    %run_scoped3A = arith.constant 0 : i32
    %run_scoped3A_2 = arith.constant 0 : i32
    %run_scoped3A_3 = arith.constant 0 : i32
    "tpu.region"() ({
      %run_scoped3A_578 = tpu.sem_alloc : memref<!tpu.dma_semaphore, #tpu.memory_space<semaphore_mem>>
      %dma_start3A_579 = arith.constant 0 : i32
      %dma_start3A_580 = arith.constant 0 : i32
      %dma_start3A_581 = tpu.memref_slice %arg9[%run_scoped3A_3, %dma_start3A_579, %dma_start3A_580] : memref<2x8x64xi32, #tpu.memory_space<vmem>> -> memref<1x8x64xi32, #tpu.memory_space<vmem>>
      %dma_start3A_582 = tpu.memref_squeeze %dma_start3A_581 : memref<1x8x64xi32, #tpu.memory_space<vmem>> -> memref<8x64xi32, #tpu.memory_space<vmem>>
      %dma_start3A_583 = arith.constant 0 : i32
      %dma_start3A_584 = arith.constant 0 : i32
      %dma_start3A_585 = tpu.memref_slice %arg3[%run_scoped3A, %add3A, %run_scoped3A_2, %dma_start3A_583, %dma_start3A_584] : memref<2x32x20x8x64xi32, #tpu.memory_space<hbm>> -> memref<1x1x1x8x64xi32, #tpu.memory_space<hbm>>
      %dma_start3A_586 = tpu.memref_squeeze %dma_start3A_585 : memref<1x1x1x8x64xi32, #tpu.memory_space<hbm>> -> memref<8x64xi32, #tpu.memory_space<hbm>>
      %dma_start3A_587 = arith.constant 0 : i32
      %dma_start3A_588 = arith.constant 0 : i32
      %dma_start3A_589 = tpu.memref_slice %arg9[%run_scoped3A_3, %dma_start3A_587, %dma_start3A_588] : memref<2x8x64xi32, #tpu.memory_space<vmem>> -> memref<1x8x64xi32, #tpu.memory_space<vmem>>
      %dma_start3A_590 = tpu.memref_squeeze %dma_start3A_589 : memref<1x8x64xi32, #tpu.memory_space<vmem>> -> memref<8x64xi32, #tpu.memory_space<vmem>>
      %dma_start3A_591 = arith.constant 0 : i32
      %dma_start3A_592 = arith.constant 0 : i32
      %dma_start3A_593 = tpu.memref_slice %arg3[%run_scoped3A, %add3A, %run_scoped3A_2, %dma_start3A_591, %dma_start3A_592] : memref<2x32x20x8x64xi32, #tpu.memory_space<hbm>> -> memref<1x1x1x8x64xi32, #tpu.memory_space<hbm>>
      %dma_start3A_594 = tpu.memref_squeeze %dma_start3A_593 : memref<1x1x1x8x64xi32, #tpu.memory_space<hbm>> -> memref<8x64xi32, #tpu.memory_space<hbm>>
      tpu.enqueue_dma source(%dma_start3A_594 : memref<8x64xi32, #tpu.memory_space<hbm>>) target(%dma_start3A_590 : memref<8x64xi32, #tpu.memory_space<vmem>>) target_semaphore(%run_scoped3A_578 : memref<!tpu.dma_semaphore, #tpu.memory_space<semaphore_mem>>)
      %dma_wait3A_595 = arith.constant 0 : i32
      %dma_wait3A_596 = arith.constant 0 : i32
      %dma_wait3A_597 = tpu.memref_slice %arg9[%run_scoped3A_3, %dma_wait3A_595, %dma_wait3A_596] : memref<2x8x64xi32, #tpu.memory_space<vmem>> -> memref<1x8x64xi32, #tpu.memory_space<vmem>>
      %dma_wait3A_598 = tpu.memref_squeeze %dma_wait3A_597 : memref<1x8x64xi32, #tpu.memory_space<vmem>> -> memref<8x64xi32, #tpu.memory_space<vmem>>
      %dma_wait3A_599 = arith.constant 0 : i32
      %dma_wait3A_600 = arith.constant 0 : i32
      %dma_wait3A_601 = tpu.memref_slice %arg3[%run_scoped3A, %add3A, %run_scoped3A_2, %dma_wait3A_599, %dma_wait3A_600] : memref<2x32x20x8x64xi32, #tpu.memory_space<hbm>> -> memref<1x1x1x8x64xi32, #tpu.memory_space<hbm>>
      %dma_wait3A_602 = tpu.memref_squeeze %dma_wait3A_601 : memref<1x1x1x8x64xi32, #tpu.memory_space<hbm>> -> memref<8x64xi32, #tpu.memory_space<hbm>>
      %dma_wait3A_603 = arith.constant 0 : i32
      %dma_wait3A_604 = arith.constant 0 : i32
      %dma_wait3A_605 = tpu.memref_slice %arg9[%run_scoped3A_3, %dma_wait3A_603, %dma_wait3A_604] : memref<2x8x64xi32, #tpu.memory_space<vmem>> -> memref<1x8x64xi32, #tpu.memory_space<vmem>>
      %dma_wait3A_606 = tpu.memref_squeeze %dma_wait3A_605 : memref<1x8x64xi32, #tpu.memory_space<vmem>> -> memref<8x64xi32, #tpu.memory_space<vmem>>
      %dma_wait3A_607 = arith.constant 0 : i32
      %dma_wait3A_608 = arith.constant 0 : i32
      %dma_wait3A_609 = tpu.memref_slice %arg3[%run_scoped3A, %add3A, %run_scoped3A_2, %dma_wait3A_607, %dma_wait3A_608] : memref<2x32x20x8x64xi32, #tpu.memory_space<hbm>> -> memref<1x1x1x8x64xi32, #tpu.memory_space<hbm>>
      %dma_wait3A_610 = tpu.memref_squeeze %dma_wait3A_609 : memref<1x1x1x8x64xi32, #tpu.memory_space<hbm>> -> memref<8x64xi32, #tpu.memory_space<hbm>>
      tpu.wait_dma2 semaphore(%run_scoped3A_578 : memref<!tpu.dma_semaphore, #tpu.memory_space<semaphore_mem>>) src(%dma_wait3A_610 : memref<8x64xi32, #tpu.memory_space<hbm>>) dst(%dma_wait3A_606 : memref<8x64xi32, #tpu.memory_space<vmem>>)
      tpu.yield
    }) : () -> ()
    %run_scoped3A_4 = arith.constant 1 : i32
    %run_scoped3A_5 = arith.constant 0 : i32
    %run_scoped3A_6 = arith.constant 0 : i32
    "tpu.region"() ({
      %run_scoped3A_578 = tpu.sem_alloc : memref<!tpu.dma_semaphore, #tpu.memory_space<semaphore_mem>>
      %dma_start3A_579 = arith.constant 0 : i32
      %dma_start3A_580 = arith.constant 0 : i32
      %dma_start3A_581 = tpu.memref_slice %arg10[%run_scoped3A_6, %dma_start3A_579, %dma_start3A_580] : memref<2x8x64xi32, #tpu.memory_space<vmem>> -> memref<1x8x64xi32, #tpu.memory_space<vmem>>
      %dma_start3A_582 = tpu.memref_squeeze %dma_start3A_581 : memref<1x8x64xi32, #tpu.memory_space<vmem>> -> memref<8x64xi32, #tpu.memory_space<vmem>>
      %dma_start3A_583 = arith.constant 0 : i32
      %dma_start3A_584 = arith.constant 0 : i32
      %dma_start3A_585 = tpu.memref_slice %arg3[%run_scoped3A_4, %add3A, %run_scoped3A_5, %dma_start3A_583, %dma_start3A_584] : memref<2x32x20x8x64xi32, #tpu.memory_space<hbm>> -> memref<1x1x1x8x64xi32, #tpu.memory_space<hbm>>
      %dma_start3A_586 = tpu.memref_squeeze %dma_start3A_585 : memref<1x1x1x8x64xi32, #tpu.memory_space<hbm>> -> memref<8x64xi32, #tpu.memory_space<hbm>>
      %dma_start3A_587 = arith.constant 0 : i32
      %dma_start3A_588 = arith.constant 0 : i32
      %dma_start3A_589 = tpu.memref_slice %arg10[%run_scoped3A_6, %dma_start3A_587, %dma_start3A_588] : memref<2x8x64xi32, #tpu.memory_space<vmem>> -> memref<1x8x64xi32, #tpu.memory_space<vmem>>
      %dma_start3A_590 = tpu.memref_squeeze %dma_start3A_589 : memref<1x8x64xi32, #tpu.memory_space<vmem>> -> memref<8x64xi32, #tpu.memory_space<vmem>>
      %dma_start3A_591 = arith.constant 0 : i32
      %dma_start3A_592 = arith.constant 0 : i32
      %dma_start3A_593 = tpu.memref_slice %arg3[%run_scoped3A_4, %add3A, %run_scoped3A_5, %dma_start3A_591, %dma_start3A_592] : memref<2x32x20x8x64xi32, #tpu.memory_space<hbm>> -> memref<1x1x1x8x64xi32, #tpu.memory_space<hbm>>
      %dma_start3A_594 = tpu.memref_squeeze %dma_start3A_593 : memref<1x1x1x8x64xi32, #tpu.memory_space<hbm>> -> memref<8x64xi32, #tpu.memory_space<hbm>>
      tpu.enqueue_dma source(%dma_start3A_594 : memref<8x64xi32, #tpu.memory_space<hbm>>) target(%dma_start3A_590 : memref<8x64xi32, #tpu.memory_space<vmem>>) target_semaphore(%run_scoped3A_578 : memref<!tpu.dma_semaphore, #tpu.memory_space<semaphore_mem>>)
      %dma_wait3A_595 = arith.constant 0 : i32
      %dma_wait3A_596 = arith.constant 0 : i32
      %dma_wait3A_597 = tpu.memref_slice %arg10[%run_scoped3A_6, %dma_wait3A_595, %dma_wait3A_596] : memref<2x8x64xi32, #tpu.memory_space<vmem>> -> memref<1x8x64xi32, #tpu.memory_space<vmem>>
      %dma_wait3A_598 = tpu.memref_squeeze %dma_wait3A_597 : memref<1x8x64xi32, #tpu.memory_space<vmem>> -> memref<8x64xi32, #tpu.memory_space<vmem>>
      %dma_wait3A_599 = arith.constant 0 : i32
      %dma_wait3A_600 = arith.constant 0 : i32
      %dma_wait3A_601 = tpu.memref_slice %arg3[%run_scoped3A_4, %add3A, %run_scoped3A_5, %dma_wait3A_599, %dma_wait3A_600] : memref<2x32x20x8x64xi32, #tpu.memory_space<hbm>> -> memref<1x1x1x8x64xi32, #tpu.memory_space<hbm>>
      %dma_wait3A_602 = tpu.memref_squeeze %dma_wait3A_601 : memref<1x1x1x8x64xi32, #tpu.memory_space<hbm>> -> memref<8x64xi32, #tpu.memory_space<hbm>>
      %dma_wait3A_603 = arith.constant 0 : i32
      %dma_wait3A_604 = arith.constant 0 : i32
      %dma_wait3A_605 = tpu.memref_slice %arg10[%run_scoped3A_6, %dma_wait3A_603, %dma_wait3A_604] : memref<2x8x64xi32, #tpu.memory_space<vmem>> -> memref<1x8x64xi32, #tpu.memory_space<vmem>>
      %dma_wait3A_606 = tpu.memref_squeeze %dma_wait3A_605 : memref<1x8x64xi32, #tpu.memory_space<vmem>> -> memref<8x64xi32, #tpu.memory_space<vmem>>
      %dma_wait3A_607 = arith.constant 0 : i32
      %dma_wait3A_608 = arith.constant 0 : i32
      %dma_wait3A_609 = tpu.memref_slice %arg3[%run_scoped3A_4, %add3A, %run_scoped3A_5, %dma_wait3A_607, %dma_wait3A_608] : memref<2x32x20x8x64xi32, #tpu.memory_space<hbm>> -> memref<1x1x1x8x64xi32, #tpu.memory_space<hbm>>
      %dma_wait3A_610 = tpu.memref_squeeze %dma_wait3A_609 : memref<1x1x1x8x64xi32, #tpu.memory_space<hbm>> -> memref<8x64xi32, #tpu.memory_space<hbm>>
      tpu.wait_dma2 semaphore(%run_scoped3A_578 : memref<!tpu.dma_semaphore, #tpu.memory_space<semaphore_mem>>) src(%dma_wait3A_610 : memref<8x64xi32, #tpu.memory_space<hbm>>) dst(%dma_wait3A_606 : memref<8x64xi32, #tpu.memory_space<vmem>>)
      tpu.yield
    }) : () -> ()
    "tpu.region"() ({
      %run_scoped3A_578 = tpu.sem_alloc : memref<!tpu.dma_semaphore, #tpu.memory_space<semaphore_mem>>
      %dma_start3A_579 = arith.constant 0 : i32
      %dma_start3A_580 = arith.constant 0 : i32
      %dma_start3A_581 = tpu.memref_slice %arg4[%arg1, %dma_start3A_579, %dma_start3A_580] : memref<16x2x128xi32, #tpu.memory_space<hbm>> -> memref<1x2x128xi32, #tpu.memory_space<hbm>>
      %dma_start3A_582 = tpu.memref_squeeze %dma_start3A_581 : memref<1x2x128xi32, #tpu.memory_space<hbm>> -> memref<2x128xi32, #tpu.memory_space<hbm>>
      %dma_start3A_583 = arith.constant 0 : i32
      %dma_start3A_584 = arith.constant 0 : i32
      %dma_start3A_585 = tpu.memref_slice %arg4[%arg1, %dma_start3A_583, %dma_start3A_584] : memref<16x2x128xi32, #tpu.memory_space<hbm>> -> memref<1x2x128xi32, #tpu.memory_space<hbm>>
      %dma_start3A_586 = tpu.memref_squeeze %dma_start3A_585 : memref<1x2x128xi32, #tpu.memory_space<hbm>> -> memref<2x128xi32, #tpu.memory_space<hbm>>
      tpu.enqueue_dma source(%dma_start3A_586 : memref<2x128xi32, #tpu.memory_space<hbm>>) target(%arg11 : memref<2x128xi32, #tpu.memory_space<vmem>>) target_semaphore(%run_scoped3A_578 : memref<!tpu.dma_semaphore, #tpu.memory_space<semaphore_mem>>)
      %dma_wait3A_587 = arith.constant 0 : i32
      %dma_wait3A_588 = arith.constant 0 : i32
      %dma_wait3A_589 = tpu.memref_slice %arg4[%arg1, %dma_wait3A_587, %dma_wait3A_588] : memref<16x2x128xi32, #tpu.memory_space<hbm>> -> memref<1x2x128xi32, #tpu.memory_space<hbm>>
      %dma_wait3A_590 = tpu.memref_squeeze %dma_wait3A_589 : memref<1x2x128xi32, #tpu.memory_space<hbm>> -> memref<2x128xi32, #tpu.memory_space<hbm>>
      %dma_wait3A_591 = arith.constant 0 : i32
      %dma_wait3A_592 = arith.constant 0 : i32
      %dma_wait3A_593 = tpu.memref_slice %arg4[%arg1, %dma_wait3A_591, %dma_wait3A_592] : memref<16x2x128xi32, #tpu.memory_space<hbm>> -> memref<1x2x128xi32, #tpu.memory_space<hbm>>
      %dma_wait3A_594 = tpu.memref_squeeze %dma_wait3A_593 : memref<1x2x128xi32, #tpu.memory_space<hbm>> -> memref<2x128xi32, #tpu.memory_space<hbm>>
      tpu.wait_dma2 semaphore(%run_scoped3A_578 : memref<!tpu.dma_semaphore, #tpu.memory_space<semaphore_mem>>) src(%dma_wait3A_594 : memref<2x128xi32, #tpu.memory_space<hbm>>) dst(%arg11 : memref<2x128xi32, #tpu.memory_space<vmem>>)
      tpu.yield
    }) : () -> ()
    %dma_start3A = arith.constant 0 : i32
    %dma_start3A_7 = arith.constant 0 : i32
    %dma_start3A_8 = arith.constant 0 : i32
    %dma_start3A_9 = arith.constant 0 : i32
    %dma_start3A_10 = arith.constant 0 : i32
    %dma_start3A_11 = tpu.memref_slice %arg12[%dma_start3A_8, %dma_start3A_9, %dma_start3A_10] : memref<5x64x128xf32, #tpu.memory_space<vmem>> -> memref<1x64x128xf32, #tpu.memory_space<vmem>>
    %dma_start3A_12 = tpu.memref_squeeze %dma_start3A_11 : memref<1x64x128xf32, #tpu.memory_space<vmem>> -> memref<64x128xf32, #tpu.memory_space<vmem>>
    %dma_start3A_13 = arith.constant 0 : i32
    %dma_start3A_14 = tpu.memref_slice %arg9[%dma_start3A, %dma_start3A_7, %dma_start3A_13] : memref<2x8x64xi32, #tpu.memory_space<vmem>> -> memref<1x1x64xi32, #tpu.memory_space<vmem>>
    %dma_start3A_15 = tpu.memref_squeeze %dma_start3A_14 : memref<1x1x64xi32, #tpu.memory_space<vmem>> -> memref<64xi32, #tpu.memory_space<vmem>>
    %dma_start3A_16 = arith.constant 0 : i32
    %dma_start3A_17 = arith.constant 0 : i32
    %dma_start3A_18 = tpu.memref_slice %arg2[%dma_start3A_16, %dma_start3A_17] : memref<10240x128xf32, #tpu.memory_space<hbm>> -> memref<10240x128xf32, #tpu.memory_space<hbm>>
    tpu.enqueue_indirect_dma source(%dma_start3A_18 : memref<10240x128xf32, #tpu.memory_space<hbm>>) target(%dma_start3A_12 : memref<64x128xf32, #tpu.memory_space<vmem>>) offsets(%dma_start3A_15 : memref<64xi32, #tpu.memory_space<vmem>>) semaphore(%arg15 : memref<!tpu.dma_semaphore, #tpu.memory_space<semaphore_mem>>)
    %dma_start3A_19 = arith.constant 0 : i32
    %dma_start3A_20 = arith.constant 1 : i32
    %dma_start3A_21 = arith.constant 1 : i32
    %dma_start3A_22 = arith.constant 0 : i32
    %dma_start3A_23 = arith.constant 0 : i32
    %dma_start3A_24 = tpu.memref_slice %arg12[%dma_start3A_21, %dma_start3A_22, %dma_start3A_23] : memref<5x64x128xf32, #tpu.memory_space<vmem>> -> memref<1x64x128xf32, #tpu.memory_space<vmem>>
    %dma_start3A_25 = tpu.memref_squeeze %dma_start3A_24 : memref<1x64x128xf32, #tpu.memory_space<vmem>> -> memref<64x128xf32, #tpu.memory_space<vmem>>
    %dma_start3A_26 = arith.constant 0 : i32
    %dma_start3A_27 = tpu.memref_slice %arg9[%dma_start3A_19, %dma_start3A_20, %dma_start3A_26] : memref<2x8x64xi32, #tpu.memory_space<vmem>> -> memref<1x1x64xi32, #tpu.memory_space<vmem>>
    %dma_start3A_28 = tpu.memref_squeeze %dma_start3A_27 : memref<1x1x64xi32, #tpu.memory_space<vmem>> -> memref<64xi32, #tpu.memory_space<vmem>>
    %dma_start3A_29 = arith.constant 0 : i32
    %dma_start3A_30 = arith.constant 0 : i32
    %dma_start3A_31 = tpu.memref_slice %arg2[%dma_start3A_29, %dma_start3A_30] : memref<10240x128xf32, #tpu.memory_space<hbm>> -> memref<10240x128xf32, #tpu.memory_space<hbm>>
    tpu.enqueue_indirect_dma source(%dma_start3A_31 : memref<10240x128xf32, #tpu.memory_space<hbm>>) target(%dma_start3A_25 : memref<64x128xf32, #tpu.memory_space<vmem>>) offsets(%dma_start3A_28 : memref<64xi32, #tpu.memory_space<vmem>>) semaphore(%arg15 : memref<!tpu.dma_semaphore, #tpu.memory_space<semaphore_mem>>)
    %dma_start3A_32 = arith.constant 0 : i32
    %dma_start3A_33 = arith.constant 2 : i32
    %dma_start3A_34 = arith.constant 2 : i32
    %dma_start3A_35 = arith.constant 0 : i32
    %dma_start3A_36 = arith.constant 0 : i32
    %dma_start3A_37 = tpu.memref_slice %arg12[%dma_start3A_34, %dma_start3A_35, %dma_start3A_36] : memref<5x64x128xf32, #tpu.memory_space<vmem>> -> memref<1x64x128xf32, #tpu.memory_space<vmem>>
    %dma_start3A_38 = tpu.memref_squeeze %dma_start3A_37 : memref<1x64x128xf32, #tpu.memory_space<vmem>> -> memref<64x128xf32, #tpu.memory_space<vmem>>
    %dma_start3A_39 = arith.constant 0 : i32
    %dma_start3A_40 = tpu.memref_slice %arg9[%dma_start3A_32, %dma_start3A_33, %dma_start3A_39] : memref<2x8x64xi32, #tpu.memory_space<vmem>> -> memref<1x1x64xi32, #tpu.memory_space<vmem>>
    %dma_start3A_41 = tpu.memref_squeeze %dma_start3A_40 : memref<1x1x64xi32, #tpu.memory_space<vmem>> -> memref<64xi32, #tpu.memory_space<vmem>>
    %dma_start3A_42 = arith.constant 0 : i32
    %dma_start3A_43 = arith.constant 0 : i32
    %dma_start3A_44 = tpu.memref_slice %arg2[%dma_start3A_42, %dma_start3A_43] : memref<10240x128xf32, #tpu.memory_space<hbm>> -> memref<10240x128xf32, #tpu.memory_space<hbm>>
    tpu.enqueue_indirect_dma source(%dma_start3A_44 : memref<10240x128xf32, #tpu.memory_space<hbm>>) target(%dma_start3A_38 : memref<64x128xf32, #tpu.memory_space<vmem>>) offsets(%dma_start3A_41 : memref<64xi32, #tpu.memory_space<vmem>>) semaphore(%arg15 : memref<!tpu.dma_semaphore, #tpu.memory_space<semaphore_mem>>)
    %dma_start3A_45 = arith.constant 0 : i32
    %dma_start3A_46 = arith.constant 3 : i32
    %dma_start3A_47 = arith.constant 3 : i32
    %dma_start3A_48 = arith.constant 0 : i32
    %dma_start3A_49 = arith.constant 0 : i32
    %dma_start3A_50 = tpu.memref_slice %arg12[%dma_start3A_47, %dma_start3A_48, %dma_start3A_49] : memref<5x64x128xf32, #tpu.memory_space<vmem>> -> memref<1x64x128xf32, #tpu.memory_space<vmem>>
    %dma_start3A_51 = tpu.memref_squeeze %dma_start3A_50 : memref<1x64x128xf32, #tpu.memory_space<vmem>> -> memref<64x128xf32, #tpu.memory_space<vmem>>
    %dma_start3A_52 = arith.constant 0 : i32
    %dma_start3A_53 = tpu.memref_slice %arg9[%dma_start3A_45, %dma_start3A_46, %dma_start3A_52] : memref<2x8x64xi32, #tpu.memory_space<vmem>> -> memref<1x1x64xi32, #tpu.memory_space<vmem>>
    %dma_start3A_54 = tpu.memref_squeeze %dma_start3A_53 : memref<1x1x64xi32, #tpu.memory_space<vmem>> -> memref<64xi32, #tpu.memory_space<vmem>>
    %dma_start3A_55 = arith.constant 0 : i32
    %dma_start3A_56 = arith.constant 0 : i32
    %dma_start3A_57 = tpu.memref_slice %arg2[%dma_start3A_55, %dma_start3A_56] : memref<10240x128xf32, #tpu.memory_space<hbm>> -> memref<10240x128xf32, #tpu.memory_space<hbm>>
    tpu.enqueue_indirect_dma source(%dma_start3A_57 : memref<10240x128xf32, #tpu.memory_space<hbm>>) target(%dma_start3A_51 : memref<64x128xf32, #tpu.memory_space<vmem>>) offsets(%dma_start3A_54 : memref<64xi32, #tpu.memory_space<vmem>>) semaphore(%arg15 : memref<!tpu.dma_semaphore, #tpu.memory_space<semaphore_mem>>)
    %scan3A = arith.constant 0 : i32
    %scan3A_58 = arith.constant 64 : i32
    %scan3A_59 = arith.addi %scan3A, %scan3A_58 : i32
    %scan3A_60 = arith.constant 1 : i32
    scf.for %scan3A_578 = %scan3A to %scan3A_59 step %scan3A_60  : i32 {
      %mul3A_579 = arith.constant 1 : i32
      %mul3A_580 = arith.muli %scan3A_578, %mul3A_579 : i32
      %add3A_581 = arith.constant 0 : i32
      %add3A_582 = arith.addi %add3A_581, %mul3A_580 : i32
      %swap3A = arith.constant 4 : i32
      %swap3A_583 = arith.index_cast %swap3A : i32 to index
      %swap3A_584 = arith.index_cast %add3A_582 : i32 to index
      %swap3A_585 = arith.constant 0 : index
      %swap3A_586 = tpu.vector_load %arg12[%swap3A_583, %swap3A_584, %swap3A_585] {strides = array<i32>} : memref<5x64x128xf32, #tpu.memory_space<vmem>>, vector<1x1x16xf32>,
      %swap3A_587 = vector.shape_cast %swap3A_586 : vector<1x1x16xf32> to vector<16xf32>
      %swap3A_588 = vector.shape_cast %broadcast_in_dim3A_1 : vector<16xf32> to vector<1x1x16xf32>
      tpu.vector_store %arg12[%swap3A_583, %swap3A_584, %swap3A_585], %swap3A_588 {strides = array<i32>} : memref<5x64x128xf32, #tpu.memory_space<vmem>>, vector<1x1x16xf32>,
      %swap3A_589 = arith.constant 4 : i32
      %swap3A_590 = arith.index_cast %swap3A_589 : i32 to index
      %swap3A_591 = arith.index_cast %add3A_582 : i32 to index
      %swap3A_592 = arith.constant 16 : index
      %swap3A_593 = tpu.vector_load %arg12[%swap3A_590, %swap3A_591, %swap3A_592] {strides = array<i32>} : memref<5x64x128xf32, #tpu.memory_space<vmem>>, vector<1x1x16xf32>,
      %swap3A_594 = vector.shape_cast %swap3A_593 : vector<1x1x16xf32> to vector<16xf32>
      %swap3A_595 = vector.shape_cast %broadcast_in_dim3A_1 : vector<16xf32> to vector<1x1x16xf32>
      tpu.vector_store %arg12[%swap3A_590, %swap3A_591, %swap3A_592], %swap3A_595 {strides = array<i32>} : memref<5x64x128xf32, #tpu.memory_space<vmem>>, vector<1x1x16xf32>,
      %swap3A_596 = arith.constant 4 : i32
      %swap3A_597 = arith.index_cast %swap3A_596 : i32 to index
      %swap3A_598 = arith.index_cast %add3A_582 : i32 to index
      %swap3A_599 = arith.constant 32 : index
      %swap3A_600 = tpu.vector_load %arg12[%swap3A_597, %swap3A_598, %swap3A_599] {strides = array<i32>} : memref<5x64x128xf32, #tpu.memory_space<vmem>>, vector<1x1x16xf32>,
      %swap3A_601 = vector.shape_cast %swap3A_600 : vector<1x1x16xf32> to vector<16xf32>
      %swap3A_602 = vector.shape_cast %broadcast_in_dim3A_1 : vector<16xf32> to vector<1x1x16xf32>
      tpu.vector_store %arg12[%swap3A_597, %swap3A_598, %swap3A_599], %swap3A_602 {strides = array<i32>} : memref<5x64x128xf32, #tpu.memory_space<vmem>>, vector<1x1x16xf32>,
      %swap3A_603 = arith.constant 4 : i32
      %swap3A_604 = arith.index_cast %swap3A_603 : i32 to index
      %swap3A_605 = arith.index_cast %add3A_582 : i32 to index
      %swap3A_606 = arith.constant 48 : index
      %swap3A_607 = tpu.vector_load %arg12[%swap3A_604, %swap3A_605, %swap3A_606] {strides = array<i32>} : memref<5x64x128xf32, #tpu.memory_space<vmem>>, vector<1x1x16xf32>,
      %swap3A_608 = vector.shape_cast %swap3A_607 : vector<1x1x16xf32> to vector<16xf32>
      %swap3A_609 = vector.shape_cast %broadcast_in_dim3A_1 : vector<16xf32> to vector<1x1x16xf32>
      tpu.vector_store %arg12[%swap3A_604, %swap3A_605, %swap3A_606], %swap3A_609 {strides = array<i32>} : memref<5x64x128xf32, #tpu.memory_space<vmem>>, vector<1x1x16xf32>,
      %swap3A_610 = arith.constant 4 : i32
      %swap3A_611 = arith.index_cast %swap3A_610 : i32 to index
      %swap3A_612 = arith.index_cast %add3A_582 : i32 to index
      %swap3A_613 = arith.constant 64 : index
      %swap3A_614 = tpu.vector_load %arg12[%swap3A_611, %swap3A_612, %swap3A_613] {strides = array<i32>} : memref<5x64x128xf32, #tpu.memory_space<vmem>>, vector<1x1x16xf32>,
      %swap3A_615 = vector.shape_cast %swap3A_614 : vector<1x1x16xf32> to vector<16xf32>
      %swap3A_616 = vector.shape_cast %broadcast_in_dim3A_1 : vector<16xf32> to vector<1x1x16xf32>
      tpu.vector_store %arg12[%swap3A_611, %swap3A_612, %swap3A_613], %swap3A_616 {strides = array<i32>} : memref<5x64x128xf32, #tpu.memory_space<vmem>>, vector<1x1x16xf32>,
      %swap3A_617 = arith.constant 4 : i32
      %swap3A_618 = arith.index_cast %swap3A_617 : i32 to index
      %swap3A_619 = arith.index_cast %add3A_582 : i32 to index
      %swap3A_620 = arith.constant 80 : index
      %swap3A_621 = tpu.vector_load %arg12[%swap3A_618, %swap3A_619, %swap3A_620] {strides = array<i32>} : memref<5x64x128xf32, #tpu.memory_space<vmem>>, vector<1x1x16xf32>,
      %swap3A_622 = vector.shape_cast %swap3A_621 : vector<1x1x16xf32> to vector<16xf32>
      %swap3A_623 = vector.shape_cast %broadcast_in_dim3A_1 : vector<16xf32> to vector<1x1x16xf32>
      tpu.vector_store %arg12[%swap3A_618, %swap3A_619, %swap3A_620], %swap3A_623 {strides = array<i32>} : memref<5x64x128xf32, #tpu.memory_space<vmem>>, vector<1x1x16xf32>,
      %swap3A_624 = arith.constant 4 : i32
      %swap3A_625 = arith.index_cast %swap3A_624 : i32 to index
      %swap3A_626 = arith.index_cast %add3A_582 : i32 to index
      %swap3A_627 = arith.constant 96 : index
      %swap3A_628 = tpu.vector_load %arg12[%swap3A_625, %swap3A_626, %swap3A_627] {strides = array<i32>} : memref<5x64x128xf32, #tpu.memory_space<vmem>>, vector<1x1x16xf32>,
      %swap3A_629 = vector.shape_cast %swap3A_628 : vector<1x1x16xf32> to vector<16xf32>
      %swap3A_630 = vector.shape_cast %broadcast_in_dim3A_1 : vector<16xf32> to vector<1x1x16xf32>
      tpu.vector_store %arg12[%swap3A_625, %swap3A_626, %swap3A_627], %swap3A_630 {strides = array<i32>} : memref<5x64x128xf32, #tpu.memory_space<vmem>>, vector<1x1x16xf32>,
      %swap3A_631 = arith.constant 4 : i32
      %swap3A_632 = arith.index_cast %swap3A_631 : i32 to index
      %swap3A_633 = arith.index_cast %add3A_582 : i32 to index
      %swap3A_634 = arith.constant 112 : index
      %swap3A_635 = tpu.vector_load %arg12[%swap3A_632, %swap3A_633, %swap3A_634] {strides = array<i32>} : memref<5x64x128xf32, #tpu.memory_space<vmem>>, vector<1x1x16xf32>,
      %swap3A_636 = vector.shape_cast %swap3A_635 : vector<1x1x16xf32> to vector<16xf32>
      %swap3A_637 = vector.shape_cast %broadcast_in_dim3A_1 : vector<16xf32> to vector<1x1x16xf32>
      tpu.vector_store %arg12[%swap3A_632, %swap3A_633, %swap3A_634], %swap3A_637 {strides = array<i32>} : memref<5x64x128xf32, #tpu.memory_space<vmem>>, vector<1x1x16xf32>,
    }
    %scan3A_61 = arith.constant 64 : i32
    %mul3A_62 = arith.constant 640 : i32
    %mul3A_63 = arith.muli %arg1, %mul3A_62 : i32
    %add3A_64 = arith.constant 0 : i32
    %add3A_65 = arith.addi %mul3A_63, %add3A_64 : i32
    %dma_start3A_66 = arith.constant 4 : i32
    %dma_start3A_67 = arith.constant 0 : i32
    %dma_start3A_68 = arith.constant 0 : i32
    %dma_start3A_69 = tpu.memref_slice %arg12[%dma_start3A_66, %dma_start3A_67, %dma_start3A_68] : memref<5x64x128xf32, #tpu.memory_space<vmem>> -> memref<1x64x128xf32, #tpu.memory_space<vmem>>
    %dma_start3A_70 = tpu.memref_squeeze %dma_start3A_69 : memref<1x64x128xf32, #tpu.memory_space<vmem>> -> memref<64x128xf32, #tpu.memory_space<vmem>>
    %dma_start3A_71 = arith.constant 0 : i32
    %dma_start3A_72 = tpu.memref_slice %arg14[%add3A_65, %dma_start3A_71] : memref<10240x128xf32, #tpu.memory_space<vmem_shared>> -> memref<64x128xf32, #tpu.memory_space<vmem_shared>>
    %dma_start3A_73 = arith.constant 0 : i32
    %dma_start3A_74 = tpu.memref_slice %arg14[%add3A_65, %dma_start3A_73] : memref<10240x128xf32, #tpu.memory_space<vmem_shared>> -> memref<64x128xf32, #tpu.memory_space<vmem_shared>>
    %dma_start3A_75 = arith.constant 0 : i32
    %dma_start3A_76 = arith.constant 0 : i32
    %dma_start3A_77 = tpu.memref_slice %arg12[%dma_start3A_66, %dma_start3A_75, %dma_start3A_76] : memref<5x64x128xf32, #tpu.memory_space<vmem>> -> memref<1x64x128xf32, #tpu.memory_space<vmem>>
    %dma_start3A_78 = tpu.memref_squeeze %dma_start3A_77 : memref<1x64x128xf32, #tpu.memory_space<vmem>> -> memref<64x128xf32, #tpu.memory_space<vmem>>
    tpu.enqueue_dma source(%dma_start3A_78 : memref<64x128xf32, #tpu.memory_space<vmem>>) target(%dma_start3A_74 : memref<64x128xf32, #tpu.memory_space<vmem_shared>>) target_semaphore(%arg17 : memref<!tpu.dma_semaphore, #tpu.memory_space<semaphore_mem>>)
    %mul3A_79 = arith.constant 640 : i32
    %mul3A_80 = arith.muli %arg1, %mul3A_79 : i32
    %add3A_81 = arith.constant 64 : i32
    %add3A_82 = arith.addi %mul3A_80, %add3A_81 : i32
    %dma_start3A_83 = arith.constant 4 : i32
    %dma_start3A_84 = arith.constant 0 : i32
    %dma_start3A_85 = arith.constant 0 : i32
    %dma_start3A_86 = tpu.memref_slice %arg12[%dma_start3A_83, %dma_start3A_84, %dma_start3A_85] : memref<5x64x128xf32, #tpu.memory_space<vmem>> -> memref<1x64x128xf32, #tpu.memory_space<vmem>>
    %dma_start3A_87 = tpu.memref_squeeze %dma_start3A_86 : memref<1x64x128xf32, #tpu.memory_space<vmem>> -> memref<64x128xf32, #tpu.memory_space<vmem>>
    %dma_start3A_88 = arith.constant 0 : i32
    %dma_start3A_89 = tpu.memref_slice %arg14[%add3A_82, %dma_start3A_88] : memref<10240x128xf32, #tpu.memory_space<vmem_shared>> -> memref<64x128xf32, #tpu.memory_space<vmem_shared>>
    %dma_start3A_90 = arith.constant 0 : i32
    %dma_start3A_91 = tpu.memref_slice %arg14[%add3A_82, %dma_start3A_90] : memref<10240x128xf32, #tpu.memory_space<vmem_shared>> -> memref<64x128xf32, #tpu.memory_space<vmem_shared>>
    %dma_start3A_92 = arith.constant 0 : i32
    %dma_start3A_93 = arith.constant 0 : i32
    %dma_start3A_94 = tpu.memref_slice %arg12[%dma_start3A_83, %dma_start3A_92, %dma_start3A_93] : memref<5x64x128xf32, #tpu.memory_space<vmem>> -> memref<1x64x128xf32, #tpu.memory_space<vmem>>
    %dma_start3A_95 = tpu.memref_squeeze %dma_start3A_94 : memref<1x64x128xf32, #tpu.memory_space<vmem>> -> memref<64x128xf32, #tpu.memory_space<vmem>>
    tpu.enqueue_dma source(%dma_start3A_95 : memref<64x128xf32, #tpu.memory_space<vmem>>) target(%dma_start3A_91 : memref<64x128xf32, #tpu.memory_space<vmem_shared>>) target_semaphore(%arg17 : memref<!tpu.dma_semaphore, #tpu.memory_space<semaphore_mem>>)
    %mul3A_96 = arith.constant 640 : i32
    %mul3A_97 = arith.muli %arg1, %mul3A_96 : i32
    %add3A_98 = arith.constant 128 : i32
    %add3A_99 = arith.addi %mul3A_97, %add3A_98 : i32
    %dma_start3A_100 = arith.constant 4 : i32
    %dma_start3A_101 = arith.constant 0 : i32
    %dma_start3A_102 = arith.constant 0 : i32
    %dma_start3A_103 = tpu.memref_slice %arg12[%dma_start3A_100, %dma_start3A_101, %dma_start3A_102] : memref<5x64x128xf32, #tpu.memory_space<vmem>> -> memref<1x64x128xf32, #tpu.memory_space<vmem>>
    %dma_start3A_104 = tpu.memref_squeeze %dma_start3A_103 : memref<1x64x128xf32, #tpu.memory_space<vmem>> -> memref<64x128xf32, #tpu.memory_space<vmem>>
    %dma_start3A_105 = arith.constant 0 : i32
    %dma_start3A_106 = tpu.memref_slice %arg14[%add3A_99, %dma_start3A_105] : memref<10240x128xf32, #tpu.memory_space<vmem_shared>> -> memref<64x128xf32, #tpu.memory_space<vmem_shared>>
    %dma_start3A_107 = arith.constant 0 : i32
    %dma_start3A_108 = tpu.memref_slice %arg14[%add3A_99, %dma_start3A_107] : memref<10240x128xf32, #tpu.memory_space<vmem_shared>> -> memref<64x128xf32, #tpu.memory_space<vmem_shared>>
    %dma_start3A_109 = arith.constant 0 : i32
    %dma_start3A_110 = arith.constant 0 : i32
    %dma_start3A_111 = tpu.memref_slice %arg12[%dma_start3A_100, %dma_start3A_109, %dma_start3A_110] : memref<5x64x128xf32, #tpu.memory_space<vmem>> -> memref<1x64x128xf32, #tpu.memory_space<vmem>>
    %dma_start3A_112 = tpu.memref_squeeze %dma_start3A_111 : memref<1x64x128xf32, #tpu.memory_space<vmem>> -> memref<64x128xf32, #tpu.memory_space<vmem>>
    tpu.enqueue_dma source(%dma_start3A_112 : memref<64x128xf32, #tpu.memory_space<vmem>>) target(%dma_start3A_108 : memref<64x128xf32, #tpu.memory_space<vmem_shared>>) target_semaphore(%arg17 : memref<!tpu.dma_semaphore, #tpu.memory_space<semaphore_mem>>)
    %mul3A_113 = arith.constant 640 : i32
    %mul3A_114 = arith.muli %arg1, %mul3A_113 : i32
    %add3A_115 = arith.constant 192 : i32
    %add3A_116 = arith.addi %mul3A_114, %add3A_115 : i32
    %dma_start3A_117 = arith.constant 4 : i32
    %dma_start3A_118 = arith.constant 0 : i32
    %dma_start3A_119 = arith.constant 0 : i32
    %dma_start3A_120 = tpu.memref_slice %arg12[%dma_start3A_117, %dma_start3A_118, %dma_start3A_119] : memref<5x64x128xf32, #tpu.memory_space<vmem>> -> memref<1x64x128xf32, #tpu.memory_space<vmem>>
    %dma_start3A_121 = tpu.memref_squeeze %dma_start3A_120 : memref<1x64x128xf32, #tpu.memory_space<vmem>> -> memref<64x128xf32, #tpu.memory_space<vmem>>
    %dma_start3A_122 = arith.constant 0 : i32
    %dma_start3A_123 = tpu.memref_slice %arg14[%add3A_116, %dma_start3A_122] : memref<10240x128xf32, #tpu.memory_space<vmem_shared>> -> memref<64x128xf32, #tpu.memory_space<vmem_shared>>
    %dma_start3A_124 = arith.constant 0 : i32
    %dma_start3A_125 = tpu.memref_slice %arg14[%add3A_116, %dma_start3A_124] : memref<10240x128xf32, #tpu.memory_space<vmem_shared>> -> memref<64x128xf32, #tpu.memory_space<vmem_shared>>
    %dma_start3A_126 = arith.constant 0 : i32
    %dma_start3A_127 = arith.constant 0 : i32
    %dma_start3A_128 = tpu.memref_slice %arg12[%dma_start3A_117, %dma_start3A_126, %dma_start3A_127] : memref<5x64x128xf32, #tpu.memory_space<vmem>> -> memref<1x64x128xf32, #tpu.memory_space<vmem>>
    %dma_start3A_129 = tpu.memref_squeeze %dma_start3A_128 : memref<1x64x128xf32, #tpu.memory_space<vmem>> -> memref<64x128xf32, #tpu.memory_space<vmem>>
    tpu.enqueue_dma source(%dma_start3A_129 : memref<64x128xf32, #tpu.memory_space<vmem>>) target(%dma_start3A_125 : memref<64x128xf32, #tpu.memory_space<vmem_shared>>) target_semaphore(%arg17 : memref<!tpu.dma_semaphore, #tpu.memory_space<semaphore_mem>>)
    %mul3A_130 = arith.constant 640 : i32
    %mul3A_131 = arith.muli %arg1, %mul3A_130 : i32
    %add3A_132 = arith.constant 256 : i32
    %add3A_133 = arith.addi %mul3A_131, %add3A_132 : i32
    %dma_start3A_134 = arith.constant 4 : i32
    %dma_start3A_135 = arith.constant 0 : i32
    %dma_start3A_136 = arith.constant 0 : i32
    %dma_start3A_137 = tpu.memref_slice %arg12[%dma_start3A_134, %dma_start3A_135, %dma_start3A_136] : memref<5x64x128xf32, #tpu.memory_space<vmem>> -> memref<1x64x128xf32, #tpu.memory_space<vmem>>
    %dma_start3A_138 = tpu.memref_squeeze %dma_start3A_137 : memref<1x64x128xf32, #tpu.memory_space<vmem>> -> memref<64x128xf32, #tpu.memory_space<vmem>>
    %dma_start3A_139 = arith.constant 0 : i32
    %dma_start3A_140 = tpu.memref_slice %arg14[%add3A_133, %dma_start3A_139] : memref<10240x128xf32, #tpu.memory_space<vmem_shared>> -> memref<64x128xf32, #tpu.memory_space<vmem_shared>>
    %dma_start3A_141 = arith.constant 0 : i32
    %dma_start3A_142 = tpu.memref_slice %arg14[%add3A_133, %dma_start3A_141] : memref<10240x128xf32, #tpu.memory_space<vmem_shared>> -> memref<64x128xf32, #tpu.memory_space<vmem_shared>>
    %dma_start3A_143 = arith.constant 0 : i32
    %dma_start3A_144 = arith.constant 0 : i32
    %dma_start3A_145 = tpu.memref_slice %arg12[%dma_start3A_134, %dma_start3A_143, %dma_start3A_144] : memref<5x64x128xf32, #tpu.memory_space<vmem>> -> memref<1x64x128xf32, #tpu.memory_space<vmem>>
    %dma_start3A_146 = tpu.memref_squeeze %dma_start3A_145 : memref<1x64x128xf32, #tpu.memory_space<vmem>> -> memref<64x128xf32, #tpu.memory_space<vmem>>
    tpu.enqueue_dma source(%dma_start3A_146 : memref<64x128xf32, #tpu.memory_space<vmem>>) target(%dma_start3A_142 : memref<64x128xf32, #tpu.memory_space<vmem_shared>>) target_semaphore(%arg17 : memref<!tpu.dma_semaphore, #tpu.memory_space<semaphore_mem>>)
    %mul3A_147 = arith.constant 640 : i32
    %mul3A_148 = arith.muli %arg1, %mul3A_147 : i32
    %add3A_149 = arith.constant 320 : i32
    %add3A_150 = arith.addi %mul3A_148, %add3A_149 : i32
    %dma_start3A_151 = arith.constant 4 : i32
    %dma_start3A_152 = arith.constant 0 : i32
    %dma_start3A_153 = arith.constant 0 : i32
    %dma_start3A_154 = tpu.memref_slice %arg12[%dma_start3A_151, %dma_start3A_152, %dma_start3A_153] : memref<5x64x128xf32, #tpu.memory_space<vmem>> -> memref<1x64x128xf32, #tpu.memory_space<vmem>>
    %dma_start3A_155 = tpu.memref_squeeze %dma_start3A_154 : memref<1x64x128xf32, #tpu.memory_space<vmem>> -> memref<64x128xf32, #tpu.memory_space<vmem>>
    %dma_start3A_156 = arith.constant 0 : i32
    %dma_start3A_157 = tpu.memref_slice %arg14[%add3A_150, %dma_start3A_156] : memref<10240x128xf32, #tpu.memory_space<vmem_shared>> -> memref<64x128xf32, #tpu.memory_space<vmem_shared>>
    %dma_start3A_158 = arith.constant 0 : i32
    %dma_start3A_159 = tpu.memref_slice %arg14[%add3A_150, %dma_start3A_158] : memref<10240x128xf32, #tpu.memory_space<vmem_shared>> -> memref<64x128xf32, #tpu.memory_space<vmem_shared>>
    %dma_start3A_160 = arith.constant 0 : i32
    %dma_start3A_161 = arith.constant 0 : i32
    %dma_start3A_162 = tpu.memref_slice %arg12[%dma_start3A_151, %dma_start3A_160, %dma_start3A_161] : memref<5x64x128xf32, #tpu.memory_space<vmem>> -> memref<1x64x128xf32, #tpu.memory_space<vmem>>
    %dma_start3A_163 = tpu.memref_squeeze %dma_start3A_162 : memref<1x64x128xf32, #tpu.memory_space<vmem>> -> memref<64x128xf32, #tpu.memory_space<vmem>>
    tpu.enqueue_dma source(%dma_start3A_163 : memref<64x128xf32, #tpu.memory_space<vmem>>) target(%dma_start3A_159 : memref<64x128xf32, #tpu.memory_space<vmem_shared>>) target_semaphore(%arg17 : memref<!tpu.dma_semaphore, #tpu.memory_space<semaphore_mem>>)
    %mul3A_164 = arith.constant 640 : i32
    %mul3A_165 = arith.muli %arg1, %mul3A_164 : i32
    %add3A_166 = arith.constant 384 : i32
    %add3A_167 = arith.addi %mul3A_165, %add3A_166 : i32
    %dma_start3A_168 = arith.constant 4 : i32
    %dma_start3A_169 = arith.constant 0 : i32
    %dma_start3A_170 = arith.constant 0 : i32
    %dma_start3A_171 = tpu.memref_slice %arg12[%dma_start3A_168, %dma_start3A_169, %dma_start3A_170] : memref<5x64x128xf32, #tpu.memory_space<vmem>> -> memref<1x64x128xf32, #tpu.memory_space<vmem>>
    %dma_start3A_172 = tpu.memref_squeeze %dma_start3A_171 : memref<1x64x128xf32, #tpu.memory_space<vmem>> -> memref<64x128xf32, #tpu.memory_space<vmem>>
    %dma_start3A_173 = arith.constant 0 : i32
    %dma_start3A_174 = tpu.memref_slice %arg14[%add3A_167, %dma_start3A_173] : memref<10240x128xf32, #tpu.memory_space<vmem_shared>> -> memref<64x128xf32, #tpu.memory_space<vmem_shared>>
    %dma_start3A_175 = arith.constant 0 : i32
    %dma_start3A_176 = tpu.memref_slice %arg14[%add3A_167, %dma_start3A_175] : memref<10240x128xf32, #tpu.memory_space<vmem_shared>> -> memref<64x128xf32, #tpu.memory_space<vmem_shared>>
    %dma_start3A_177 = arith.constant 0 : i32
    %dma_start3A_178 = arith.constant 0 : i32
    %dma_start3A_179 = tpu.memref_slice %arg12[%dma_start3A_168, %dma_start3A_177, %dma_start3A_178] : memref<5x64x128xf32, #tpu.memory_space<vmem>> -> memref<1x64x128xf32, #tpu.memory_space<vmem>>
    %dma_start3A_180 = tpu.memref_squeeze %dma_start3A_179 : memref<1x64x128xf32, #tpu.memory_space<vmem>> -> memref<64x128xf32, #tpu.memory_space<vmem>>
    tpu.enqueue_dma source(%dma_start3A_180 : memref<64x128xf32, #tpu.memory_space<vmem>>) target(%dma_start3A_176 : memref<64x128xf32, #tpu.memory_space<vmem_shared>>) target_semaphore(%arg17 : memref<!tpu.dma_semaphore, #tpu.memory_space<semaphore_mem>>)
    %mul3A_181 = arith.constant 640 : i32
    %mul3A_182 = arith.muli %arg1, %mul3A_181 : i32
    %add3A_183 = arith.constant 448 : i32
    %add3A_184 = arith.addi %mul3A_182, %add3A_183 : i32
    %dma_start3A_185 = arith.constant 4 : i32
    %dma_start3A_186 = arith.constant 0 : i32
    %dma_start3A_187 = arith.constant 0 : i32
    %dma_start3A_188 = tpu.memref_slice %arg12[%dma_start3A_185, %dma_start3A_186, %dma_start3A_187] : memref<5x64x128xf32, #tpu.memory_space<vmem>> -> memref<1x64x128xf32, #tpu.memory_space<vmem>>
    %dma_start3A_189 = tpu.memref_squeeze %dma_start3A_188 : memref<1x64x128xf32, #tpu.memory_space<vmem>> -> memref<64x128xf32, #tpu.memory_space<vmem>>
    %dma_start3A_190 = arith.constant 0 : i32
    %dma_start3A_191 = tpu.memref_slice %arg14[%add3A_184, %dma_start3A_190] : memref<10240x128xf32, #tpu.memory_space<vmem_shared>> -> memref<64x128xf32, #tpu.memory_space<vmem_shared>>
    %dma_start3A_192 = arith.constant 0 : i32
    %dma_start3A_193 = tpu.memref_slice %arg14[%add3A_184, %dma_start3A_192] : memref<10240x128xf32, #tpu.memory_space<vmem_shared>> -> memref<64x128xf32, #tpu.memory_space<vmem_shared>>
    %dma_start3A_194 = arith.constant 0 : i32
    %dma_start3A_195 = arith.constant 0 : i32
    %dma_start3A_196 = tpu.memref_slice %arg12[%dma_start3A_185, %dma_start3A_194, %dma_start3A_195] : memref<5x64x128xf32, #tpu.memory_space<vmem>> -> memref<1x64x128xf32, #tpu.memory_space<vmem>>
    %dma_start3A_197 = tpu.memref_squeeze %dma_start3A_196 : memref<1x64x128xf32, #tpu.memory_space<vmem>> -> memref<64x128xf32, #tpu.memory_space<vmem>>
    tpu.enqueue_dma source(%dma_start3A_197 : memref<64x128xf32, #tpu.memory_space<vmem>>) target(%dma_start3A_193 : memref<64x128xf32, #tpu.memory_space<vmem_shared>>) target_semaphore(%arg17 : memref<!tpu.dma_semaphore, #tpu.memory_space<semaphore_mem>>)
    %mul3A_198 = arith.constant 640 : i32
    %mul3A_199 = arith.muli %arg1, %mul3A_198 : i32
    %add3A_200 = arith.constant 512 : i32
    %add3A_201 = arith.addi %mul3A_199, %add3A_200 : i32
    %dma_start3A_202 = arith.constant 4 : i32
    %dma_start3A_203 = arith.constant 0 : i32
    %dma_start3A_204 = arith.constant 0 : i32
    %dma_start3A_205 = tpu.memref_slice %arg12[%dma_start3A_202, %dma_start3A_203, %dma_start3A_204] : memref<5x64x128xf32, #tpu.memory_space<vmem>> -> memref<1x64x128xf32, #tpu.memory_space<vmem>>
    %dma_start3A_206 = tpu.memref_squeeze %dma_start3A_205 : memref<1x64x128xf32, #tpu.memory_space<vmem>> -> memref<64x128xf32, #tpu.memory_space<vmem>>
    %dma_start3A_207 = arith.constant 0 : i32
    %dma_start3A_208 = tpu.memref_slice %arg14[%add3A_201, %dma_start3A_207] : memref<10240x128xf32, #tpu.memory_space<vmem_shared>> -> memref<64x128xf32, #tpu.memory_space<vmem_shared>>
    %dma_start3A_209 = arith.constant 0 : i32
    %dma_start3A_210 = tpu.memref_slice %arg14[%add3A_201, %dma_start3A_209] : memref<10240x128xf32, #tpu.memory_space<vmem_shared>> -> memref<64x128xf32, #tpu.memory_space<vmem_shared>>
    %dma_start3A_211 = arith.constant 0 : i32
    %dma_start3A_212 = arith.constant 0 : i32
    %dma_start3A_213 = tpu.memref_slice %arg12[%dma_start3A_202, %dma_start3A_211, %dma_start3A_212] : memref<5x64x128xf32, #tpu.memory_space<vmem>> -> memref<1x64x128xf32, #tpu.memory_space<vmem>>
    %dma_start3A_214 = tpu.memref_squeeze %dma_start3A_213 : memref<1x64x128xf32, #tpu.memory_space<vmem>> -> memref<64x128xf32, #tpu.memory_space<vmem>>
    tpu.enqueue_dma source(%dma_start3A_214 : memref<64x128xf32, #tpu.memory_space<vmem>>) target(%dma_start3A_210 : memref<64x128xf32, #tpu.memory_space<vmem_shared>>) target_semaphore(%arg17 : memref<!tpu.dma_semaphore, #tpu.memory_space<semaphore_mem>>)
    %mul3A_215 = arith.constant 640 : i32
    %mul3A_216 = arith.muli %arg1, %mul3A_215 : i32
    %add3A_217 = arith.constant 576 : i32
    %add3A_218 = arith.addi %mul3A_216, %add3A_217 : i32
    %dma_start3A_219 = arith.constant 4 : i32
    %dma_start3A_220 = arith.constant 0 : i32
    %dma_start3A_221 = arith.constant 0 : i32
    %dma_start3A_222 = tpu.memref_slice %arg12[%dma_start3A_219, %dma_start3A_220, %dma_start3A_221] : memref<5x64x128xf32, #tpu.memory_space<vmem>> -> memref<1x64x128xf32, #tpu.memory_space<vmem>>
    %dma_start3A_223 = tpu.memref_squeeze %dma_start3A_222 : memref<1x64x128xf32, #tpu.memory_space<vmem>> -> memref<64x128xf32, #tpu.memory_space<vmem>>
    %dma_start3A_224 = arith.constant 0 : i32
    %dma_start3A_225 = tpu.memref_slice %arg14[%add3A_218, %dma_start3A_224] : memref<10240x128xf32, #tpu.memory_space<vmem_shared>> -> memref<64x128xf32, #tpu.memory_space<vmem_shared>>
    %dma_start3A_226 = arith.constant 0 : i32
    %dma_start3A_227 = tpu.memref_slice %arg14[%add3A_218, %dma_start3A_226] : memref<10240x128xf32, #tpu.memory_space<vmem_shared>> -> memref<64x128xf32, #tpu.memory_space<vmem_shared>>
    %dma_start3A_228 = arith.constant 0 : i32
    %dma_start3A_229 = arith.constant 0 : i32
    %dma_start3A_230 = tpu.memref_slice %arg12[%dma_start3A_219, %dma_start3A_228, %dma_start3A_229] : memref<5x64x128xf32, #tpu.memory_space<vmem>> -> memref<1x64x128xf32, #tpu.memory_space<vmem>>
    %dma_start3A_231 = tpu.memref_squeeze %dma_start3A_230 : memref<1x64x128xf32, #tpu.memory_space<vmem>> -> memref<64x128xf32, #tpu.memory_space<vmem>>
    tpu.enqueue_dma source(%dma_start3A_231 : memref<64x128xf32, #tpu.memory_space<vmem>>) target(%dma_start3A_227 : memref<64x128xf32, #tpu.memory_space<vmem_shared>>) target_semaphore(%arg17 : memref<!tpu.dma_semaphore, #tpu.memory_space<semaphore_mem>>)
    %mul3A_232 = arith.constant 640 : i32
    %mul3A_233 = arith.muli %arg1, %mul3A_232 : i32
    %dma_wait3A = arith.constant 4 : i32
    %dma_wait3A_234 = arith.constant 0 : i32
    %dma_wait3A_235 = arith.constant 0 : i32
    %dma_wait3A_236 = tpu.memref_slice %arg12[%dma_wait3A, %dma_wait3A_234, %dma_wait3A_235] : memref<5x64x128xf32, #tpu.memory_space<vmem>> -> memref<1x64x128xf32, #tpu.memory_space<vmem>>
    %dma_wait3A_237 = tpu.memref_squeeze %dma_wait3A_236 : memref<1x64x128xf32, #tpu.memory_space<vmem>> -> memref<64x128xf32, #tpu.memory_space<vmem>>
    %dma_wait3A_238 = arith.constant 0 : i32
    %dma_wait3A_239 = tpu.memref_slice %arg14[%mul3A_233, %dma_wait3A_238] : memref<10240x128xf32, #tpu.memory_space<vmem_shared>> -> memref<64x128xf32, #tpu.memory_space<vmem_shared>>
    %dma_wait3A_240 = arith.constant 0 : i32
    %dma_wait3A_241 = tpu.memref_slice %arg14[%mul3A_233, %dma_wait3A_240] : memref<10240x128xf32, #tpu.memory_space<vmem_shared>> -> memref<64x128xf32, #tpu.memory_space<vmem_shared>>
    %dma_wait3A_242 = arith.constant 0 : i32
    %dma_wait3A_243 = arith.constant 0 : i32
    %dma_wait3A_244 = tpu.memref_slice %arg12[%dma_wait3A, %dma_wait3A_242, %dma_wait3A_243] : memref<5x64x128xf32, #tpu.memory_space<vmem>> -> memref<1x64x128xf32, #tpu.memory_space<vmem>>
    %dma_wait3A_245 = tpu.memref_squeeze %dma_wait3A_244 : memref<1x64x128xf32, #tpu.memory_space<vmem>> -> memref<64x128xf32, #tpu.memory_space<vmem>>
    tpu.wait_dma2 semaphore(%arg17 : memref<!tpu.dma_semaphore, #tpu.memory_space<semaphore_mem>>) src(%dma_wait3A_245 : memref<64x128xf32, #tpu.memory_space<vmem>>) dst(%dma_wait3A_241 : memref<64x128xf32, #tpu.memory_space<vmem_shared>>)
    %mul3A_246 = arith.constant 640 : i32
    %mul3A_247 = arith.muli %arg1, %mul3A_246 : i32
    %dma_wait3A_248 = arith.constant 4 : i32
    %dma_wait3A_249 = arith.constant 0 : i32
    %dma_wait3A_250 = arith.constant 0 : i32
    %dma_wait3A_251 = tpu.memref_slice %arg12[%dma_wait3A_248, %dma_wait3A_249, %dma_wait3A_250] : memref<5x64x128xf32, #tpu.memory_space<vmem>> -> memref<1x64x128xf32, #tpu.memory_space<vmem>>
    %dma_wait3A_252 = tpu.memref_squeeze %dma_wait3A_251 : memref<1x64x128xf32, #tpu.memory_space<vmem>> -> memref<64x128xf32, #tpu.memory_space<vmem>>
    %dma_wait3A_253 = arith.constant 0 : i32
    %dma_wait3A_254 = tpu.memref_slice %arg14[%mul3A_247, %dma_wait3A_253] : memref<10240x128xf32, #tpu.memory_space<vmem_shared>> -> memref<64x128xf32, #tpu.memory_space<vmem_shared>>
    %dma_wait3A_255 = arith.constant 0 : i32
    %dma_wait3A_256 = tpu.memref_slice %arg14[%mul3A_247, %dma_wait3A_255] : memref<10240x128xf32, #tpu.memory_space<vmem_shared>> -> memref<64x128xf32, #tpu.memory_space<vmem_shared>>
    %dma_wait3A_257 = arith.constant 0 : i32
    %dma_wait3A_258 = arith.constant 0 : i32
    %dma_wait3A_259 = tpu.memref_slice %arg12[%dma_wait3A_248, %dma_wait3A_257, %dma_wait3A_258] : memref<5x64x128xf32, #tpu.memory_space<vmem>> -> memref<1x64x128xf32, #tpu.memory_space<vmem>>
    %dma_wait3A_260 = tpu.memref_squeeze %dma_wait3A_259 : memref<1x64x128xf32, #tpu.memory_space<vmem>> -> memref<64x128xf32, #tpu.memory_space<vmem>>
    tpu.wait_dma2 semaphore(%arg17 : memref<!tpu.dma_semaphore, #tpu.memory_space<semaphore_mem>>) src(%dma_wait3A_260 : memref<64x128xf32, #tpu.memory_space<vmem>>) dst(%dma_wait3A_256 : memref<64x128xf32, #tpu.memory_space<vmem_shared>>)
    %mul3A_261 = arith.constant 640 : i32
    %mul3A_262 = arith.muli %arg1, %mul3A_261 : i32
    %dma_wait3A_263 = arith.constant 4 : i32
    %dma_wait3A_264 = arith.constant 0 : i32
    %dma_wait3A_265 = arith.constant 0 : i32
    %dma_wait3A_266 = tpu.memref_slice %arg12[%dma_wait3A_263, %dma_wait3A_264, %dma_wait3A_265] : memref<5x64x128xf32, #tpu.memory_space<vmem>> -> memref<1x64x128xf32, #tpu.memory_space<vmem>>
    %dma_wait3A_267 = tpu.memref_squeeze %dma_wait3A_266 : memref<1x64x128xf32, #tpu.memory_space<vmem>> -> memref<64x128xf32, #tpu.memory_space<vmem>>
    %dma_wait3A_268 = arith.constant 0 : i32
    %dma_wait3A_269 = tpu.memref_slice %arg14[%mul3A_262, %dma_wait3A_268] : memref<10240x128xf32, #tpu.memory_space<vmem_shared>> -> memref<64x128xf32, #tpu.memory_space<vmem_shared>>
    %dma_wait3A_270 = arith.constant 0 : i32
    %dma_wait3A_271 = tpu.memref_slice %arg14[%mul3A_262, %dma_wait3A_270] : memref<10240x128xf32, #tpu.memory_space<vmem_shared>> -> memref<64x128xf32, #tpu.memory_space<vmem_shared>>
    %dma_wait3A_272 = arith.constant 0 : i32
    %dma_wait3A_273 = arith.constant 0 : i32
    %dma_wait3A_274 = tpu.memref_slice %arg12[%dma_wait3A_263, %dma_wait3A_272, %dma_wait3A_273] : memref<5x64x128xf32, #tpu.memory_space<vmem>> -> memref<1x64x128xf32, #tpu.memory_space<vmem>>
    %dma_wait3A_275 = tpu.memref_squeeze %dma_wait3A_274 : memref<1x64x128xf32, #tpu.memory_space<vmem>> -> memref<64x128xf32, #tpu.memory_space<vmem>>
    tpu.wait_dma2 semaphore(%arg17 : memref<!tpu.dma_semaphore, #tpu.memory_space<semaphore_mem>>) src(%dma_wait3A_275 : memref<64x128xf32, #tpu.memory_space<vmem>>) dst(%dma_wait3A_271 : memref<64x128xf32, #tpu.memory_space<vmem_shared>>)
    %mul3A_276 = arith.constant 640 : i32
    %mul3A_277 = arith.muli %arg1, %mul3A_276 : i32
    %dma_wait3A_278 = arith.constant 4 : i32
    %dma_wait3A_279 = arith.constant 0 : i32
    %dma_wait3A_280 = arith.constant 0 : i32
    %dma_wait3A_281 = tpu.memref_slice %arg12[%dma_wait3A_278, %dma_wait3A_279, %dma_wait3A_280] : memref<5x64x128xf32, #tpu.memory_space<vmem>> -> memref<1x64x128xf32, #tpu.memory_space<vmem>>
    %dma_wait3A_282 = tpu.memref_squeeze %dma_wait3A_281 : memref<1x64x128xf32, #tpu.memory_space<vmem>> -> memref<64x128xf32, #tpu.memory_space<vmem>>
    %dma_wait3A_283 = arith.constant 0 : i32
    %dma_wait3A_284 = tpu.memref_slice %arg14[%mul3A_277, %dma_wait3A_283] : memref<10240x128xf32, #tpu.memory_space<vmem_shared>> -> memref<64x128xf32, #tpu.memory_space<vmem_shared>>
    %dma_wait3A_285 = arith.constant 0 : i32
    %dma_wait3A_286 = tpu.memref_slice %arg14[%mul3A_277, %dma_wait3A_285] : memref<10240x128xf32, #tpu.memory_space<vmem_shared>> -> memref<64x128xf32, #tpu.memory_space<vmem_shared>>
    %dma_wait3A_287 = arith.constant 0 : i32
    %dma_wait3A_288 = arith.constant 0 : i32
    %dma_wait3A_289 = tpu.memref_slice %arg12[%dma_wait3A_278, %dma_wait3A_287, %dma_wait3A_288] : memref<5x64x128xf32, #tpu.memory_space<vmem>> -> memref<1x64x128xf32, #tpu.memory_space<vmem>>
    %dma_wait3A_290 = tpu.memref_squeeze %dma_wait3A_289 : memref<1x64x128xf32, #tpu.memory_space<vmem>> -> memref<64x128xf32, #tpu.memory_space<vmem>>
    tpu.wait_dma2 semaphore(%arg17 : memref<!tpu.dma_semaphore, #tpu.memory_space<semaphore_mem>>) src(%dma_wait3A_290 : memref<64x128xf32, #tpu.memory_space<vmem>>) dst(%dma_wait3A_286 : memref<64x128xf32, #tpu.memory_space<vmem_shared>>)
    %mul3A_291 = arith.constant 640 : i32
    %mul3A_292 = arith.muli %arg1, %mul3A_291 : i32
    %dma_wait3A_293 = arith.constant 4 : i32
    %dma_wait3A_294 = arith.constant 0 : i32
    %dma_wait3A_295 = arith.constant 0 : i32
    %dma_wait3A_296 = tpu.memref_slice %arg12[%dma_wait3A_293, %dma_wait3A_294, %dma_wait3A_295] : memref<5x64x128xf32, #tpu.memory_space<vmem>> -> memref<1x64x128xf32, #tpu.memory_space<vmem>>
    %dma_wait3A_297 = tpu.memref_squeeze %dma_wait3A_296 : memref<1x64x128xf32, #tpu.memory_space<vmem>> -> memref<64x128xf32, #tpu.memory_space<vmem>>
    %dma_wait3A_298 = arith.constant 0 : i32
    %dma_wait3A_299 = tpu.memref_slice %arg14[%mul3A_292, %dma_wait3A_298] : memref<10240x128xf32, #tpu.memory_space<vmem_shared>> -> memref<64x128xf32, #tpu.memory_space<vmem_shared>>
    %dma_wait3A_300 = arith.constant 0 : i32
    %dma_wait3A_301 = tpu.memref_slice %arg14[%mul3A_292, %dma_wait3A_300] : memref<10240x128xf32, #tpu.memory_space<vmem_shared>> -> memref<64x128xf32, #tpu.memory_space<vmem_shared>>
    %dma_wait3A_302 = arith.constant 0 : i32
    %dma_wait3A_303 = arith.constant 0 : i32
    %dma_wait3A_304 = tpu.memref_slice %arg12[%dma_wait3A_293, %dma_wait3A_302, %dma_wait3A_303] : memref<5x64x128xf32, #tpu.memory_space<vmem>> -> memref<1x64x128xf32, #tpu.memory_space<vmem>>
    %dma_wait3A_305 = tpu.memref_squeeze %dma_wait3A_304 : memref<1x64x128xf32, #tpu.memory_space<vmem>> -> memref<64x128xf32, #tpu.memory_space<vmem>>
    tpu.wait_dma2 semaphore(%arg17 : memref<!tpu.dma_semaphore, #tpu.memory_space<semaphore_mem>>) src(%dma_wait3A_305 : memref<64x128xf32, #tpu.memory_space<vmem>>) dst(%dma_wait3A_301 : memref<64x128xf32, #tpu.memory_space<vmem_shared>>)
    %mul3A_306 = arith.constant 640 : i32
    %mul3A_307 = arith.muli %arg1, %mul3A_306 : i32
    %dma_wait3A_308 = arith.constant 4 : i32
    %dma_wait3A_309 = arith.constant 0 : i32
    %dma_wait3A_310 = arith.constant 0 : i32
    %dma_wait3A_311 = tpu.memref_slice %arg12[%dma_wait3A_308, %dma_wait3A_309, %dma_wait3A_310] : memref<5x64x128xf32, #tpu.memory_space<vmem>> -> memref<1x64x128xf32, #tpu.memory_space<vmem>>
    %dma_wait3A_312 = tpu.memref_squeeze %dma_wait3A_311 : memref<1x64x128xf32, #tpu.memory_space<vmem>> -> memref<64x128xf32, #tpu.memory_space<vmem>>
    %dma_wait3A_313 = arith.constant 0 : i32
    %dma_wait3A_314 = tpu.memref_slice %arg14[%mul3A_307, %dma_wait3A_313] : memref<10240x128xf32, #tpu.memory_space<vmem_shared>> -> memref<64x128xf32, #tpu.memory_space<vmem_shared>>
    %dma_wait3A_315 = arith.constant 0 : i32
    %dma_wait3A_316 = tpu.memref_slice %arg14[%mul3A_307, %dma_wait3A_315] : memref<10240x128xf32, #tpu.memory_space<vmem_shared>> -> memref<64x128xf32, #tpu.memory_space<vmem_shared>>
    %dma_wait3A_317 = arith.constant 0 : i32
    %dma_wait3A_318 = arith.constant 0 : i32
    %dma_wait3A_319 = tpu.memref_slice %arg12[%dma_wait3A_308, %dma_wait3A_317, %dma_wait3A_318] : memref<5x64x128xf32, #tpu.memory_space<vmem>> -> memref<1x64x128xf32, #tpu.memory_space<vmem>>
    %dma_wait3A_320 = tpu.memref_squeeze %dma_wait3A_319 : memref<1x64x128xf32, #tpu.memory_space<vmem>> -> memref<64x128xf32, #tpu.memory_space<vmem>>
    tpu.wait_dma2 semaphore(%arg17 : memref<!tpu.dma_semaphore, #tpu.memory_space<semaphore_mem>>) src(%dma_wait3A_320 : memref<64x128xf32, #tpu.memory_space<vmem>>) dst(%dma_wait3A_316 : memref<64x128xf32, #tpu.memory_space<vmem_shared>>)
    %mul3A_321 = arith.constant 640 : i32
    %mul3A_322 = arith.muli %arg1, %mul3A_321 : i32
    %dma_wait3A_323 = arith.constant 4 : i32
    %dma_wait3A_324 = arith.constant 0 : i32
    %dma_wait3A_325 = arith.constant 0 : i32
    %dma_wait3A_326 = tpu.memref_slice %arg12[%dma_wait3A_323, %dma_wait3A_324, %dma_wait3A_325] : memref<5x64x128xf32, #tpu.memory_space<vmem>> -> memref<1x64x128xf32, #tpu.memory_space<vmem>>
    %dma_wait3A_327 = tpu.memref_squeeze %dma_wait3A_326 : memref<1x64x128xf32, #tpu.memory_space<vmem>> -> memref<64x128xf32, #tpu.memory_space<vmem>>
    %dma_wait3A_328 = arith.constant 0 : i32
    %dma_wait3A_329 = tpu.memref_slice %arg14[%mul3A_322, %dma_wait3A_328] : memref<10240x128xf32, #tpu.memory_space<vmem_shared>> -> memref<64x128xf32, #tpu.memory_space<vmem_shared>>
    %dma_wait3A_330 = arith.constant 0 : i32
    %dma_wait3A_331 = tpu.memref_slice %arg14[%mul3A_322, %dma_wait3A_330] : memref<10240x128xf32, #tpu.memory_space<vmem_shared>> -> memref<64x128xf32, #tpu.memory_space<vmem_shared>>
    %dma_wait3A_332 = arith.constant 0 : i32
    %dma_wait3A_333 = arith.constant 0 : i32
    %dma_wait3A_334 = tpu.memref_slice %arg12[%dma_wait3A_323, %dma_wait3A_332, %dma_wait3A_333] : memref<5x64x128xf32, #tpu.memory_space<vmem>> -> memref<1x64x128xf32, #tpu.memory_space<vmem>>
    %dma_wait3A_335 = tpu.memref_squeeze %dma_wait3A_334 : memref<1x64x128xf32, #tpu.memory_space<vmem>> -> memref<64x128xf32, #tpu.memory_space<vmem>>
    tpu.wait_dma2 semaphore(%arg17 : memref<!tpu.dma_semaphore, #tpu.memory_space<semaphore_mem>>) src(%dma_wait3A_335 : memref<64x128xf32, #tpu.memory_space<vmem>>) dst(%dma_wait3A_331 : memref<64x128xf32, #tpu.memory_space<vmem_shared>>)
    %mul3A_336 = arith.constant 640 : i32
    %mul3A_337 = arith.muli %arg1, %mul3A_336 : i32
    %dma_wait3A_338 = arith.constant 4 : i32
    %dma_wait3A_339 = arith.constant 0 : i32
    %dma_wait3A_340 = arith.constant 0 : i32
    %dma_wait3A_341 = tpu.memref_slice %arg12[%dma_wait3A_338, %dma_wait3A_339, %dma_wait3A_340] : memref<5x64x128xf32, #tpu.memory_space<vmem>> -> memref<1x64x128xf32, #tpu.memory_space<vmem>>
    %dma_wait3A_342 = tpu.memref_squeeze %dma_wait3A_341 : memref<1x64x128xf32, #tpu.memory_space<vmem>> -> memref<64x128xf32, #tpu.memory_space<vmem>>
    %dma_wait3A_343 = arith.constant 0 : i32
    %dma_wait3A_344 = tpu.memref_slice %arg14[%mul3A_337, %dma_wait3A_343] : memref<10240x128xf32, #tpu.memory_space<vmem_shared>> -> memref<64x128xf32, #tpu.memory_space<vmem_shared>>
    %dma_wait3A_345 = arith.constant 0 : i32
    %dma_wait3A_346 = tpu.memref_slice %arg14[%mul3A_337, %dma_wait3A_345] : memref<10240x128xf32, #tpu.memory_space<vmem_shared>> -> memref<64x128xf32, #tpu.memory_space<vmem_shared>>
    %dma_wait3A_347 = arith.constant 0 : i32
    %dma_wait3A_348 = arith.constant 0 : i32
    %dma_wait3A_349 = tpu.memref_slice %arg12[%dma_wait3A_338, %dma_wait3A_347, %dma_wait3A_348] : memref<5x64x128xf32, #tpu.memory_space<vmem>> -> memref<1x64x128xf32, #tpu.memory_space<vmem>>
    %dma_wait3A_350 = tpu.memref_squeeze %dma_wait3A_349 : memref<1x64x128xf32, #tpu.memory_space<vmem>> -> memref<64x128xf32, #tpu.memory_space<vmem>>
    tpu.wait_dma2 semaphore(%arg17 : memref<!tpu.dma_semaphore, #tpu.memory_space<semaphore_mem>>) src(%dma_wait3A_350 : memref<64x128xf32, #tpu.memory_space<vmem>>) dst(%dma_wait3A_346 : memref<64x128xf32, #tpu.memory_space<vmem_shared>>)
    %mul3A_351 = arith.constant 640 : i32
    %mul3A_352 = arith.muli %arg1, %mul3A_351 : i32
    %dma_wait3A_353 = arith.constant 4 : i32
    %dma_wait3A_354 = arith.constant 0 : i32
    %dma_wait3A_355 = arith.constant 0 : i32
    %dma_wait3A_356 = tpu.memref_slice %arg12[%dma_wait3A_353, %dma_wait3A_354, %dma_wait3A_355] : memref<5x64x128xf32, #tpu.memory_space<vmem>> -> memref<1x64x128xf32, #tpu.memory_space<vmem>>
    %dma_wait3A_357 = tpu.memref_squeeze %dma_wait3A_356 : memref<1x64x128xf32, #tpu.memory_space<vmem>> -> memref<64x128xf32, #tpu.memory_space<vmem>>
    %dma_wait3A_358 = arith.constant 0 : i32
    %dma_wait3A_359 = tpu.memref_slice %arg14[%mul3A_352, %dma_wait3A_358] : memref<10240x128xf32, #tpu.memory_space<vmem_shared>> -> memref<64x128xf32, #tpu.memory_space<vmem_shared>>
    %dma_wait3A_360 = arith.constant 0 : i32
    %dma_wait3A_361 = tpu.memref_slice %arg14[%mul3A_352, %dma_wait3A_360] : memref<10240x128xf32, #tpu.memory_space<vmem_shared>> -> memref<64x128xf32, #tpu.memory_space<vmem_shared>>
    %dma_wait3A_362 = arith.constant 0 : i32
    %dma_wait3A_363 = arith.constant 0 : i32
    %dma_wait3A_364 = tpu.memref_slice %arg12[%dma_wait3A_353, %dma_wait3A_362, %dma_wait3A_363] : memref<5x64x128xf32, #tpu.memory_space<vmem>> -> memref<1x64x128xf32, #tpu.memory_space<vmem>>
    %dma_wait3A_365 = tpu.memref_squeeze %dma_wait3A_364 : memref<1x64x128xf32, #tpu.memory_space<vmem>> -> memref<64x128xf32, #tpu.memory_space<vmem>>
    tpu.wait_dma2 semaphore(%arg17 : memref<!tpu.dma_semaphore, #tpu.memory_space<semaphore_mem>>) src(%dma_wait3A_365 : memref<64x128xf32, #tpu.memory_space<vmem>>) dst(%dma_wait3A_361 : memref<64x128xf32, #tpu.memory_space<vmem_shared>>)
    %mul3A_366 = arith.constant 640 : i32
    %mul3A_367 = arith.muli %arg1, %mul3A_366 : i32
    %dma_wait3A_368 = arith.constant 4 : i32
    %dma_wait3A_369 = arith.constant 0 : i32
    %dma_wait3A_370 = arith.constant 0 : i32
    %dma_wait3A_371 = tpu.memref_slice %arg12[%dma_wait3A_368, %dma_wait3A_369, %dma_wait3A_370] : memref<5x64x128xf32, #tpu.memory_space<vmem>> -> memref<1x64x128xf32, #tpu.memory_space<vmem>>
    %dma_wait3A_372 = tpu.memref_squeeze %dma_wait3A_371 : memref<1x64x128xf32, #tpu.memory_space<vmem>> -> memref<64x128xf32, #tpu.memory_space<vmem>>
    %dma_wait3A_373 = arith.constant 0 : i32
    %dma_wait3A_374 = tpu.memref_slice %arg14[%mul3A_367, %dma_wait3A_373] : memref<10240x128xf32, #tpu.memory_space<vmem_shared>> -> memref<64x128xf32, #tpu.memory_space<vmem_shared>>
    %dma_wait3A_375 = arith.constant 0 : i32
    %dma_wait3A_376 = tpu.memref_slice %arg14[%mul3A_367, %dma_wait3A_375] : memref<10240x128xf32, #tpu.memory_space<vmem_shared>> -> memref<64x128xf32, #tpu.memory_space<vmem_shared>>
    %dma_wait3A_377 = arith.constant 0 : i32
    %dma_wait3A_378 = arith.constant 0 : i32
    %dma_wait3A_379 = tpu.memref_slice %arg12[%dma_wait3A_368, %dma_wait3A_377, %dma_wait3A_378] : memref<5x64x128xf32, #tpu.memory_space<vmem>> -> memref<1x64x128xf32, #tpu.memory_space<vmem>>
    %dma_wait3A_380 = tpu.memref_squeeze %dma_wait3A_379 : memref<1x64x128xf32, #tpu.memory_space<vmem>> -> memref<64x128xf32, #tpu.memory_space<vmem>>
    tpu.wait_dma2 semaphore(%arg17 : memref<!tpu.dma_semaphore, #tpu.memory_space<semaphore_mem>>) src(%dma_wait3A_380 : memref<64x128xf32, #tpu.memory_space<vmem>>) dst(%dma_wait3A_376 : memref<64x128xf32, #tpu.memory_space<vmem_shared>>)
    %barrier3A = arith.constant 0 : index
    tpu.barrier barrier_id(%barrier3A)
    %scan3A_381 = arith.constant 0 : i32
    %scan3A_382 = arith.constant 20 : i32
    %scan3A_383 = arith.addi %scan3A_381, %scan3A_382 : i32
    %scan3A_384 = arith.constant 1 : i32
    scf.for %scan3A_578 = %scan3A_381 to %scan3A_383 step %scan3A_384  : i32 {
      %mul3A_579 = arith.constant 1 : i32
      %mul3A_580 = arith.muli %scan3A_578, %mul3A_579 : i32
      %add3A_581 = arith.constant 0 : i32
      %add3A_582 = arith.addi %add3A_581, %mul3A_580 : i32
      %rem3A = arith.constant 2 : i32
      %rem3A_583 = arith.remsi %add3A_582, %rem3A : i32
      %add3A_584 = arith.constant 1 : i32
      %add3A_585 = arith.addi %add3A_582, %add3A_584 : i32
      %rem3A_586 = arith.constant 2 : i32
      %rem3A_587 = arith.remsi %add3A_585, %rem3A_586 : i32
      %mul3A_588 = arith.constant 8 : i32
      %mul3A_589 = arith.muli %add3A_582, %mul3A_588 : i32
      %add3A_590 = arith.constant 0 : i32
      %add3A_591 = arith.addi %mul3A_589, %add3A_590 : i32
      %rem3A_592 = arith.constant 5 : i32
      %rem3A_593 = arith.remsi %add3A_591, %rem3A_592 : i32
      %dma_wait3A_594 = arith.constant 0 : i32
      %dma_wait3A_595 = arith.constant 0 : i32
      %dma_wait3A_596 = arith.constant 0 : i32
      %dma_wait3A_597 = tpu.memref_slice %arg12[%rem3A_593, %dma_wait3A_595, %dma_wait3A_596] : memref<5x64x128xf32, #tpu.memory_space<vmem>> -> memref<1x64x128xf32, #tpu.memory_space<vmem>>
      %dma_wait3A_598 = tpu.memref_squeeze %dma_wait3A_597 : memref<1x64x128xf32, #tpu.memory_space<vmem>> -> memref<64x128xf32, #tpu.memory_space<vmem>>
      %dma_wait3A_599 = arith.constant 0 : i32
      %dma_wait3A_600 = tpu.memref_slice %arg9[%rem3A_583, %dma_wait3A_594, %dma_wait3A_599] : memref<2x8x64xi32, #tpu.memory_space<vmem>> -> memref<1x1x64xi32, #tpu.memory_space<vmem>>
      %dma_wait3A_601 = tpu.memref_squeeze %dma_wait3A_600 : memref<1x1x64xi32, #tpu.memory_space<vmem>> -> memref<64xi32, #tpu.memory_space<vmem>>
      %dma_wait3A_602 = arith.constant 0 : i32
      %dma_wait3A_603 = arith.constant 0 : i32
      %dma_wait3A_604 = tpu.memref_slice %arg2[%dma_wait3A_602, %dma_wait3A_603] : memref<10240x128xf32, #tpu.memory_space<hbm>> -> memref<10240x128xf32, #tpu.memory_space<hbm>>
      tpu.wait_indirect_dma semaphore(%arg15 : memref<!tpu.dma_semaphore, #tpu.memory_space<semaphore_mem>>) src(%dma_wait3A_604 : memref<10240x128xf32, #tpu.memory_space<hbm>>) dst(%dma_wait3A_598 : memref<64x128xf32, #tpu.memory_space<vmem>>)
      %add3A_605 = arith.constant 0 : i32
      %add3A_606 = arith.addi %mul3A_589, %add3A_605 : i32
      %rem3A_607 = arith.constant 5 : i32
      %rem3A_608 = arith.remsi %add3A_606, %rem3A_607 : i32
      %dma_start3A_609 = arith.constant 0 : i32
      %dma_start3A_610 = arith.constant 0 : i32
      %dma_start3A_611 = arith.constant 0 : i32
      %dma_start3A_612 = tpu.memref_slice %arg12[%rem3A_608, %dma_start3A_610, %dma_start3A_611] : memref<5x64x128xf32, #tpu.memory_space<vmem>> -> memref<1x64x128xf32, #tpu.memory_space<vmem>>
      %dma_start3A_613 = tpu.memref_squeeze %dma_start3A_612 : memref<1x64x128xf32, #tpu.memory_space<vmem>> -> memref<64x128xf32, #tpu.memory_space<vmem>>
      %dma_start3A_614 = arith.constant 0 : i32
      %dma_start3A_615 = tpu.memref_slice %arg10[%rem3A_583, %dma_start3A_609, %dma_start3A_614] : memref<2x8x64xi32, #tpu.memory_space<vmem>> -> memref<1x1x64xi32, #tpu.memory_space<vmem>>
      %dma_start3A_616 = tpu.memref_squeeze %dma_start3A_615 : memref<1x1x64xi32, #tpu.memory_space<vmem>> -> memref<64xi32, #tpu.memory_space<vmem>>
      %dma_start3A_617 = arith.constant 0 : i32
      %dma_start3A_618 = arith.constant 0 : i32
      %dma_start3A_619 = tpu.memref_slice %arg14[%dma_start3A_617, %dma_start3A_618] : memref<10240x128xf32, #tpu.memory_space<vmem_shared>> -> memref<10240x128xf32, #tpu.memory_space<vmem_shared>>
      tpu.enqueue_indirect_dma source(%dma_start3A_613 : memref<64x128xf32, #tpu.memory_space<vmem>>) target(%dma_start3A_619 : memref<10240x128xf32, #tpu.memory_space<vmem_shared>>) offsets(%dma_start3A_616 : memref<64xi32, #tpu.memory_space<vmem>>) semaphore(%arg16 : memref<!tpu.dma_semaphore, #tpu.memory_space<semaphore_mem>>) {add = true}
      %ge3A = arith.constant 1 : i32
      %ge3A_620 = arith.cmpi sge, %add3A_582, %ge3A : i32
      %convert_element_type3A_621 = arith.extui %ge3A_620 : i1 to i32
      %cond3A_622 = arith.constant 0 : i32
      %cond3A_623 = arith.cmpi ne, %convert_element_type3A_621, %cond3A_622 : i32
      scf.if %cond3A_623 {
        %add3A_1040 = arith.constant -1 : i32
        %add3A_1041 = arith.addi %mul3A_589, %add3A_1040 : i32
        %rem3A_1042 = arith.constant 5 : i32
        %rem3A_1043 = arith.remsi %add3A_1041, %rem3A_1042 : i32
        %dma_wait3A_1044 = arith.constant 7 : i32
        %dma_wait3A_1045 = arith.constant 0 : i32
        %dma_wait3A_1046 = arith.constant 0 : i32
        %dma_wait3A_1047 = tpu.memref_slice %arg12[%rem3A_1043, %dma_wait3A_1045, %dma_wait3A_1046] : memref<5x64x128xf32, #tpu.memory_space<vmem>> -> memref<1x64x128xf32, #tpu.memory_space<vmem>>
        %dma_wait3A_1048 = tpu.memref_squeeze %dma_wait3A_1047 : memref<1x64x128xf32, #tpu.memory_space<vmem>> -> memref<64x128xf32, #tpu.memory_space<vmem>>
        %dma_wait3A_1049 = arith.constant 0 : i32
        %dma_wait3A_1050 = tpu.memref_slice %arg10[%rem3A_587, %dma_wait3A_1044, %dma_wait3A_1049] : memref<2x8x64xi32, #tpu.memory_space<vmem>> -> memref<1x1x64xi32, #tpu.memory_space<vmem>>
        %dma_wait3A_1051 = tpu.memref_squeeze %dma_wait3A_1050 : memref<1x1x64xi32, #tpu.memory_space<vmem>> -> memref<64xi32, #tpu.memory_space<vmem>>
        %dma_wait3A_1052 = arith.constant 0 : i32
        %dma_wait3A_1053 = arith.constant 0 : i32
        %dma_wait3A_1054 = tpu.memref_slice %arg14[%dma_wait3A_1052, %dma_wait3A_1053] : memref<10240x128xf32, #tpu.memory_space<vmem_shared>> -> memref<10240x128xf32, #tpu.memory_space<vmem_shared>>
        tpu.wait_indirect_dma semaphore(%arg16 : memref<!tpu.dma_semaphore, #tpu.memory_space<semaphore_mem>>) src(%dma_wait3A_1048 : memref<64x128xf32, #tpu.memory_space<vmem>>) dst(%dma_wait3A_1054 : memref<10240x128xf32, #tpu.memory_space<vmem_shared>>)
      } else {
      }
      %add3A_624 = arith.constant 1 : i32
      %add3A_625 = arith.addi %add3A_582, %add3A_624 : i32
      %lt3A = arith.constant 20 : i32
      %lt3A_626 = arith.cmpi slt, %add3A_625, %lt3A : i32
      %convert_element_type3A_627 = arith.extui %lt3A_626 : i1 to i32
      %cond3A_628 = arith.constant 0 : i32
      %cond3A_629 = arith.cmpi ne, %convert_element_type3A_627, %cond3A_628 : i32
      scf.if %cond3A_629 {
        %add3A_1040 = arith.constant 1 : i32
        %add3A_1041 = arith.addi %add3A_582, %add3A_1040 : i32
        %dma_start3A_1042 = arith.constant 0 : i32
        %dma_start3A_1043 = arith.constant 0 : i32
        %dma_start3A_1044 = arith.constant 0 : i32
        %dma_start3A_1045 = tpu.memref_slice %arg9[%rem3A_587, %dma_start3A_1043, %dma_start3A_1044] : memref<2x8x64xi32, #tpu.memory_space<vmem>> -> memref<1x8x64xi32, #tpu.memory_space<vmem>>
        %dma_start3A_1046 = tpu.memref_squeeze %dma_start3A_1045 : memref<1x8x64xi32, #tpu.memory_space<vmem>> -> memref<8x64xi32, #tpu.memory_space<vmem>>
        %dma_start3A_1047 = arith.constant 0 : i32
        %dma_start3A_1048 = arith.constant 0 : i32
        %dma_start3A_1049 = tpu.memref_slice %arg3[%dma_start3A_1042, %add3A, %add3A_1041, %dma_start3A_1047, %dma_start3A_1048] : memref<2x32x20x8x64xi32, #tpu.memory_space<hbm>> -> memref<1x1x1x8x64xi32, #tpu.memory_space<hbm>>
        %dma_start3A_1050 = tpu.memref_squeeze %dma_start3A_1049 : memref<1x1x1x8x64xi32, #tpu.memory_space<hbm>> -> memref<8x64xi32, #tpu.memory_space<hbm>>
        %dma_start3A_1051 = arith.constant 0 : i32
        %dma_start3A_1052 = arith.constant 0 : i32
        %dma_start3A_1053 = tpu.memref_slice %arg9[%rem3A_587, %dma_start3A_1051, %dma_start3A_1052] : memref<2x8x64xi32, #tpu.memory_space<vmem>> -> memref<1x8x64xi32, #tpu.memory_space<vmem>>
        %dma_start3A_1054 = tpu.memref_squeeze %dma_start3A_1053 : memref<1x8x64xi32, #tpu.memory_space<vmem>> -> memref<8x64xi32, #tpu.memory_space<vmem>>
        %dma_start3A_1055 = arith.constant 0 : i32
        %dma_start3A_1056 = arith.constant 0 : i32
        %dma_start3A_1057 = tpu.memref_slice %arg3[%dma_start3A_1042, %add3A, %add3A_1041, %dma_start3A_1055, %dma_start3A_1056] : memref<2x32x20x8x64xi32, #tpu.memory_space<hbm>> -> memref<1x1x1x8x64xi32, #tpu.memory_space<hbm>>
        %dma_start3A_1058 = tpu.memref_squeeze %dma_start3A_1057 : memref<1x1x1x8x64xi32, #tpu.memory_space<hbm>> -> memref<8x64xi32, #tpu.memory_space<hbm>>
        tpu.enqueue_dma source(%dma_start3A_1058 : memref<8x64xi32, #tpu.memory_space<hbm>>) target(%dma_start3A_1054 : memref<8x64xi32, #tpu.memory_space<vmem>>) target_semaphore(%arg17 : memref<!tpu.dma_semaphore, #tpu.memory_space<semaphore_mem>>)
        %add3A_1059 = arith.constant 1 : i32
        %add3A_1060 = arith.addi %add3A_582, %add3A_1059 : i32
        %dma_start3A_1061 = arith.constant 1 : i32
        %dma_start3A_1062 = arith.constant 0 : i32
        %dma_start3A_1063 = arith.constant 0 : i32
        %dma_start3A_1064 = tpu.memref_slice %arg10[%rem3A_587, %dma_start3A_1062, %dma_start3A_1063] : memref<2x8x64xi32, #tpu.memory_space<vmem>> -> memref<1x8x64xi32, #tpu.memory_space<vmem>>
        %dma_start3A_1065 = tpu.memref_squeeze %dma_start3A_1064 : memref<1x8x64xi32, #tpu.memory_space<vmem>> -> memref<8x64xi32, #tpu.memory_space<vmem>>
        %dma_start3A_1066 = arith.constant 0 : i32
        %dma_start3A_1067 = arith.constant 0 : i32
        %dma_start3A_1068 = tpu.memref_slice %arg3[%dma_start3A_1061, %add3A, %add3A_1060, %dma_start3A_1066, %dma_start3A_1067] : memref<2x32x20x8x64xi32, #tpu.memory_space<hbm>> -> memref<1x1x1x8x64xi32, #tpu.memory_space<hbm>>
        %dma_start3A_1069 = tpu.memref_squeeze %dma_start3A_1068 : memref<1x1x1x8x64xi32, #tpu.memory_space<hbm>> -> memref<8x64xi32, #tpu.memory_space<hbm>>
        %dma_start3A_1070 = arith.constant 0 : i32
        %dma_start3A_1071 = arith.constant 0 : i32
        %dma_start3A_1072 = tpu.memref_slice %arg10[%rem3A_587, %dma_start3A_1070, %dma_start3A_1071] : memref<2x8x64xi32, #tpu.memory_space<vmem>> -> memref<1x8x64xi32, #tpu.memory_space<vmem>>
        %dma_start3A_1073 = tpu.memref_squeeze %dma_start3A_1072 : memref<1x8x64xi32, #tpu.memory_space<vmem>> -> memref<8x64xi32, #tpu.memory_space<vmem>>
        %dma_start3A_1074 = arith.constant 0 : i32
        %dma_start3A_1075 = arith.constant 0 : i32
        %dma_start3A_1076 = tpu.memref_slice %arg3[%dma_start3A_1061, %add3A, %add3A_1060, %dma_start3A_1074, %dma_start3A_1075] : memref<2x32x20x8x64xi32, #tpu.memory_space<hbm>> -> memref<1x1x1x8x64xi32, #tpu.memory_space<hbm>>
        %dma_start3A_1077 = tpu.memref_squeeze %dma_start3A_1076 : memref<1x1x1x8x64xi32, #tpu.memory_space<hbm>> -> memref<8x64xi32, #tpu.memory_space<hbm>>
        tpu.enqueue_dma source(%dma_start3A_1077 : memref<8x64xi32, #tpu.memory_space<hbm>>) target(%dma_start3A_1073 : memref<8x64xi32, #tpu.memory_space<vmem>>) target_semaphore(%arg17 : memref<!tpu.dma_semaphore, #tpu.memory_space<semaphore_mem>>)
      } else {
      }
      %add3A_630 = arith.constant 4 : i32
      %add3A_631 = arith.addi %mul3A_589, %add3A_630 : i32
      %rem3A_632 = arith.constant 5 : i32
      %rem3A_633 = arith.remsi %add3A_631, %rem3A_632 : i32
      %dma_start3A_634 = arith.constant 4 : i32
      %dma_start3A_635 = arith.constant 0 : i32
      %dma_start3A_636 = arith.constant 0 : i32
      %dma_start3A_637 = tpu.memref_slice %arg12[%rem3A_633, %dma_start3A_635, %dma_start3A_636] : memref<5x64x128xf32, #tpu.memory_space<vmem>> -> memref<1x64x128xf32, #tpu.memory_space<vmem>>
      %dma_start3A_638 = tpu.memref_squeeze %dma_start3A_637 : memref<1x64x128xf32, #tpu.memory_space<vmem>> -> memref<64x128xf32, #tpu.memory_space<vmem>>
      %dma_start3A_639 = arith.constant 0 : i32
      %dma_start3A_640 = tpu.memref_slice %arg9[%rem3A_583, %dma_start3A_634, %dma_start3A_639] : memref<2x8x64xi32, #tpu.memory_space<vmem>> -> memref<1x1x64xi32, #tpu.memory_space<vmem>>
      %dma_start3A_641 = tpu.memref_squeeze %dma_start3A_640 : memref<1x1x64xi32, #tpu.memory_space<vmem>> -> memref<64xi32, #tpu.memory_space<vmem>>
      %dma_start3A_642 = arith.constant 0 : i32
      %dma_start3A_643 = arith.constant 0 : i32
      %dma_start3A_644 = tpu.memref_slice %arg2[%dma_start3A_642, %dma_start3A_643] : memref<10240x128xf32, #tpu.memory_space<hbm>> -> memref<10240x128xf32, #tpu.memory_space<hbm>>
      tpu.enqueue_indirect_dma source(%dma_start3A_644 : memref<10240x128xf32, #tpu.memory_space<hbm>>) target(%dma_start3A_638 : memref<64x128xf32, #tpu.memory_space<vmem>>) offsets(%dma_start3A_641 : memref<64xi32, #tpu.memory_space<vmem>>) semaphore(%arg15 : memref<!tpu.dma_semaphore, #tpu.memory_space<semaphore_mem>>)
      %add3A_645 = arith.constant 1 : i32
      %add3A_646 = arith.addi %mul3A_589, %add3A_645 : i32
      %rem3A_647 = arith.constant 5 : i32
      %rem3A_648 = arith.remsi %add3A_646, %rem3A_647 : i32
      %dma_wait3A_649 = arith.constant 1 : i32
      %dma_wait3A_650 = arith.constant 0 : i32
      %dma_wait3A_651 = arith.constant 0 : i32
      %dma_wait3A_652 = tpu.memref_slice %arg12[%rem3A_648, %dma_wait3A_650, %dma_wait3A_651] : memref<5x64x128xf32, #tpu.memory_space<vmem>> -> memref<1x64x128xf32, #tpu.memory_space<vmem>>
      %dma_wait3A_653 = tpu.memref_squeeze %dma_wait3A_652 : memref<1x64x128xf32, #tpu.memory_space<vmem>> -> memref<64x128xf32, #tpu.memory_space<vmem>>
      %dma_wait3A_654 = arith.constant 0 : i32
      %dma_wait3A_655 = tpu.memref_slice %arg9[%rem3A_583, %dma_wait3A_649, %dma_wait3A_654] : memref<2x8x64xi32, #tpu.memory_space<vmem>> -> memref<1x1x64xi32, #tpu.memory_space<vmem>>
      %dma_wait3A_656 = tpu.memref_squeeze %dma_wait3A_655 : memref<1x1x64xi32, #tpu.memory_space<vmem>> -> memref<64xi32, #tpu.memory_space<vmem>>
      %dma_wait3A_657 = arith.constant 0 : i32
      %dma_wait3A_658 = arith.constant 0 : i32
      %dma_wait3A_659 = tpu.memref_slice %arg2[%dma_wait3A_657, %dma_wait3A_658] : memref<10240x128xf32, #tpu.memory_space<hbm>> -> memref<10240x128xf32, #tpu.memory_space<hbm>>
      tpu.wait_indirect_dma semaphore(%arg15 : memref<!tpu.dma_semaphore, #tpu.memory_space<semaphore_mem>>) src(%dma_wait3A_659 : memref<10240x128xf32, #tpu.memory_space<hbm>>) dst(%dma_wait3A_653 : memref<64x128xf32, #tpu.memory_space<vmem>>)
      %add3A_660 = arith.constant 1 : i32
      %add3A_661 = arith.addi %mul3A_589, %add3A_660 : i32
      %rem3A_662 = arith.constant 5 : i32
      %rem3A_663 = arith.remsi %add3A_661, %rem3A_662 : i32
      %dma_start3A_664 = arith.constant 1 : i32
      %dma_start3A_665 = arith.constant 0 : i32
      %dma_start3A_666 = arith.constant 0 : i32
      %dma_start3A_667 = tpu.memref_slice %arg12[%rem3A_663, %dma_start3A_665, %dma_start3A_666] : memref<5x64x128xf32, #tpu.memory_space<vmem>> -> memref<1x64x128xf32, #tpu.memory_space<vmem>>
      %dma_start3A_668 = tpu.memref_squeeze %dma_start3A_667 : memref<1x64x128xf32, #tpu.memory_space<vmem>> -> memref<64x128xf32, #tpu.memory_space<vmem>>
      %dma_start3A_669 = arith.constant 0 : i32
      %dma_start3A_670 = tpu.memref_slice %arg10[%rem3A_583, %dma_start3A_664, %dma_start3A_669] : memref<2x8x64xi32, #tpu.memory_space<vmem>> -> memref<1x1x64xi32, #tpu.memory_space<vmem>>
      %dma_start3A_671 = tpu.memref_squeeze %dma_start3A_670 : memref<1x1x64xi32, #tpu.memory_space<vmem>> -> memref<64xi32, #tpu.memory_space<vmem>>
      %dma_start3A_672 = arith.constant 0 : i32
      %dma_start3A_673 = arith.constant 0 : i32
      %dma_start3A_674 = tpu.memref_slice %arg14[%dma_start3A_672, %dma_start3A_673] : memref<10240x128xf32, #tpu.memory_space<vmem_shared>> -> memref<10240x128xf32, #tpu.memory_space<vmem_shared>>
      tpu.enqueue_indirect_dma source(%dma_start3A_668 : memref<64x128xf32, #tpu.memory_space<vmem>>) target(%dma_start3A_674 : memref<10240x128xf32, #tpu.memory_space<vmem_shared>>) offsets(%dma_start3A_671 : memref<64xi32, #tpu.memory_space<vmem>>) semaphore(%arg16 : memref<!tpu.dma_semaphore, #tpu.memory_space<semaphore_mem>>) {add = true}
      %add3A_675 = arith.constant 0 : i32
      %add3A_676 = arith.addi %mul3A_589, %add3A_675 : i32
      %rem3A_677 = arith.constant 5 : i32
      %rem3A_678 = arith.remsi %add3A_676, %rem3A_677 : i32
      %dma_wait3A_679 = arith.constant 0 : i32
      %dma_wait3A_680 = arith.constant 0 : i32
      %dma_wait3A_681 = arith.constant 0 : i32
      %dma_wait3A_682 = tpu.memref_slice %arg12[%rem3A_678, %dma_wait3A_680, %dma_wait3A_681] : memref<5x64x128xf32, #tpu.memory_space<vmem>> -> memref<1x64x128xf32, #tpu.memory_space<vmem>>
      %dma_wait3A_683 = tpu.memref_squeeze %dma_wait3A_682 : memref<1x64x128xf32, #tpu.memory_space<vmem>> -> memref<64x128xf32, #tpu.memory_space<vmem>>
      %dma_wait3A_684 = arith.constant 0 : i32
      %dma_wait3A_685 = tpu.memref_slice %arg10[%rem3A_583, %dma_wait3A_679, %dma_wait3A_684] : memref<2x8x64xi32, #tpu.memory_space<vmem>> -> memref<1x1x64xi32, #tpu.memory_space<vmem>>
      %dma_wait3A_686 = tpu.memref_squeeze %dma_wait3A_685 : memref<1x1x64xi32, #tpu.memory_space<vmem>> -> memref<64xi32, #tpu.memory_space<vmem>>
      %dma_wait3A_687 = arith.constant 0 : i32
      %dma_wait3A_688 = arith.constant 0 : i32
      %dma_wait3A_689 = tpu.memref_slice %arg14[%dma_wait3A_687, %dma_wait3A_688] : memref<10240x128xf32, #tpu.memory_space<vmem_shared>> -> memref<10240x128xf32, #tpu.memory_space<vmem_shared>>
      tpu.wait_indirect_dma semaphore(%arg16 : memref<!tpu.dma_semaphore, #tpu.memory_space<semaphore_mem>>) src(%dma_wait3A_683 : memref<64x128xf32, #tpu.memory_space<vmem>>) dst(%dma_wait3A_689 : memref<10240x128xf32, #tpu.memory_space<vmem_shared>>)
      %add3A_690 = arith.constant 5 : i32
      %add3A_691 = arith.addi %mul3A_589, %add3A_690 : i32
      %rem3A_692 = arith.constant 5 : i32
      %rem3A_693 = arith.remsi %add3A_691, %rem3A_692 : i32
      %dma_start3A_694 = arith.constant 5 : i32
      %dma_start3A_695 = arith.constant 0 : i32
      %dma_start3A_696 = arith.constant 0 : i32
      %dma_start3A_697 = tpu.memref_slice %arg12[%rem3A_693, %dma_start3A_695, %dma_start3A_696] : memref<5x64x128xf32, #tpu.memory_space<vmem>> -> memref<1x64x128xf32, #tpu.memory_space<vmem>>
      %dma_start3A_698 = tpu.memref_squeeze %dma_start3A_697 : memref<1x64x128xf32, #tpu.memory_space<vmem>> -> memref<64x128xf32, #tpu.memory_space<vmem>>
      %dma_start3A_699 = arith.constant 0 : i32
      %dma_start3A_700 = tpu.memref_slice %arg9[%rem3A_583, %dma_start3A_694, %dma_start3A_699] : memref<2x8x64xi32, #tpu.memory_space<vmem>> -> memref<1x1x64xi32, #tpu.memory_space<vmem>>
      %dma_start3A_701 = tpu.memref_squeeze %dma_start3A_700 : memref<1x1x64xi32, #tpu.memory_space<vmem>> -> memref<64xi32, #tpu.memory_space<vmem>>
      %dma_start3A_702 = arith.constant 0 : i32
      %dma_start3A_703 = arith.constant 0 : i32
      %dma_start3A_704 = tpu.memref_slice %arg2[%dma_start3A_702, %dma_start3A_703] : memref<10240x128xf32, #tpu.memory_space<hbm>> -> memref<10240x128xf32, #tpu.memory_space<hbm>>
      tpu.enqueue_indirect_dma source(%dma_start3A_704 : memref<10240x128xf32, #tpu.memory_space<hbm>>) target(%dma_start3A_698 : memref<64x128xf32, #tpu.memory_space<vmem>>) offsets(%dma_start3A_701 : memref<64xi32, #tpu.memory_space<vmem>>) semaphore(%arg15 : memref<!tpu.dma_semaphore, #tpu.memory_space<semaphore_mem>>)
      %add3A_705 = arith.constant 2 : i32
      %add3A_706 = arith.addi %mul3A_589, %add3A_705 : i32
      %rem3A_707 = arith.constant 5 : i32
      %rem3A_708 = arith.remsi %add3A_706, %rem3A_707 : i32
      %dma_wait3A_709 = arith.constant 2 : i32
      %dma_wait3A_710 = arith.constant 0 : i32
      %dma_wait3A_711 = arith.constant 0 : i32
      %dma_wait3A_712 = tpu.memref_slice %arg12[%rem3A_708, %dma_wait3A_710, %dma_wait3A_711] : memref<5x64x128xf32, #tpu.memory_space<vmem>> -> memref<1x64x128xf32, #tpu.memory_space<vmem>>
      %dma_wait3A_713 = tpu.memref_squeeze %dma_wait3A_712 : memref<1x64x128xf32, #tpu.memory_space<vmem>> -> memref<64x128xf32, #tpu.memory_space<vmem>>
      %dma_wait3A_714 = arith.constant 0 : i32
      %dma_wait3A_715 = tpu.memref_slice %arg9[%rem3A_583, %dma_wait3A_709, %dma_wait3A_714] : memref<2x8x64xi32, #tpu.memory_space<vmem>> -> memref<1x1x64xi32, #tpu.memory_space<vmem>>
      %dma_wait3A_716 = tpu.memref_squeeze %dma_wait3A_715 : memref<1x1x64xi32, #tpu.memory_space<vmem>> -> memref<64xi32, #tpu.memory_space<vmem>>
      %dma_wait3A_717 = arith.constant 0 : i32
      %dma_wait3A_718 = arith.constant 0 : i32
      %dma_wait3A_719 = tpu.memref_slice %arg2[%dma_wait3A_717, %dma_wait3A_718] : memref<10240x128xf32, #tpu.memory_space<hbm>> -> memref<10240x128xf32, #tpu.memory_space<hbm>>
      tpu.wait_indirect_dma semaphore(%arg15 : memref<!tpu.dma_semaphore, #tpu.memory_space<semaphore_mem>>) src(%dma_wait3A_719 : memref<10240x128xf32, #tpu.memory_space<hbm>>) dst(%dma_wait3A_713 : memref<64x128xf32, #tpu.memory_space<vmem>>)
      %add3A_720 = arith.constant 2 : i32
      %add3A_721 = arith.addi %mul3A_589, %add3A_720 : i32
      %rem3A_722 = arith.constant 5 : i32
      %rem3A_723 = arith.remsi %add3A_721, %rem3A_722 : i32
      %dma_start3A_724 = arith.constant 2 : i32
      %dma_start3A_725 = arith.constant 0 : i32
      %dma_start3A_726 = arith.constant 0 : i32
      %dma_start3A_727 = tpu.memref_slice %arg12[%rem3A_723, %dma_start3A_725, %dma_start3A_726] : memref<5x64x128xf32, #tpu.memory_space<vmem>> -> memref<1x64x128xf32, #tpu.memory_space<vmem>>
      %dma_start3A_728 = tpu.memref_squeeze %dma_start3A_727 : memref<1x64x128xf32, #tpu.memory_space<vmem>> -> memref<64x128xf32, #tpu.memory_space<vmem>>
      %dma_start3A_729 = arith.constant 0 : i32
      %dma_start3A_730 = tpu.memref_slice %arg10[%rem3A_583, %dma_start3A_724, %dma_start3A_729] : memref<2x8x64xi32, #tpu.memory_space<vmem>> -> memref<1x1x64xi32, #tpu.memory_space<vmem>>
      %dma_start3A_731 = tpu.memref_squeeze %dma_start3A_730 : memref<1x1x64xi32, #tpu.memory_space<vmem>> -> memref<64xi32, #tpu.memory_space<vmem>>
      %dma_start3A_732 = arith.constant 0 : i32
      %dma_start3A_733 = arith.constant 0 : i32
      %dma_start3A_734 = tpu.memref_slice %arg14[%dma_start3A_732, %dma_start3A_733] : memref<10240x128xf32, #tpu.memory_space<vmem_shared>> -> memref<10240x128xf32, #tpu.memory_space<vmem_shared>>
      tpu.enqueue_indirect_dma source(%dma_start3A_728 : memref<64x128xf32, #tpu.memory_space<vmem>>) target(%dma_start3A_734 : memref<10240x128xf32, #tpu.memory_space<vmem_shared>>) offsets(%dma_start3A_731 : memref<64xi32, #tpu.memory_space<vmem>>) semaphore(%arg16 : memref<!tpu.dma_semaphore, #tpu.memory_space<semaphore_mem>>) {add = true}
      %add3A_735 = arith.constant 1 : i32
      %add3A_736 = arith.addi %mul3A_589, %add3A_735 : i32
      %rem3A_737 = arith.constant 5 : i32
      %rem3A_738 = arith.remsi %add3A_736, %rem3A_737 : i32
      %dma_wait3A_739 = arith.constant 1 : i32
      %dma_wait3A_740 = arith.constant 0 : i32
      %dma_wait3A_741 = arith.constant 0 : i32
      %dma_wait3A_742 = tpu.memref_slice %arg12[%rem3A_738, %dma_wait3A_740, %dma_wait3A_741] : memref<5x64x128xf32, #tpu.memory_space<vmem>> -> memref<1x64x128xf32, #tpu.memory_space<vmem>>
      %dma_wait3A_743 = tpu.memref_squeeze %dma_wait3A_742 : memref<1x64x128xf32, #tpu.memory_space<vmem>> -> memref<64x128xf32, #tpu.memory_space<vmem>>
      %dma_wait3A_744 = arith.constant 0 : i32
      %dma_wait3A_745 = tpu.memref_slice %arg10[%rem3A_583, %dma_wait3A_739, %dma_wait3A_744] : memref<2x8x64xi32, #tpu.memory_space<vmem>> -> memref<1x1x64xi32, #tpu.memory_space<vmem>>
      %dma_wait3A_746 = tpu.memref_squeeze %dma_wait3A_745 : memref<1x1x64xi32, #tpu.memory_space<vmem>> -> memref<64xi32, #tpu.memory_space<vmem>>
      %dma_wait3A_747 = arith.constant 0 : i32
      %dma_wait3A_748 = arith.constant 0 : i32
      %dma_wait3A_749 = tpu.memref_slice %arg14[%dma_wait3A_747, %dma_wait3A_748] : memref<10240x128xf32, #tpu.memory_space<vmem_shared>> -> memref<10240x128xf32, #tpu.memory_space<vmem_shared>>
      tpu.wait_indirect_dma semaphore(%arg16 : memref<!tpu.dma_semaphore, #tpu.memory_space<semaphore_mem>>) src(%dma_wait3A_743 : memref<64x128xf32, #tpu.memory_space<vmem>>) dst(%dma_wait3A_749 : memref<10240x128xf32, #tpu.memory_space<vmem_shared>>)
      %add3A_750 = arith.constant 6 : i32
      %add3A_751 = arith.addi %mul3A_589, %add3A_750 : i32
      %rem3A_752 = arith.constant 5 : i32
      %rem3A_753 = arith.remsi %add3A_751, %rem3A_752 : i32
      %dma_start3A_754 = arith.constant 6 : i32
      %dma_start3A_755 = arith.constant 0 : i32
      %dma_start3A_756 = arith.constant 0 : i32
      %dma_start3A_757 = tpu.memref_slice %arg12[%rem3A_753, %dma_start3A_755, %dma_start3A_756] : memref<5x64x128xf32, #tpu.memory_space<vmem>> -> memref<1x64x128xf32, #tpu.memory_space<vmem>>
      %dma_start3A_758 = tpu.memref_squeeze %dma_start3A_757 : memref<1x64x128xf32, #tpu.memory_space<vmem>> -> memref<64x128xf32, #tpu.memory_space<vmem>>
      %dma_start3A_759 = arith.constant 0 : i32
      %dma_start3A_760 = tpu.memref_slice %arg9[%rem3A_583, %dma_start3A_754, %dma_start3A_759] : memref<2x8x64xi32, #tpu.memory_space<vmem>> -> memref<1x1x64xi32, #tpu.memory_space<vmem>>
      %dma_start3A_761 = tpu.memref_squeeze %dma_start3A_760 : memref<1x1x64xi32, #tpu.memory_space<vmem>> -> memref<64xi32, #tpu.memory_space<vmem>>
      %dma_start3A_762 = arith.constant 0 : i32
      %dma_start3A_763 = arith.constant 0 : i32
      %dma_start3A_764 = tpu.memref_slice %arg2[%dma_start3A_762, %dma_start3A_763] : memref<10240x128xf32, #tpu.memory_space<hbm>> -> memref<10240x128xf32, #tpu.memory_space<hbm>>
      tpu.enqueue_indirect_dma source(%dma_start3A_764 : memref<10240x128xf32, #tpu.memory_space<hbm>>) target(%dma_start3A_758 : memref<64x128xf32, #tpu.memory_space<vmem>>) offsets(%dma_start3A_761 : memref<64xi32, #tpu.memory_space<vmem>>) semaphore(%arg15 : memref<!tpu.dma_semaphore, #tpu.memory_space<semaphore_mem>>)
      %add3A_765 = arith.constant 3 : i32
      %add3A_766 = arith.addi %mul3A_589, %add3A_765 : i32
      %rem3A_767 = arith.constant 5 : i32
      %rem3A_768 = arith.remsi %add3A_766, %rem3A_767 : i32
      %dma_wait3A_769 = arith.constant 3 : i32
      %dma_wait3A_770 = arith.constant 0 : i32
      %dma_wait3A_771 = arith.constant 0 : i32
      %dma_wait3A_772 = tpu.memref_slice %arg12[%rem3A_768, %dma_wait3A_770, %dma_wait3A_771] : memref<5x64x128xf32, #tpu.memory_space<vmem>> -> memref<1x64x128xf32, #tpu.memory_space<vmem>>
      %dma_wait3A_773 = tpu.memref_squeeze %dma_wait3A_772 : memref<1x64x128xf32, #tpu.memory_space<vmem>> -> memref<64x128xf32, #tpu.memory_space<vmem>>
      %dma_wait3A_774 = arith.constant 0 : i32
      %dma_wait3A_775 = tpu.memref_slice %arg9[%rem3A_583, %dma_wait3A_769, %dma_wait3A_774] : memref<2x8x64xi32, #tpu.memory_space<vmem>> -> memref<1x1x64xi32, #tpu.memory_space<vmem>>
      %dma_wait3A_776 = tpu.memref_squeeze %dma_wait3A_775 : memref<1x1x64xi32, #tpu.memory_space<vmem>> -> memref<64xi32, #tpu.memory_space<vmem>>
      %dma_wait3A_777 = arith.constant 0 : i32
      %dma_wait3A_778 = arith.constant 0 : i32
      %dma_wait3A_779 = tpu.memref_slice %arg2[%dma_wait3A_777, %dma_wait3A_778] : memref<10240x128xf32, #tpu.memory_space<hbm>> -> memref<10240x128xf32, #tpu.memory_space<hbm>>
      tpu.wait_indirect_dma semaphore(%arg15 : memref<!tpu.dma_semaphore, #tpu.memory_space<semaphore_mem>>) src(%dma_wait3A_779 : memref<10240x128xf32, #tpu.memory_space<hbm>>) dst(%dma_wait3A_773 : memref<64x128xf32, #tpu.memory_space<vmem>>)
      %add3A_780 = arith.constant 3 : i32
      %add3A_781 = arith.addi %mul3A_589, %add3A_780 : i32
      %rem3A_782 = arith.constant 5 : i32
      %rem3A_783 = arith.remsi %add3A_781, %rem3A_782 : i32
      %dma_start3A_784 = arith.constant 3 : i32
      %dma_start3A_785 = arith.constant 0 : i32
      %dma_start3A_786 = arith.constant 0 : i32
      %dma_start3A_787 = tpu.memref_slice %arg12[%rem3A_783, %dma_start3A_785, %dma_start3A_786] : memref<5x64x128xf32, #tpu.memory_space<vmem>> -> memref<1x64x128xf32, #tpu.memory_space<vmem>>
      %dma_start3A_788 = tpu.memref_squeeze %dma_start3A_787 : memref<1x64x128xf32, #tpu.memory_space<vmem>> -> memref<64x128xf32, #tpu.memory_space<vmem>>
      %dma_start3A_789 = arith.constant 0 : i32
      %dma_start3A_790 = tpu.memref_slice %arg10[%rem3A_583, %dma_start3A_784, %dma_start3A_789] : memref<2x8x64xi32, #tpu.memory_space<vmem>> -> memref<1x1x64xi32, #tpu.memory_space<vmem>>
      %dma_start3A_791 = tpu.memref_squeeze %dma_start3A_790 : memref<1x1x64xi32, #tpu.memory_space<vmem>> -> memref<64xi32, #tpu.memory_space<vmem>>
      %dma_start3A_792 = arith.constant 0 : i32
      %dma_start3A_793 = arith.constant 0 : i32
      %dma_start3A_794 = tpu.memref_slice %arg14[%dma_start3A_792, %dma_start3A_793] : memref<10240x128xf32, #tpu.memory_space<vmem_shared>> -> memref<10240x128xf32, #tpu.memory_space<vmem_shared>>
      tpu.enqueue_indirect_dma source(%dma_start3A_788 : memref<64x128xf32, #tpu.memory_space<vmem>>) target(%dma_start3A_794 : memref<10240x128xf32, #tpu.memory_space<vmem_shared>>) offsets(%dma_start3A_791 : memref<64xi32, #tpu.memory_space<vmem>>) semaphore(%arg16 : memref<!tpu.dma_semaphore, #tpu.memory_space<semaphore_mem>>) {add = true}
      %add3A_795 = arith.constant 2 : i32
      %add3A_796 = arith.addi %mul3A_589, %add3A_795 : i32
      %rem3A_797 = arith.constant 5 : i32
      %rem3A_798 = arith.remsi %add3A_796, %rem3A_797 : i32
      %dma_wait3A_799 = arith.constant 2 : i32
      %dma_wait3A_800 = arith.constant 0 : i32
      %dma_wait3A_801 = arith.constant 0 : i32
      %dma_wait3A_802 = tpu.memref_slice %arg12[%rem3A_798, %dma_wait3A_800, %dma_wait3A_801] : memref<5x64x128xf32, #tpu.memory_space<vmem>> -> memref<1x64x128xf32, #tpu.memory_space<vmem>>
      %dma_wait3A_803 = tpu.memref_squeeze %dma_wait3A_802 : memref<1x64x128xf32, #tpu.memory_space<vmem>> -> memref<64x128xf32, #tpu.memory_space<vmem>>
      %dma_wait3A_804 = arith.constant 0 : i32
      %dma_wait3A_805 = tpu.memref_slice %arg10[%rem3A_583, %dma_wait3A_799, %dma_wait3A_804] : memref<2x8x64xi32, #tpu.memory_space<vmem>> -> memref<1x1x64xi32, #tpu.memory_space<vmem>>
      %dma_wait3A_806 = tpu.memref_squeeze %dma_wait3A_805 : memref<1x1x64xi32, #tpu.memory_space<vmem>> -> memref<64xi32, #tpu.memory_space<vmem>>
      %dma_wait3A_807 = arith.constant 0 : i32
      %dma_wait3A_808 = arith.constant 0 : i32
      %dma_wait3A_809 = tpu.memref_slice %arg14[%dma_wait3A_807, %dma_wait3A_808] : memref<10240x128xf32, #tpu.memory_space<vmem_shared>> -> memref<10240x128xf32, #tpu.memory_space<vmem_shared>>
      tpu.wait_indirect_dma semaphore(%arg16 : memref<!tpu.dma_semaphore, #tpu.memory_space<semaphore_mem>>) src(%dma_wait3A_803 : memref<64x128xf32, #tpu.memory_space<vmem>>) dst(%dma_wait3A_809 : memref<10240x128xf32, #tpu.memory_space<vmem_shared>>)
      %add3A_810 = arith.constant 1 : i32
      %add3A_811 = arith.addi %add3A_582, %add3A_810 : i32
      %lt3A_812 = arith.constant 20 : i32
      %lt3A_813 = arith.cmpi slt, %add3A_811, %lt3A_812 : i32
      %convert_element_type3A_814 = arith.extui %lt3A_813 : i1 to i32
      %cond3A_815 = arith.constant 0 : i32
      %cond3A_816 = arith.cmpi ne, %convert_element_type3A_814, %cond3A_815 : i32
      scf.if %cond3A_816 {
        %dma_wait3A_1040 = arith.constant 0 : i32
        %dma_wait3A_1041 = arith.constant 0 : i32
        %dma_wait3A_1042 = arith.constant 0 : i32
        %dma_wait3A_1043 = arith.constant 0 : i32
        %dma_wait3A_1044 = tpu.memref_slice %arg9[%rem3A_587, %dma_wait3A_1042, %dma_wait3A_1043] : memref<2x8x64xi32, #tpu.memory_space<vmem>> -> memref<1x8x64xi32, #tpu.memory_space<vmem>>
        %dma_wait3A_1045 = tpu.memref_squeeze %dma_wait3A_1044 : memref<1x8x64xi32, #tpu.memory_space<vmem>> -> memref<8x64xi32, #tpu.memory_space<vmem>>
        %dma_wait3A_1046 = arith.constant 0 : i32
        %dma_wait3A_1047 = arith.constant 0 : i32
        %dma_wait3A_1048 = tpu.memref_slice %arg3[%dma_wait3A_1040, %add3A, %dma_wait3A_1041, %dma_wait3A_1046, %dma_wait3A_1047] : memref<2x32x20x8x64xi32, #tpu.memory_space<hbm>> -> memref<1x1x1x8x64xi32, #tpu.memory_space<hbm>>
        %dma_wait3A_1049 = tpu.memref_squeeze %dma_wait3A_1048 : memref<1x1x1x8x64xi32, #tpu.memory_space<hbm>> -> memref<8x64xi32, #tpu.memory_space<hbm>>
        %dma_wait3A_1050 = arith.constant 0 : i32
        %dma_wait3A_1051 = arith.constant 0 : i32
        %dma_wait3A_1052 = tpu.memref_slice %arg9[%rem3A_587, %dma_wait3A_1050, %dma_wait3A_1051] : memref<2x8x64xi32, #tpu.memory_space<vmem>> -> memref<1x8x64xi32, #tpu.memory_space<vmem>>
        %dma_wait3A_1053 = tpu.memref_squeeze %dma_wait3A_1052 : memref<1x8x64xi32, #tpu.memory_space<vmem>> -> memref<8x64xi32, #tpu.memory_space<vmem>>
        %dma_wait3A_1054 = arith.constant 0 : i32
        %dma_wait3A_1055 = arith.constant 0 : i32
        %dma_wait3A_1056 = tpu.memref_slice %arg3[%dma_wait3A_1040, %add3A, %dma_wait3A_1041, %dma_wait3A_1054, %dma_wait3A_1055] : memref<2x32x20x8x64xi32, #tpu.memory_space<hbm>> -> memref<1x1x1x8x64xi32, #tpu.memory_space<hbm>>
        %dma_wait3A_1057 = tpu.memref_squeeze %dma_wait3A_1056 : memref<1x1x1x8x64xi32, #tpu.memory_space<hbm>> -> memref<8x64xi32, #tpu.memory_space<hbm>>
        tpu.wait_dma2 semaphore(%arg17 : memref<!tpu.dma_semaphore, #tpu.memory_space<semaphore_mem>>) src(%dma_wait3A_1057 : memref<8x64xi32, #tpu.memory_space<hbm>>) dst(%dma_wait3A_1053 : memref<8x64xi32, #tpu.memory_space<vmem>>)
        %dma_wait3A_1058 = arith.constant 1 : i32
        %dma_wait3A_1059 = arith.constant 0 : i32
        %dma_wait3A_1060 = arith.constant 0 : i32
        %dma_wait3A_1061 = arith.constant 0 : i32
        %dma_wait3A_1062 = tpu.memref_slice %arg10[%rem3A_587, %dma_wait3A_1060, %dma_wait3A_1061] : memref<2x8x64xi32, #tpu.memory_space<vmem>> -> memref<1x8x64xi32, #tpu.memory_space<vmem>>
        %dma_wait3A_1063 = tpu.memref_squeeze %dma_wait3A_1062 : memref<1x8x64xi32, #tpu.memory_space<vmem>> -> memref<8x64xi32, #tpu.memory_space<vmem>>
        %dma_wait3A_1064 = arith.constant 0 : i32
        %dma_wait3A_1065 = arith.constant 0 : i32
        %dma_wait3A_1066 = tpu.memref_slice %arg3[%dma_wait3A_1058, %add3A, %dma_wait3A_1059, %dma_wait3A_1064, %dma_wait3A_1065] : memref<2x32x20x8x64xi32, #tpu.memory_space<hbm>> -> memref<1x1x1x8x64xi32, #tpu.memory_space<hbm>>
        %dma_wait3A_1067 = tpu.memref_squeeze %dma_wait3A_1066 : memref<1x1x1x8x64xi32, #tpu.memory_space<hbm>> -> memref<8x64xi32, #tpu.memory_space<hbm>>
        %dma_wait3A_1068 = arith.constant 0 : i32
        %dma_wait3A_1069 = arith.constant 0 : i32
        %dma_wait3A_1070 = tpu.memref_slice %arg10[%rem3A_587, %dma_wait3A_1068, %dma_wait3A_1069] : memref<2x8x64xi32, #tpu.memory_space<vmem>> -> memref<1x8x64xi32, #tpu.memory_space<vmem>>
        %dma_wait3A_1071 = tpu.memref_squeeze %dma_wait3A_1070 : memref<1x8x64xi32, #tpu.memory_space<vmem>> -> memref<8x64xi32, #tpu.memory_space<vmem>>
        %dma_wait3A_1072 = arith.constant 0 : i32
        %dma_wait3A_1073 = arith.constant 0 : i32
        %dma_wait3A_1074 = tpu.memref_slice %arg3[%dma_wait3A_1058, %add3A, %dma_wait3A_1059, %dma_wait3A_1072, %dma_wait3A_1073] : memref<2x32x20x8x64xi32, #tpu.memory_space<hbm>> -> memref<1x1x1x8x64xi32, #tpu.memory_space<hbm>>
        %dma_wait3A_1075 = tpu.memref_squeeze %dma_wait3A_1074 : memref<1x1x1x8x64xi32, #tpu.memory_space<hbm>> -> memref<8x64xi32, #tpu.memory_space<hbm>>
        tpu.wait_dma2 semaphore(%arg17 : memref<!tpu.dma_semaphore, #tpu.memory_space<semaphore_mem>>) src(%dma_wait3A_1075 : memref<8x64xi32, #tpu.memory_space<hbm>>) dst(%dma_wait3A_1071 : memref<8x64xi32, #tpu.memory_space<vmem>>)
      } else {
      }
      %add3A_817 = arith.constant 7 : i32
      %add3A_818 = arith.addi %mul3A_589, %add3A_817 : i32
      %rem3A_819 = arith.constant 5 : i32
      %rem3A_820 = arith.remsi %add3A_818, %rem3A_819 : i32
      %dma_start3A_821 = arith.constant 7 : i32
      %dma_start3A_822 = arith.constant 0 : i32
      %dma_start3A_823 = arith.constant 0 : i32
      %dma_start3A_824 = tpu.memref_slice %arg12[%rem3A_820, %dma_start3A_822, %dma_start3A_823] : memref<5x64x128xf32, #tpu.memory_space<vmem>> -> memref<1x64x128xf32, #tpu.memory_space<vmem>>
      %dma_start3A_825 = tpu.memref_squeeze %dma_start3A_824 : memref<1x64x128xf32, #tpu.memory_space<vmem>> -> memref<64x128xf32, #tpu.memory_space<vmem>>
      %dma_start3A_826 = arith.constant 0 : i32
      %dma_start3A_827 = tpu.memref_slice %arg9[%rem3A_583, %dma_start3A_821, %dma_start3A_826] : memref<2x8x64xi32, #tpu.memory_space<vmem>> -> memref<1x1x64xi32, #tpu.memory_space<vmem>>
      %dma_start3A_828 = tpu.memref_squeeze %dma_start3A_827 : memref<1x1x64xi32, #tpu.memory_space<vmem>> -> memref<64xi32, #tpu.memory_space<vmem>>
      %dma_start3A_829 = arith.constant 0 : i32
      %dma_start3A_830 = arith.constant 0 : i32
      %dma_start3A_831 = tpu.memref_slice %arg2[%dma_start3A_829, %dma_start3A_830] : memref<10240x128xf32, #tpu.memory_space<hbm>> -> memref<10240x128xf32, #tpu.memory_space<hbm>>
      tpu.enqueue_indirect_dma source(%dma_start3A_831 : memref<10240x128xf32, #tpu.memory_space<hbm>>) target(%dma_start3A_825 : memref<64x128xf32, #tpu.memory_space<vmem>>) offsets(%dma_start3A_828 : memref<64xi32, #tpu.memory_space<vmem>>) semaphore(%arg15 : memref<!tpu.dma_semaphore, #tpu.memory_space<semaphore_mem>>)
      %add3A_832 = arith.constant 4 : i32
      %add3A_833 = arith.addi %mul3A_589, %add3A_832 : i32
      %rem3A_834 = arith.constant 5 : i32
      %rem3A_835 = arith.remsi %add3A_833, %rem3A_834 : i32
      %dma_wait3A_836 = arith.constant 4 : i32
      %dma_wait3A_837 = arith.constant 0 : i32
      %dma_wait3A_838 = arith.constant 0 : i32
      %dma_wait3A_839 = tpu.memref_slice %arg12[%rem3A_835, %dma_wait3A_837, %dma_wait3A_838] : memref<5x64x128xf32, #tpu.memory_space<vmem>> -> memref<1x64x128xf32, #tpu.memory_space<vmem>>
      %dma_wait3A_840 = tpu.memref_squeeze %dma_wait3A_839 : memref<1x64x128xf32, #tpu.memory_space<vmem>> -> memref<64x128xf32, #tpu.memory_space<vmem>>
      %dma_wait3A_841 = arith.constant 0 : i32
      %dma_wait3A_842 = tpu.memref_slice %arg9[%rem3A_583, %dma_wait3A_836, %dma_wait3A_841] : memref<2x8x64xi32, #tpu.memory_space<vmem>> -> memref<1x1x64xi32, #tpu.memory_space<vmem>>
      %dma_wait3A_843 = tpu.memref_squeeze %dma_wait3A_842 : memref<1x1x64xi32, #tpu.memory_space<vmem>> -> memref<64xi32, #tpu.memory_space<vmem>>
      %dma_wait3A_844 = arith.constant 0 : i32
      %dma_wait3A_845 = arith.constant 0 : i32
      %dma_wait3A_846 = tpu.memref_slice %arg2[%dma_wait3A_844, %dma_wait3A_845] : memref<10240x128xf32, #tpu.memory_space<hbm>> -> memref<10240x128xf32, #tpu.memory_space<hbm>>
      tpu.wait_indirect_dma semaphore(%arg15 : memref<!tpu.dma_semaphore, #tpu.memory_space<semaphore_mem>>) src(%dma_wait3A_846 : memref<10240x128xf32, #tpu.memory_space<hbm>>) dst(%dma_wait3A_840 : memref<64x128xf32, #tpu.memory_space<vmem>>)
      %add3A_847 = arith.constant 4 : i32
      %add3A_848 = arith.addi %mul3A_589, %add3A_847 : i32
      %rem3A_849 = arith.constant 5 : i32
      %rem3A_850 = arith.remsi %add3A_848, %rem3A_849 : i32
      %dma_start3A_851 = arith.constant 4 : i32
      %dma_start3A_852 = arith.constant 0 : i32
      %dma_start3A_853 = arith.constant 0 : i32
      %dma_start3A_854 = tpu.memref_slice %arg12[%rem3A_850, %dma_start3A_852, %dma_start3A_853] : memref<5x64x128xf32, #tpu.memory_space<vmem>> -> memref<1x64x128xf32, #tpu.memory_space<vmem>>
      %dma_start3A_855 = tpu.memref_squeeze %dma_start3A_854 : memref<1x64x128xf32, #tpu.memory_space<vmem>> -> memref<64x128xf32, #tpu.memory_space<vmem>>
      %dma_start3A_856 = arith.constant 0 : i32
      %dma_start3A_857 = tpu.memref_slice %arg10[%rem3A_583, %dma_start3A_851, %dma_start3A_856] : memref<2x8x64xi32, #tpu.memory_space<vmem>> -> memref<1x1x64xi32, #tpu.memory_space<vmem>>
      %dma_start3A_858 = tpu.memref_squeeze %dma_start3A_857 : memref<1x1x64xi32, #tpu.memory_space<vmem>> -> memref<64xi32, #tpu.memory_space<vmem>>
      %dma_start3A_859 = arith.constant 0 : i32
      %dma_start3A_860 = arith.constant 0 : i32
      %dma_start3A_861 = tpu.memref_slice %arg14[%dma_start3A_859, %dma_start3A_860] : memref<10240x128xf32, #tpu.memory_space<vmem_shared>> -> memref<10240x128xf32, #tpu.memory_space<vmem_shared>>
      tpu.enqueue_indirect_dma source(%dma_start3A_855 : memref<64x128xf32, #tpu.memory_space<vmem>>) target(%dma_start3A_861 : memref<10240x128xf32, #tpu.memory_space<vmem_shared>>) offsets(%dma_start3A_858 : memref<64xi32, #tpu.memory_space<vmem>>) semaphore(%arg16 : memref<!tpu.dma_semaphore, #tpu.memory_space<semaphore_mem>>) {add = true}
      %add3A_862 = arith.constant 3 : i32
      %add3A_863 = arith.addi %mul3A_589, %add3A_862 : i32
      %rem3A_864 = arith.constant 5 : i32
      %rem3A_865 = arith.remsi %add3A_863, %rem3A_864 : i32
      %dma_wait3A_866 = arith.constant 3 : i32
      %dma_wait3A_867 = arith.constant 0 : i32
      %dma_wait3A_868 = arith.constant 0 : i32
      %dma_wait3A_869 = tpu.memref_slice %arg12[%rem3A_865, %dma_wait3A_867, %dma_wait3A_868] : memref<5x64x128xf32, #tpu.memory_space<vmem>> -> memref<1x64x128xf32, #tpu.memory_space<vmem>>
      %dma_wait3A_870 = tpu.memref_squeeze %dma_wait3A_869 : memref<1x64x128xf32, #tpu.memory_space<vmem>> -> memref<64x128xf32, #tpu.memory_space<vmem>>
      %dma_wait3A_871 = arith.constant 0 : i32
      %dma_wait3A_872 = tpu.memref_slice %arg10[%rem3A_583, %dma_wait3A_866, %dma_wait3A_871] : memref<2x8x64xi32, #tpu.memory_space<vmem>> -> memref<1x1x64xi32, #tpu.memory_space<vmem>>
      %dma_wait3A_873 = tpu.memref_squeeze %dma_wait3A_872 : memref<1x1x64xi32, #tpu.memory_space<vmem>> -> memref<64xi32, #tpu.memory_space<vmem>>
      %dma_wait3A_874 = arith.constant 0 : i32
      %dma_wait3A_875 = arith.constant 0 : i32
      %dma_wait3A_876 = tpu.memref_slice %arg14[%dma_wait3A_874, %dma_wait3A_875] : memref<10240x128xf32, #tpu.memory_space<vmem_shared>> -> memref<10240x128xf32, #tpu.memory_space<vmem_shared>>
      tpu.wait_indirect_dma semaphore(%arg16 : memref<!tpu.dma_semaphore, #tpu.memory_space<semaphore_mem>>) src(%dma_wait3A_870 : memref<64x128xf32, #tpu.memory_space<vmem>>) dst(%dma_wait3A_876 : memref<10240x128xf32, #tpu.memory_space<vmem_shared>>)
      %add3A_877 = arith.constant 1 : i32
      %add3A_878 = arith.addi %add3A_582, %add3A_877 : i32
      %lt3A_879 = arith.constant 20 : i32
      %lt3A_880 = arith.cmpi slt, %add3A_878, %lt3A_879 : i32
      %convert_element_type3A_881 = arith.extui %lt3A_880 : i1 to i32
      %cond3A_882 = arith.constant 0 : i32
      %cond3A_883 = arith.cmpi ne, %convert_element_type3A_881, %cond3A_882 : i32
      scf.if %cond3A_883 {
        %add3A_1040 = arith.constant 8 : i32
        %add3A_1041 = arith.addi %mul3A_589, %add3A_1040 : i32
        %rem3A_1042 = arith.constant 5 : i32
        %rem3A_1043 = arith.remsi %add3A_1041, %rem3A_1042 : i32
        %dma_start3A_1044 = arith.constant 0 : i32
        %dma_start3A_1045 = arith.constant 0 : i32
        %dma_start3A_1046 = arith.constant 0 : i32
        %dma_start3A_1047 = tpu.memref_slice %arg12[%rem3A_1043, %dma_start3A_1045, %dma_start3A_1046] : memref<5x64x128xf32, #tpu.memory_space<vmem>> -> memref<1x64x128xf32, #tpu.memory_space<vmem>>
        %dma_start3A_1048 = tpu.memref_squeeze %dma_start3A_1047 : memref<1x64x128xf32, #tpu.memory_space<vmem>> -> memref<64x128xf32, #tpu.memory_space<vmem>>
        %dma_start3A_1049 = arith.constant 0 : i32
        %dma_start3A_1050 = tpu.memref_slice %arg9[%rem3A_587, %dma_start3A_1044, %dma_start3A_1049] : memref<2x8x64xi32, #tpu.memory_space<vmem>> -> memref<1x1x64xi32, #tpu.memory_space<vmem>>
        %dma_start3A_1051 = tpu.memref_squeeze %dma_start3A_1050 : memref<1x1x64xi32, #tpu.memory_space<vmem>> -> memref<64xi32, #tpu.memory_space<vmem>>
        %dma_start3A_1052 = arith.constant 0 : i32
        %dma_start3A_1053 = arith.constant 0 : i32
        %dma_start3A_1054 = tpu.memref_slice %arg2[%dma_start3A_1052, %dma_start3A_1053] : memref<10240x128xf32, #tpu.memory_space<hbm>> -> memref<10240x128xf32, #tpu.memory_space<hbm>>
        tpu.enqueue_indirect_dma source(%dma_start3A_1054 : memref<10240x128xf32, #tpu.memory_space<hbm>>) target(%dma_start3A_1048 : memref<64x128xf32, #tpu.memory_space<vmem>>) offsets(%dma_start3A_1051 : memref<64xi32, #tpu.memory_space<vmem>>) semaphore(%arg15 : memref<!tpu.dma_semaphore, #tpu.memory_space<semaphore_mem>>)
      } else {
      }
      %add3A_884 = arith.constant 5 : i32
      %add3A_885 = arith.addi %mul3A_589, %add3A_884 : i32
      %rem3A_886 = arith.constant 5 : i32
      %rem3A_887 = arith.remsi %add3A_885, %rem3A_886 : i32
      %dma_wait3A_888 = arith.constant 5 : i32
      %dma_wait3A_889 = arith.constant 0 : i32
      %dma_wait3A_890 = arith.constant 0 : i32
      %dma_wait3A_891 = tpu.memref_slice %arg12[%rem3A_887, %dma_wait3A_889, %dma_wait3A_890] : memref<5x64x128xf32, #tpu.memory_space<vmem>> -> memref<1x64x128xf32, #tpu.memory_space<vmem>>
      %dma_wait3A_892 = tpu.memref_squeeze %dma_wait3A_891 : memref<1x64x128xf32, #tpu.memory_space<vmem>> -> memref<64x128xf32, #tpu.memory_space<vmem>>
      %dma_wait3A_893 = arith.constant 0 : i32
      %dma_wait3A_894 = tpu.memref_slice %arg9[%rem3A_583, %dma_wait3A_888, %dma_wait3A_893] : memref<2x8x64xi32, #tpu.memory_space<vmem>> -> memref<1x1x64xi32, #tpu.memory_space<vmem>>
      %dma_wait3A_895 = tpu.memref_squeeze %dma_wait3A_894 : memref<1x1x64xi32, #tpu.memory_space<vmem>> -> memref<64xi32, #tpu.memory_space<vmem>>
      %dma_wait3A_896 = arith.constant 0 : i32
      %dma_wait3A_897 = arith.constant 0 : i32
      %dma_wait3A_898 = tpu.memref_slice %arg2[%dma_wait3A_896, %dma_wait3A_897] : memref<10240x128xf32, #tpu.memory_space<hbm>> -> memref<10240x128xf32, #tpu.memory_space<hbm>>
      tpu.wait_indirect_dma semaphore(%arg15 : memref<!tpu.dma_semaphore, #tpu.memory_space<semaphore_mem>>) src(%dma_wait3A_898 : memref<10240x128xf32, #tpu.memory_space<hbm>>) dst(%dma_wait3A_892 : memref<64x128xf32, #tpu.memory_space<vmem>>)
      %add3A_899 = arith.constant 5 : i32
      %add3A_900 = arith.addi %mul3A_589, %add3A_899 : i32
      %rem3A_901 = arith.constant 5 : i32
      %rem3A_902 = arith.remsi %add3A_900, %rem3A_901 : i32
      %dma_start3A_903 = arith.constant 5 : i32
      %dma_start3A_904 = arith.constant 0 : i32
      %dma_start3A_905 = arith.constant 0 : i32
      %dma_start3A_906 = tpu.memref_slice %arg12[%rem3A_902, %dma_start3A_904, %dma_start3A_905] : memref<5x64x128xf32, #tpu.memory_space<vmem>> -> memref<1x64x128xf32, #tpu.memory_space<vmem>>
      %dma_start3A_907 = tpu.memref_squeeze %dma_start3A_906 : memref<1x64x128xf32, #tpu.memory_space<vmem>> -> memref<64x128xf32, #tpu.memory_space<vmem>>
      %dma_start3A_908 = arith.constant 0 : i32
      %dma_start3A_909 = tpu.memref_slice %arg10[%rem3A_583, %dma_start3A_903, %dma_start3A_908] : memref<2x8x64xi32, #tpu.memory_space<vmem>> -> memref<1x1x64xi32, #tpu.memory_space<vmem>>
      %dma_start3A_910 = tpu.memref_squeeze %dma_start3A_909 : memref<1x1x64xi32, #tpu.memory_space<vmem>> -> memref<64xi32, #tpu.memory_space<vmem>>
      %dma_start3A_911 = arith.constant 0 : i32
      %dma_start3A_912 = arith.constant 0 : i32
      %dma_start3A_913 = tpu.memref_slice %arg14[%dma_start3A_911, %dma_start3A_912] : memref<10240x128xf32, #tpu.memory_space<vmem_shared>> -> memref<10240x128xf32, #tpu.memory_space<vmem_shared>>
      tpu.enqueue_indirect_dma source(%dma_start3A_907 : memref<64x128xf32, #tpu.memory_space<vmem>>) target(%dma_start3A_913 : memref<10240x128xf32, #tpu.memory_space<vmem_shared>>) offsets(%dma_start3A_910 : memref<64xi32, #tpu.memory_space<vmem>>) semaphore(%arg16 : memref<!tpu.dma_semaphore, #tpu.memory_space<semaphore_mem>>) {add = true}
      %add3A_914 = arith.constant 4 : i32
      %add3A_915 = arith.addi %mul3A_589, %add3A_914 : i32
      %rem3A_916 = arith.constant 5 : i32
      %rem3A_917 = arith.remsi %add3A_915, %rem3A_916 : i32
      %dma_wait3A_918 = arith.constant 4 : i32
      %dma_wait3A_919 = arith.constant 0 : i32
      %dma_wait3A_920 = arith.constant 0 : i32
      %dma_wait3A_921 = tpu.memref_slice %arg12[%rem3A_917, %dma_wait3A_919, %dma_wait3A_920] : memref<5x64x128xf32, #tpu.memory_space<vmem>> -> memref<1x64x128xf32, #tpu.memory_space<vmem>>
      %dma_wait3A_922 = tpu.memref_squeeze %dma_wait3A_921 : memref<1x64x128xf32, #tpu.memory_space<vmem>> -> memref<64x128xf32, #tpu.memory_space<vmem>>
      %dma_wait3A_923 = arith.constant 0 : i32
      %dma_wait3A_924 = tpu.memref_slice %arg10[%rem3A_583, %dma_wait3A_918, %dma_wait3A_923] : memref<2x8x64xi32, #tpu.memory_space<vmem>> -> memref<1x1x64xi32, #tpu.memory_space<vmem>>
      %dma_wait3A_925 = tpu.memref_squeeze %dma_wait3A_924 : memref<1x1x64xi32, #tpu.memory_space<vmem>> -> memref<64xi32, #tpu.memory_space<vmem>>
      %dma_wait3A_926 = arith.constant 0 : i32
      %dma_wait3A_927 = arith.constant 0 : i32
      %dma_wait3A_928 = tpu.memref_slice %arg14[%dma_wait3A_926, %dma_wait3A_927] : memref<10240x128xf32, #tpu.memory_space<vmem_shared>> -> memref<10240x128xf32, #tpu.memory_space<vmem_shared>>
      tpu.wait_indirect_dma semaphore(%arg16 : memref<!tpu.dma_semaphore, #tpu.memory_space<semaphore_mem>>) src(%dma_wait3A_922 : memref<64x128xf32, #tpu.memory_space<vmem>>) dst(%dma_wait3A_928 : memref<10240x128xf32, #tpu.memory_space<vmem_shared>>)
      %add3A_929 = arith.constant 1 : i32
      %add3A_930 = arith.addi %add3A_582, %add3A_929 : i32
      %lt3A_931 = arith.constant 20 : i32
      %lt3A_932 = arith.cmpi slt, %add3A_930, %lt3A_931 : i32
      %convert_element_type3A_933 = arith.extui %lt3A_932 : i1 to i32
      %cond3A_934 = arith.constant 0 : i32
      %cond3A_935 = arith.cmpi ne, %convert_element_type3A_933, %cond3A_934 : i32
      scf.if %cond3A_935 {
        %add3A_1040 = arith.constant 9 : i32
        %add3A_1041 = arith.addi %mul3A_589, %add3A_1040 : i32
        %rem3A_1042 = arith.constant 5 : i32
        %rem3A_1043 = arith.remsi %add3A_1041, %rem3A_1042 : i32
        %dma_start3A_1044 = arith.constant 1 : i32
        %dma_start3A_1045 = arith.constant 0 : i32
        %dma_start3A_1046 = arith.constant 0 : i32
        %dma_start3A_1047 = tpu.memref_slice %arg12[%rem3A_1043, %dma_start3A_1045, %dma_start3A_1046] : memref<5x64x128xf32, #tpu.memory_space<vmem>> -> memref<1x64x128xf32, #tpu.memory_space<vmem>>
        %dma_start3A_1048 = tpu.memref_squeeze %dma_start3A_1047 : memref<1x64x128xf32, #tpu.memory_space<vmem>> -> memref<64x128xf32, #tpu.memory_space<vmem>>
        %dma_start3A_1049 = arith.constant 0 : i32
        %dma_start3A_1050 = tpu.memref_slice %arg9[%rem3A_587, %dma_start3A_1044, %dma_start3A_1049] : memref<2x8x64xi32, #tpu.memory_space<vmem>> -> memref<1x1x64xi32, #tpu.memory_space<vmem>>
        %dma_start3A_1051 = tpu.memref_squeeze %dma_start3A_1050 : memref<1x1x64xi32, #tpu.memory_space<vmem>> -> memref<64xi32, #tpu.memory_space<vmem>>
        %dma_start3A_1052 = arith.constant 0 : i32
        %dma_start3A_1053 = arith.constant 0 : i32
        %dma_start3A_1054 = tpu.memref_slice %arg2[%dma_start3A_1052, %dma_start3A_1053] : memref<10240x128xf32, #tpu.memory_space<hbm>> -> memref<10240x128xf32, #tpu.memory_space<hbm>>
        tpu.enqueue_indirect_dma source(%dma_start3A_1054 : memref<10240x128xf32, #tpu.memory_space<hbm>>) target(%dma_start3A_1048 : memref<64x128xf32, #tpu.memory_space<vmem>>) offsets(%dma_start3A_1051 : memref<64xi32, #tpu.memory_space<vmem>>) semaphore(%arg15 : memref<!tpu.dma_semaphore, #tpu.memory_space<semaphore_mem>>)
      } else {
      }
      %add3A_936 = arith.constant 6 : i32
      %add3A_937 = arith.addi %mul3A_589, %add3A_936 : i32
      %rem3A_938 = arith.constant 5 : i32
      %rem3A_939 = arith.remsi %add3A_937, %rem3A_938 : i32
      %dma_wait3A_940 = arith.constant 6 : i32
      %dma_wait3A_941 = arith.constant 0 : i32
      %dma_wait3A_942 = arith.constant 0 : i32
      %dma_wait3A_943 = tpu.memref_slice %arg12[%rem3A_939, %dma_wait3A_941, %dma_wait3A_942] : memref<5x64x128xf32, #tpu.memory_space<vmem>> -> memref<1x64x128xf32, #tpu.memory_space<vmem>>
      %dma_wait3A_944 = tpu.memref_squeeze %dma_wait3A_943 : memref<1x64x128xf32, #tpu.memory_space<vmem>> -> memref<64x128xf32, #tpu.memory_space<vmem>>
      %dma_wait3A_945 = arith.constant 0 : i32
      %dma_wait3A_946 = tpu.memref_slice %arg9[%rem3A_583, %dma_wait3A_940, %dma_wait3A_945] : memref<2x8x64xi32, #tpu.memory_space<vmem>> -> memref<1x1x64xi32, #tpu.memory_space<vmem>>
      %dma_wait3A_947 = tpu.memref_squeeze %dma_wait3A_946 : memref<1x1x64xi32, #tpu.memory_space<vmem>> -> memref<64xi32, #tpu.memory_space<vmem>>
      %dma_wait3A_948 = arith.constant 0 : i32
      %dma_wait3A_949 = arith.constant 0 : i32
      %dma_wait3A_950 = tpu.memref_slice %arg2[%dma_wait3A_948, %dma_wait3A_949] : memref<10240x128xf32, #tpu.memory_space<hbm>> -> memref<10240x128xf32, #tpu.memory_space<hbm>>
      tpu.wait_indirect_dma semaphore(%arg15 : memref<!tpu.dma_semaphore, #tpu.memory_space<semaphore_mem>>) src(%dma_wait3A_950 : memref<10240x128xf32, #tpu.memory_space<hbm>>) dst(%dma_wait3A_944 : memref<64x128xf32, #tpu.memory_space<vmem>>)
      %add3A_951 = arith.constant 6 : i32
      %add3A_952 = arith.addi %mul3A_589, %add3A_951 : i32
      %rem3A_953 = arith.constant 5 : i32
      %rem3A_954 = arith.remsi %add3A_952, %rem3A_953 : i32
      %dma_start3A_955 = arith.constant 6 : i32
      %dma_start3A_956 = arith.constant 0 : i32
      %dma_start3A_957 = arith.constant 0 : i32
      %dma_start3A_958 = tpu.memref_slice %arg12[%rem3A_954, %dma_start3A_956, %dma_start3A_957] : memref<5x64x128xf32, #tpu.memory_space<vmem>> -> memref<1x64x128xf32, #tpu.memory_space<vmem>>
      %dma_start3A_959 = tpu.memref_squeeze %dma_start3A_958 : memref<1x64x128xf32, #tpu.memory_space<vmem>> -> memref<64x128xf32, #tpu.memory_space<vmem>>
      %dma_start3A_960 = arith.constant 0 : i32
      %dma_start3A_961 = tpu.memref_slice %arg10[%rem3A_583, %dma_start3A_955, %dma_start3A_960] : memref<2x8x64xi32, #tpu.memory_space<vmem>> -> memref<1x1x64xi32, #tpu.memory_space<vmem>>
      %dma_start3A_962 = tpu.memref_squeeze %dma_start3A_961 : memref<1x1x64xi32, #tpu.memory_space<vmem>> -> memref<64xi32, #tpu.memory_space<vmem>>
      %dma_start3A_963 = arith.constant 0 : i32
      %dma_start3A_964 = arith.constant 0 : i32
      %dma_start3A_965 = tpu.memref_slice %arg14[%dma_start3A_963, %dma_start3A_964] : memref<10240x128xf32, #tpu.memory_space<vmem_shared>> -> memref<10240x128xf32, #tpu.memory_space<vmem_shared>>
      tpu.enqueue_indirect_dma source(%dma_start3A_959 : memref<64x128xf32, #tpu.memory_space<vmem>>) target(%dma_start3A_965 : memref<10240x128xf32, #tpu.memory_space<vmem_shared>>) offsets(%dma_start3A_962 : memref<64xi32, #tpu.memory_space<vmem>>) semaphore(%arg16 : memref<!tpu.dma_semaphore, #tpu.memory_space<semaphore_mem>>) {add = true}
      %add3A_966 = arith.constant 5 : i32
      %add3A_967 = arith.addi %mul3A_589, %add3A_966 : i32
      %rem3A_968 = arith.constant 5 : i32
      %rem3A_969 = arith.remsi %add3A_967, %rem3A_968 : i32
      %dma_wait3A_970 = arith.constant 5 : i32
      %dma_wait3A_971 = arith.constant 0 : i32
      %dma_wait3A_972 = arith.constant 0 : i32
      %dma_wait3A_973 = tpu.memref_slice %arg12[%rem3A_969, %dma_wait3A_971, %dma_wait3A_972] : memref<5x64x128xf32, #tpu.memory_space<vmem>> -> memref<1x64x128xf32, #tpu.memory_space<vmem>>
      %dma_wait3A_974 = tpu.memref_squeeze %dma_wait3A_973 : memref<1x64x128xf32, #tpu.memory_space<vmem>> -> memref<64x128xf32, #tpu.memory_space<vmem>>
      %dma_wait3A_975 = arith.constant 0 : i32
      %dma_wait3A_976 = tpu.memref_slice %arg10[%rem3A_583, %dma_wait3A_970, %dma_wait3A_975] : memref<2x8x64xi32, #tpu.memory_space<vmem>> -> memref<1x1x64xi32, #tpu.memory_space<vmem>>
      %dma_wait3A_977 = tpu.memref_squeeze %dma_wait3A_976 : memref<1x1x64xi32, #tpu.memory_space<vmem>> -> memref<64xi32, #tpu.memory_space<vmem>>
      %dma_wait3A_978 = arith.constant 0 : i32
      %dma_wait3A_979 = arith.constant 0 : i32
      %dma_wait3A_980 = tpu.memref_slice %arg14[%dma_wait3A_978, %dma_wait3A_979] : memref<10240x128xf32, #tpu.memory_space<vmem_shared>> -> memref<10240x128xf32, #tpu.memory_space<vmem_shared>>
      tpu.wait_indirect_dma semaphore(%arg16 : memref<!tpu.dma_semaphore, #tpu.memory_space<semaphore_mem>>) src(%dma_wait3A_974 : memref<64x128xf32, #tpu.memory_space<vmem>>) dst(%dma_wait3A_980 : memref<10240x128xf32, #tpu.memory_space<vmem_shared>>)
      %add3A_981 = arith.constant 1 : i32
      %add3A_982 = arith.addi %add3A_582, %add3A_981 : i32
      %lt3A_983 = arith.constant 20 : i32
      %lt3A_984 = arith.cmpi slt, %add3A_982, %lt3A_983 : i32
      %convert_element_type3A_985 = arith.extui %lt3A_984 : i1 to i32
      %cond3A_986 = arith.constant 0 : i32
      %cond3A_987 = arith.cmpi ne, %convert_element_type3A_985, %cond3A_986 : i32
      scf.if %cond3A_987 {
        %add3A_1040 = arith.constant 10 : i32
        %add3A_1041 = arith.addi %mul3A_589, %add3A_1040 : i32
        %rem3A_1042 = arith.constant 5 : i32
        %rem3A_1043 = arith.remsi %add3A_1041, %rem3A_1042 : i32
        %dma_start3A_1044 = arith.constant 2 : i32
        %dma_start3A_1045 = arith.constant 0 : i32
        %dma_start3A_1046 = arith.constant 0 : i32
        %dma_start3A_1047 = tpu.memref_slice %arg12[%rem3A_1043, %dma_start3A_1045, %dma_start3A_1046] : memref<5x64x128xf32, #tpu.memory_space<vmem>> -> memref<1x64x128xf32, #tpu.memory_space<vmem>>
        %dma_start3A_1048 = tpu.memref_squeeze %dma_start3A_1047 : memref<1x64x128xf32, #tpu.memory_space<vmem>> -> memref<64x128xf32, #tpu.memory_space<vmem>>
        %dma_start3A_1049 = arith.constant 0 : i32
        %dma_start3A_1050 = tpu.memref_slice %arg9[%rem3A_587, %dma_start3A_1044, %dma_start3A_1049] : memref<2x8x64xi32, #tpu.memory_space<vmem>> -> memref<1x1x64xi32, #tpu.memory_space<vmem>>
        %dma_start3A_1051 = tpu.memref_squeeze %dma_start3A_1050 : memref<1x1x64xi32, #tpu.memory_space<vmem>> -> memref<64xi32, #tpu.memory_space<vmem>>
        %dma_start3A_1052 = arith.constant 0 : i32
        %dma_start3A_1053 = arith.constant 0 : i32
        %dma_start3A_1054 = tpu.memref_slice %arg2[%dma_start3A_1052, %dma_start3A_1053] : memref<10240x128xf32, #tpu.memory_space<hbm>> -> memref<10240x128xf32, #tpu.memory_space<hbm>>
        tpu.enqueue_indirect_dma source(%dma_start3A_1054 : memref<10240x128xf32, #tpu.memory_space<hbm>>) target(%dma_start3A_1048 : memref<64x128xf32, #tpu.memory_space<vmem>>) offsets(%dma_start3A_1051 : memref<64xi32, #tpu.memory_space<vmem>>) semaphore(%arg15 : memref<!tpu.dma_semaphore, #tpu.memory_space<semaphore_mem>>)
      } else {
      }
      %add3A_988 = arith.constant 7 : i32
      %add3A_989 = arith.addi %mul3A_589, %add3A_988 : i32
      %rem3A_990 = arith.constant 5 : i32
      %rem3A_991 = arith.remsi %add3A_989, %rem3A_990 : i32
      %dma_wait3A_992 = arith.constant 7 : i32
      %dma_wait3A_993 = arith.constant 0 : i32
      %dma_wait3A_994 = arith.constant 0 : i32
      %dma_wait3A_995 = tpu.memref_slice %arg12[%rem3A_991, %dma_wait3A_993, %dma_wait3A_994] : memref<5x64x128xf32, #tpu.memory_space<vmem>> -> memref<1x64x128xf32, #tpu.memory_space<vmem>>
      %dma_wait3A_996 = tpu.memref_squeeze %dma_wait3A_995 : memref<1x64x128xf32, #tpu.memory_space<vmem>> -> memref<64x128xf32, #tpu.memory_space<vmem>>
      %dma_wait3A_997 = arith.constant 0 : i32
      %dma_wait3A_998 = tpu.memref_slice %arg9[%rem3A_583, %dma_wait3A_992, %dma_wait3A_997] : memref<2x8x64xi32, #tpu.memory_space<vmem>> -> memref<1x1x64xi32, #tpu.memory_space<vmem>>
      %dma_wait3A_999 = tpu.memref_squeeze %dma_wait3A_998 : memref<1x1x64xi32, #tpu.memory_space<vmem>> -> memref<64xi32, #tpu.memory_space<vmem>>
      %dma_wait3A_1000 = arith.constant 0 : i32
      %dma_wait3A_1001 = arith.constant 0 : i32
      %dma_wait3A_1002 = tpu.memref_slice %arg2[%dma_wait3A_1000, %dma_wait3A_1001] : memref<10240x128xf32, #tpu.memory_space<hbm>> -> memref<10240x128xf32, #tpu.memory_space<hbm>>
      tpu.wait_indirect_dma semaphore(%arg15 : memref<!tpu.dma_semaphore, #tpu.memory_space<semaphore_mem>>) src(%dma_wait3A_1002 : memref<10240x128xf32, #tpu.memory_space<hbm>>) dst(%dma_wait3A_996 : memref<64x128xf32, #tpu.memory_space<vmem>>)
      %add3A_1003 = arith.constant 7 : i32
      %add3A_1004 = arith.addi %mul3A_589, %add3A_1003 : i32
      %rem3A_1005 = arith.constant 5 : i32
      %rem3A_1006 = arith.remsi %add3A_1004, %rem3A_1005 : i32
      %dma_start3A_1007 = arith.constant 7 : i32
      %dma_start3A_1008 = arith.constant 0 : i32
      %dma_start3A_1009 = arith.constant 0 : i32
      %dma_start3A_1010 = tpu.memref_slice %arg12[%rem3A_1006, %dma_start3A_1008, %dma_start3A_1009] : memref<5x64x128xf32, #tpu.memory_space<vmem>> -> memref<1x64x128xf32, #tpu.memory_space<vmem>>
      %dma_start3A_1011 = tpu.memref_squeeze %dma_start3A_1010 : memref<1x64x128xf32, #tpu.memory_space<vmem>> -> memref<64x128xf32, #tpu.memory_space<vmem>>
      %dma_start3A_1012 = arith.constant 0 : i32
      %dma_start3A_1013 = tpu.memref_slice %arg10[%rem3A_583, %dma_start3A_1007, %dma_start3A_1012] : memref<2x8x64xi32, #tpu.memory_space<vmem>> -> memref<1x1x64xi32, #tpu.memory_space<vmem>>
      %dma_start3A_1014 = tpu.memref_squeeze %dma_start3A_1013 : memref<1x1x64xi32, #tpu.memory_space<vmem>> -> memref<64xi32, #tpu.memory_space<vmem>>
      %dma_start3A_1015 = arith.constant 0 : i32
      %dma_start3A_1016 = arith.constant 0 : i32
      %dma_start3A_1017 = tpu.memref_slice %arg14[%dma_start3A_1015, %dma_start3A_1016] : memref<10240x128xf32, #tpu.memory_space<vmem_shared>> -> memref<10240x128xf32, #tpu.memory_space<vmem_shared>>
      tpu.enqueue_indirect_dma source(%dma_start3A_1011 : memref<64x128xf32, #tpu.memory_space<vmem>>) target(%dma_start3A_1017 : memref<10240x128xf32, #tpu.memory_space<vmem_shared>>) offsets(%dma_start3A_1014 : memref<64xi32, #tpu.memory_space<vmem>>) semaphore(%arg16 : memref<!tpu.dma_semaphore, #tpu.memory_space<semaphore_mem>>) {add = true}
      %add3A_1018 = arith.constant 6 : i32
      %add3A_1019 = arith.addi %mul3A_589, %add3A_1018 : i32
      %rem3A_1020 = arith.constant 5 : i32
      %rem3A_1021 = arith.remsi %add3A_1019, %rem3A_1020 : i32
      %dma_wait3A_1022 = arith.constant 6 : i32
      %dma_wait3A_1023 = arith.constant 0 : i32
      %dma_wait3A_1024 = arith.constant 0 : i32
      %dma_wait3A_1025 = tpu.memref_slice %arg12[%rem3A_1021, %dma_wait3A_1023, %dma_wait3A_1024] : memref<5x64x128xf32, #tpu.memory_space<vmem>> -> memref<1x64x128xf32, #tpu.memory_space<vmem>>
      %dma_wait3A_1026 = tpu.memref_squeeze %dma_wait3A_1025 : memref<1x64x128xf32, #tpu.memory_space<vmem>> -> memref<64x128xf32, #tpu.memory_space<vmem>>
      %dma_wait3A_1027 = arith.constant 0 : i32
      %dma_wait3A_1028 = tpu.memref_slice %arg10[%rem3A_583, %dma_wait3A_1022, %dma_wait3A_1027] : memref<2x8x64xi32, #tpu.memory_space<vmem>> -> memref<1x1x64xi32, #tpu.memory_space<vmem>>
      %dma_wait3A_1029 = tpu.memref_squeeze %dma_wait3A_1028 : memref<1x1x64xi32, #tpu.memory_space<vmem>> -> memref<64xi32, #tpu.memory_space<vmem>>
      %dma_wait3A_1030 = arith.constant 0 : i32
      %dma_wait3A_1031 = arith.constant 0 : i32
      %dma_wait3A_1032 = tpu.memref_slice %arg14[%dma_wait3A_1030, %dma_wait3A_1031] : memref<10240x128xf32, #tpu.memory_space<vmem_shared>> -> memref<10240x128xf32, #tpu.memory_space<vmem_shared>>
      tpu.wait_indirect_dma semaphore(%arg16 : memref<!tpu.dma_semaphore, #tpu.memory_space<semaphore_mem>>) src(%dma_wait3A_1026 : memref<64x128xf32, #tpu.memory_space<vmem>>) dst(%dma_wait3A_1032 : memref<10240x128xf32, #tpu.memory_space<vmem_shared>>)
      %add3A_1033 = arith.constant 1 : i32
      %add3A_1034 = arith.addi %add3A_582, %add3A_1033 : i32
      %lt3A_1035 = arith.constant 20 : i32
      %lt3A_1036 = arith.cmpi slt, %add3A_1034, %lt3A_1035 : i32
      %convert_element_type3A_1037 = arith.extui %lt3A_1036 : i1 to i32
      %cond3A_1038 = arith.constant 0 : i32
      %cond3A_1039 = arith.cmpi ne, %convert_element_type3A_1037, %cond3A_1038 : i32
      scf.if %cond3A_1039 {
        %add3A_1040 = arith.constant 11 : i32
        %add3A_1041 = arith.addi %mul3A_589, %add3A_1040 : i32
        %rem3A_1042 = arith.constant 5 : i32
        %rem3A_1043 = arith.remsi %add3A_1041, %rem3A_1042 : i32
        %dma_start3A_1044 = arith.constant 3 : i32
        %dma_start3A_1045 = arith.constant 0 : i32
        %dma_start3A_1046 = arith.constant 0 : i32
        %dma_start3A_1047 = tpu.memref_slice %arg12[%rem3A_1043, %dma_start3A_1045, %dma_start3A_1046] : memref<5x64x128xf32, #tpu.memory_space<vmem>> -> memref<1x64x128xf32, #tpu.memory_space<vmem>>
        %dma_start3A_1048 = tpu.memref_squeeze %dma_start3A_1047 : memref<1x64x128xf32, #tpu.memory_space<vmem>> -> memref<64x128xf32, #tpu.memory_space<vmem>>
        %dma_start3A_1049 = arith.constant 0 : i32
        %dma_start3A_1050 = tpu.memref_slice %arg9[%rem3A_587, %dma_start3A_1044, %dma_start3A_1049] : memref<2x8x64xi32, #tpu.memory_space<vmem>> -> memref<1x1x64xi32, #tpu.memory_space<vmem>>
        %dma_start3A_1051 = tpu.memref_squeeze %dma_start3A_1050 : memref<1x1x64xi32, #tpu.memory_space<vmem>> -> memref<64xi32, #tpu.memory_space<vmem>>
        %dma_start3A_1052 = arith.constant 0 : i32
        %dma_start3A_1053 = arith.constant 0 : i32
        %dma_start3A_1054 = tpu.memref_slice %arg2[%dma_start3A_1052, %dma_start3A_1053] : memref<10240x128xf32, #tpu.memory_space<hbm>> -> memref<10240x128xf32, #tpu.memory_space<hbm>>
        tpu.enqueue_indirect_dma source(%dma_start3A_1054 : memref<10240x128xf32, #tpu.memory_space<hbm>>) target(%dma_start3A_1048 : memref<64x128xf32, #tpu.memory_space<vmem>>) offsets(%dma_start3A_1051 : memref<64xi32, #tpu.memory_space<vmem>>) semaphore(%arg15 : memref<!tpu.dma_semaphore, #tpu.memory_space<semaphore_mem>>)
      } else {
      }
    }
    %scan3A_385 = arith.constant 20 : i32
    %dma_wait3A_386 = arith.constant 4 : i32
    %dma_wait3A_387 = arith.constant 1 : i32
    %dma_wait3A_388 = arith.constant 7 : i32
    %dma_wait3A_389 = arith.constant 0 : i32
    %dma_wait3A_390 = arith.constant 0 : i32
    %dma_wait3A_391 = tpu.memref_slice %arg12[%dma_wait3A_386, %dma_wait3A_389, %dma_wait3A_390] : memref<5x64x128xf32, #tpu.memory_space<vmem>> -> memref<1x64x128xf32, #tpu.memory_space<vmem>>
    %dma_wait3A_392 = tpu.memref_squeeze %dma_wait3A_391 : memref<1x64x128xf32, #tpu.memory_space<vmem>> -> memref<64x128xf32, #tpu.memory_space<vmem>>
    %dma_wait3A_393 = arith.constant 0 : i32
    %dma_wait3A_394 = tpu.memref_slice %arg10[%dma_wait3A_387, %dma_wait3A_388, %dma_wait3A_393] : memref<2x8x64xi32, #tpu.memory_space<vmem>> -> memref<1x1x64xi32, #tpu.memory_space<vmem>>
    %dma_wait3A_395 = tpu.memref_squeeze %dma_wait3A_394 : memref<1x1x64xi32, #tpu.memory_space<vmem>> -> memref<64xi32, #tpu.memory_space<vmem>>
    %dma_wait3A_396 = arith.constant 0 : i32
    %dma_wait3A_397 = arith.constant 0 : i32
    %dma_wait3A_398 = tpu.memref_slice %arg14[%dma_wait3A_396, %dma_wait3A_397] : memref<10240x128xf32, #tpu.memory_space<vmem_shared>> -> memref<10240x128xf32, #tpu.memory_space<vmem_shared>>
    tpu.wait_indirect_dma semaphore(%arg16 : memref<!tpu.dma_semaphore, #tpu.memory_space<semaphore_mem>>) src(%dma_wait3A_392 : memref<64x128xf32, #tpu.memory_space<vmem>>) dst(%dma_wait3A_398 : memref<10240x128xf32, #tpu.memory_space<vmem_shared>>)
    %barrier3A_399 = arith.constant 0 : index
    tpu.barrier barrier_id(%barrier3A_399)
    %dma_start3A_400 = arith.constant 0 : i32
    %dma_start3A_401 = arith.constant 0 : i32
    %dma_start3A_402 = arith.constant 0 : i32
    %dma_start3A_403 = arith.constant 0 : i32
    %dma_start3A_404 = tpu.memref_slice %arg12[%dma_start3A_401, %dma_start3A_402, %dma_start3A_403] : memref<5x64x128xf32, #tpu.memory_space<vmem>> -> memref<1x64x128xf32, #tpu.memory_space<vmem>>
    %dma_start3A_405 = tpu.memref_squeeze %dma_start3A_404 : memref<1x64x128xf32, #tpu.memory_space<vmem>> -> memref<64x128xf32, #tpu.memory_space<vmem>>
    %dma_start3A_406 = arith.constant 0 : i32
    %dma_start3A_407 = tpu.memref_slice %arg11[%dma_start3A_400, %dma_start3A_406] : memref<2x128xi32, #tpu.memory_space<vmem>> -> memref<1x64xi32, #tpu.memory_space<vmem>>
    %dma_start3A_408 = tpu.memref_squeeze %dma_start3A_407 : memref<1x64xi32, #tpu.memory_space<vmem>> -> memref<64xi32, #tpu.memory_space<vmem>>
    %dma_start3A_409 = arith.constant 0 : i32
    %dma_start3A_410 = arith.constant 0 : i32
    %dma_start3A_411 = tpu.memref_slice %arg14[%dma_start3A_409, %dma_start3A_410] : memref<10240x128xf32, #tpu.memory_space<vmem_shared>> -> memref<10240x128xf32, #tpu.memory_space<vmem_shared>>
    tpu.enqueue_indirect_dma source(%dma_start3A_411 : memref<10240x128xf32, #tpu.memory_space<vmem_shared>>) target(%dma_start3A_405 : memref<64x128xf32, #tpu.memory_space<vmem>>) offsets(%dma_start3A_408 : memref<64xi32, #tpu.memory_space<vmem>>) semaphore(%arg15 : memref<!tpu.dma_semaphore, #tpu.memory_space<semaphore_mem>>)
    %dma_wait3A_412 = arith.constant 0 : i32
    %dma_wait3A_413 = arith.constant 0 : i32
    %dma_wait3A_414 = arith.constant 0 : i32
    %dma_wait3A_415 = arith.constant 0 : i32
    %dma_wait3A_416 = tpu.memref_slice %arg12[%dma_wait3A_413, %dma_wait3A_414, %dma_wait3A_415] : memref<5x64x128xf32, #tpu.memory_space<vmem>> -> memref<1x64x128xf32, #tpu.memory_space<vmem>>
    %dma_wait3A_417 = tpu.memref_squeeze %dma_wait3A_416 : memref<1x64x128xf32, #tpu.memory_space<vmem>> -> memref<64x128xf32, #tpu.memory_space<vmem>>
    %dma_wait3A_418 = arith.constant 0 : i32
    %dma_wait3A_419 = tpu.memref_slice %arg11[%dma_wait3A_412, %dma_wait3A_418] : memref<2x128xi32, #tpu.memory_space<vmem>> -> memref<1x64xi32, #tpu.memory_space<vmem>>
    %dma_wait3A_420 = tpu.memref_squeeze %dma_wait3A_419 : memref<1x64xi32, #tpu.memory_space<vmem>> -> memref<64xi32, #tpu.memory_space<vmem>>
    %dma_wait3A_421 = arith.constant 0 : i32
    %dma_wait3A_422 = arith.constant 0 : i32
    %dma_wait3A_423 = tpu.memref_slice %arg14[%dma_wait3A_421, %dma_wait3A_422] : memref<10240x128xf32, #tpu.memory_space<vmem_shared>> -> memref<10240x128xf32, #tpu.memory_space<vmem_shared>>
    tpu.wait_indirect_dma semaphore(%arg15 : memref<!tpu.dma_semaphore, #tpu.memory_space<semaphore_mem>>) src(%dma_wait3A_423 : memref<10240x128xf32, #tpu.memory_space<vmem_shared>>) dst(%dma_wait3A_417 : memref<64x128xf32, #tpu.memory_space<vmem>>)
    %mul3A_424 = arith.constant 256 : i32
    %mul3A_425 = arith.muli %arg1, %mul3A_424 : i32
    %add3A_426 = arith.constant 0 : i32
    %add3A_427 = arith.addi %mul3A_425, %add3A_426 : i32
    %run_scoped3A_428 = arith.constant 0 : i32
    "tpu.region"() ({
      %run_scoped3A_578 = tpu.sem_alloc : memref<!tpu.dma_semaphore, #tpu.memory_space<semaphore_mem>>
      %dma_start3A_579 = arith.constant 0 : i32
      %dma_start3A_580 = arith.constant 0 : i32
      %dma_start3A_581 = tpu.memref_slice %arg12[%run_scoped3A_428, %dma_start3A_579, %dma_start3A_580] : memref<5x64x128xf32, #tpu.memory_space<vmem>> -> memref<1x64x128xf32, #tpu.memory_space<vmem>>
      %dma_start3A_582 = tpu.memref_squeeze %dma_start3A_581 : memref<1x64x128xf32, #tpu.memory_space<vmem>> -> memref<64x128xf32, #tpu.memory_space<vmem>>
      %dma_start3A_583 = arith.constant 0 : i32
      %dma_start3A_584 = tpu.memref_slice %arg6[%arg0, %add3A_427, %dma_start3A_583] : memref<2x4096x128xf32, #tpu.memory_space<hbm>> -> memref<1x64x128xf32, #tpu.memory_space<hbm>>
      %dma_start3A_585 = tpu.memref_squeeze %dma_start3A_584 : memref<1x64x128xf32, #tpu.memory_space<hbm>> -> memref<64x128xf32, #tpu.memory_space<hbm>>
      %dma_start3A_586 = arith.constant 0 : i32
      %dma_start3A_587 = tpu.memref_slice %arg6[%arg0, %add3A_427, %dma_start3A_586] : memref<2x4096x128xf32, #tpu.memory_space<hbm>> -> memref<1x64x128xf32, #tpu.memory_space<hbm>>
      %dma_start3A_588 = tpu.memref_squeeze %dma_start3A_587 : memref<1x64x128xf32, #tpu.memory_space<hbm>> -> memref<64x128xf32, #tpu.memory_space<hbm>>
      %dma_start3A_589 = arith.constant 0 : i32
      %dma_start3A_590 = arith.constant 0 : i32
      %dma_start3A_591 = tpu.memref_slice %arg12[%run_scoped3A_428, %dma_start3A_589, %dma_start3A_590] : memref<5x64x128xf32, #tpu.memory_space<vmem>> -> memref<1x64x128xf32, #tpu.memory_space<vmem>>
      %dma_start3A_592 = tpu.memref_squeeze %dma_start3A_591 : memref<1x64x128xf32, #tpu.memory_space<vmem>> -> memref<64x128xf32, #tpu.memory_space<vmem>>
      tpu.enqueue_dma source(%dma_start3A_592 : memref<64x128xf32, #tpu.memory_space<vmem>>) target(%dma_start3A_588 : memref<64x128xf32, #tpu.memory_space<hbm>>) target_semaphore(%run_scoped3A_578 : memref<!tpu.dma_semaphore, #tpu.memory_space<semaphore_mem>>)
      %dma_wait3A_593 = arith.constant 0 : i32
      %dma_wait3A_594 = arith.constant 0 : i32
      %dma_wait3A_595 = tpu.memref_slice %arg12[%run_scoped3A_428, %dma_wait3A_593, %dma_wait3A_594] : memref<5x64x128xf32, #tpu.memory_space<vmem>> -> memref<1x64x128xf32, #tpu.memory_space<vmem>>
      %dma_wait3A_596 = tpu.memref_squeeze %dma_wait3A_595 : memref<1x64x128xf32, #tpu.memory_space<vmem>> -> memref<64x128xf32, #tpu.memory_space<vmem>>
      %dma_wait3A_597 = arith.constant 0 : i32
      %dma_wait3A_598 = tpu.memref_slice %arg6[%arg0, %add3A_427, %dma_wait3A_597] : memref<2x4096x128xf32, #tpu.memory_space<hbm>> -> memref<1x64x128xf32, #tpu.memory_space<hbm>>
      %dma_wait3A_599 = tpu.memref_squeeze %dma_wait3A_598 : memref<1x64x128xf32, #tpu.memory_space<hbm>> -> memref<64x128xf32, #tpu.memory_space<hbm>>
      %dma_wait3A_600 = arith.constant 0 : i32
      %dma_wait3A_601 = tpu.memref_slice %arg6[%arg0, %add3A_427, %dma_wait3A_600] : memref<2x4096x128xf32, #tpu.memory_space<hbm>> -> memref<1x64x128xf32, #tpu.memory_space<hbm>>
      %dma_wait3A_602 = tpu.memref_squeeze %dma_wait3A_601 : memref<1x64x128xf32, #tpu.memory_space<hbm>> -> memref<64x128xf32, #tpu.memory_space<hbm>>
      %dma_wait3A_603 = arith.constant 0 : i32
      %dma_wait3A_604 = arith.constant 0 : i32
      %dma_wait3A_605 = tpu.memref_slice %arg12[%run_scoped3A_428, %dma_wait3A_603, %dma_wait3A_604] : memref<5x64x128xf32, #tpu.memory_space<vmem>> -> memref<1x64x128xf32, #tpu.memory_space<vmem>>
      %dma_wait3A_606 = tpu.memref_squeeze %dma_wait3A_605 : memref<1x64x128xf32, #tpu.memory_space<vmem>> -> memref<64x128xf32, #tpu.memory_space<vmem>>
      tpu.wait_dma2 semaphore(%run_scoped3A_578 : memref<!tpu.dma_semaphore, #tpu.memory_space<semaphore_mem>>) src(%dma_wait3A_606 : memref<64x128xf32, #tpu.memory_space<vmem>>) dst(%dma_wait3A_602 : memref<64x128xf32, #tpu.memory_space<hbm>>)
      tpu.yield
    }) : () -> ()
    %dma_start3A_429 = arith.constant 0 : i32
    %dma_start3A_430 = arith.constant 1 : i32
    %dma_start3A_431 = arith.constant 0 : i32
    %dma_start3A_432 = arith.constant 0 : i32
    %dma_start3A_433 = tpu.memref_slice %arg12[%dma_start3A_430, %dma_start3A_431, %dma_start3A_432] : memref<5x64x128xf32, #tpu.memory_space<vmem>> -> memref<1x64x128xf32, #tpu.memory_space<vmem>>
    %dma_start3A_434 = tpu.memref_squeeze %dma_start3A_433 : memref<1x64x128xf32, #tpu.memory_space<vmem>> -> memref<64x128xf32, #tpu.memory_space<vmem>>
    %dma_start3A_435 = arith.constant 64 : i32
    %dma_start3A_436 = tpu.memref_slice %arg11[%dma_start3A_429, %dma_start3A_435] : memref<2x128xi32, #tpu.memory_space<vmem>> -> memref<1x64xi32, #tpu.memory_space<vmem>>
    %dma_start3A_437 = tpu.memref_squeeze %dma_start3A_436 : memref<1x64xi32, #tpu.memory_space<vmem>> -> memref<64xi32, #tpu.memory_space<vmem>>
    %dma_start3A_438 = arith.constant 0 : i32
    %dma_start3A_439 = arith.constant 0 : i32
    %dma_start3A_440 = tpu.memref_slice %arg14[%dma_start3A_438, %dma_start3A_439] : memref<10240x128xf32, #tpu.memory_space<vmem_shared>> -> memref<10240x128xf32, #tpu.memory_space<vmem_shared>>
    tpu.enqueue_indirect_dma source(%dma_start3A_440 : memref<10240x128xf32, #tpu.memory_space<vmem_shared>>) target(%dma_start3A_434 : memref<64x128xf32, #tpu.memory_space<vmem>>) offsets(%dma_start3A_437 : memref<64xi32, #tpu.memory_space<vmem>>) semaphore(%arg15 : memref<!tpu.dma_semaphore, #tpu.memory_space<semaphore_mem>>)
    %dma_wait3A_441 = arith.constant 0 : i32
    %dma_wait3A_442 = arith.constant 1 : i32
    %dma_wait3A_443 = arith.constant 0 : i32
    %dma_wait3A_444 = arith.constant 0 : i32
    %dma_wait3A_445 = tpu.memref_slice %arg12[%dma_wait3A_442, %dma_wait3A_443, %dma_wait3A_444] : memref<5x64x128xf32, #tpu.memory_space<vmem>> -> memref<1x64x128xf32, #tpu.memory_space<vmem>>
    %dma_wait3A_446 = tpu.memref_squeeze %dma_wait3A_445 : memref<1x64x128xf32, #tpu.memory_space<vmem>> -> memref<64x128xf32, #tpu.memory_space<vmem>>
    %dma_wait3A_447 = arith.constant 64 : i32
    %dma_wait3A_448 = tpu.memref_slice %arg11[%dma_wait3A_441, %dma_wait3A_447] : memref<2x128xi32, #tpu.memory_space<vmem>> -> memref<1x64xi32, #tpu.memory_space<vmem>>
    %dma_wait3A_449 = tpu.memref_squeeze %dma_wait3A_448 : memref<1x64xi32, #tpu.memory_space<vmem>> -> memref<64xi32, #tpu.memory_space<vmem>>
    %dma_wait3A_450 = arith.constant 0 : i32
    %dma_wait3A_451 = arith.constant 0 : i32
    %dma_wait3A_452 = tpu.memref_slice %arg14[%dma_wait3A_450, %dma_wait3A_451] : memref<10240x128xf32, #tpu.memory_space<vmem_shared>> -> memref<10240x128xf32, #tpu.memory_space<vmem_shared>>
    tpu.wait_indirect_dma semaphore(%arg15 : memref<!tpu.dma_semaphore, #tpu.memory_space<semaphore_mem>>) src(%dma_wait3A_452 : memref<10240x128xf32, #tpu.memory_space<vmem_shared>>) dst(%dma_wait3A_446 : memref<64x128xf32, #tpu.memory_space<vmem>>)
    %mul3A_453 = arith.constant 256 : i32
    %mul3A_454 = arith.muli %arg1, %mul3A_453 : i32
    %add3A_455 = arith.constant 64 : i32
    %add3A_456 = arith.addi %mul3A_454, %add3A_455 : i32
    %run_scoped3A_457 = arith.constant 1 : i32
    "tpu.region"() ({
      %run_scoped3A_578 = tpu.sem_alloc : memref<!tpu.dma_semaphore, #tpu.memory_space<semaphore_mem>>
      %dma_start3A_579 = arith.constant 0 : i32
      %dma_start3A_580 = arith.constant 0 : i32
      %dma_start3A_581 = tpu.memref_slice %arg12[%run_scoped3A_457, %dma_start3A_579, %dma_start3A_580] : memref<5x64x128xf32, #tpu.memory_space<vmem>> -> memref<1x64x128xf32, #tpu.memory_space<vmem>>
      %dma_start3A_582 = tpu.memref_squeeze %dma_start3A_581 : memref<1x64x128xf32, #tpu.memory_space<vmem>> -> memref<64x128xf32, #tpu.memory_space<vmem>>
      %dma_start3A_583 = arith.constant 0 : i32
      %dma_start3A_584 = tpu.memref_slice %arg6[%arg0, %add3A_456, %dma_start3A_583] : memref<2x4096x128xf32, #tpu.memory_space<hbm>> -> memref<1x64x128xf32, #tpu.memory_space<hbm>>
      %dma_start3A_585 = tpu.memref_squeeze %dma_start3A_584 : memref<1x64x128xf32, #tpu.memory_space<hbm>> -> memref<64x128xf32, #tpu.memory_space<hbm>>
      %dma_start3A_586 = arith.constant 0 : i32
      %dma_start3A_587 = tpu.memref_slice %arg6[%arg0, %add3A_456, %dma_start3A_586] : memref<2x4096x128xf32, #tpu.memory_space<hbm>> -> memref<1x64x128xf32, #tpu.memory_space<hbm>>
      %dma_start3A_588 = tpu.memref_squeeze %dma_start3A_587 : memref<1x64x128xf32, #tpu.memory_space<hbm>> -> memref<64x128xf32, #tpu.memory_space<hbm>>
      %dma_start3A_589 = arith.constant 0 : i32
      %dma_start3A_590 = arith.constant 0 : i32
      %dma_start3A_591 = tpu.memref_slice %arg12[%run_scoped3A_457, %dma_start3A_589, %dma_start3A_590] : memref<5x64x128xf32, #tpu.memory_space<vmem>> -> memref<1x64x128xf32, #tpu.memory_space<vmem>>
      %dma_start3A_592 = tpu.memref_squeeze %dma_start3A_591 : memref<1x64x128xf32, #tpu.memory_space<vmem>> -> memref<64x128xf32, #tpu.memory_space<vmem>>
      tpu.enqueue_dma source(%dma_start3A_592 : memref<64x128xf32, #tpu.memory_space<vmem>>) target(%dma_start3A_588 : memref<64x128xf32, #tpu.memory_space<hbm>>) target_semaphore(%run_scoped3A_578 : memref<!tpu.dma_semaphore, #tpu.memory_space<semaphore_mem>>)
      %dma_wait3A_593 = arith.constant 0 : i32
      %dma_wait3A_594 = arith.constant 0 : i32
      %dma_wait3A_595 = tpu.memref_slice %arg12[%run_scoped3A_457, %dma_wait3A_593, %dma_wait3A_594] : memref<5x64x128xf32, #tpu.memory_space<vmem>> -> memref<1x64x128xf32, #tpu.memory_space<vmem>>
      %dma_wait3A_596 = tpu.memref_squeeze %dma_wait3A_595 : memref<1x64x128xf32, #tpu.memory_space<vmem>> -> memref<64x128xf32, #tpu.memory_space<vmem>>
      %dma_wait3A_597 = arith.constant 0 : i32
      %dma_wait3A_598 = tpu.memref_slice %arg6[%arg0, %add3A_456, %dma_wait3A_597] : memref<2x4096x128xf32, #tpu.memory_space<hbm>> -> memref<1x64x128xf32, #tpu.memory_space<hbm>>
      %dma_wait3A_599 = tpu.memref_squeeze %dma_wait3A_598 : memref<1x64x128xf32, #tpu.memory_space<hbm>> -> memref<64x128xf32, #tpu.memory_space<hbm>>
      %dma_wait3A_600 = arith.constant 0 : i32
      %dma_wait3A_601 = tpu.memref_slice %arg6[%arg0, %add3A_456, %dma_wait3A_600] : memref<2x4096x128xf32, #tpu.memory_space<hbm>> -> memref<1x64x128xf32, #tpu.memory_space<hbm>>
      %dma_wait3A_602 = tpu.memref_squeeze %dma_wait3A_601 : memref<1x64x128xf32, #tpu.memory_space<hbm>> -> memref<64x128xf32, #tpu.memory_space<hbm>>
      %dma_wait3A_603 = arith.constant 0 : i32
      %dma_wait3A_604 = arith.constant 0 : i32
      %dma_wait3A_605 = tpu.memref_slice %arg12[%run_scoped3A_457, %dma_wait3A_603, %dma_wait3A_604] : memref<5x64x128xf32, #tpu.memory_space<vmem>> -> memref<1x64x128xf32, #tpu.memory_space<vmem>>
      %dma_wait3A_606 = tpu.memref_squeeze %dma_wait3A_605 : memref<1x64x128xf32, #tpu.memory_space<vmem>> -> memref<64x128xf32, #tpu.memory_space<vmem>>
      tpu.wait_dma2 semaphore(%run_scoped3A_578 : memref<!tpu.dma_semaphore, #tpu.memory_space<semaphore_mem>>) src(%dma_wait3A_606 : memref<64x128xf32, #tpu.memory_space<vmem>>) dst(%dma_wait3A_602 : memref<64x128xf32, #tpu.memory_space<hbm>>)
      tpu.yield
    }) : () -> ()
    %dma_start3A_458 = arith.constant 1 : i32
    %dma_start3A_459 = arith.constant 2 : i32
    %dma_start3A_460 = arith.constant 0 : i32
    %dma_start3A_461 = arith.constant 0 : i32
    %dma_start3A_462 = tpu.memref_slice %arg12[%dma_start3A_459, %dma_start3A_460, %dma_start3A_461] : memref<5x64x128xf32, #tpu.memory_space<vmem>> -> memref<1x64x128xf32, #tpu.memory_space<vmem>>
    %dma_start3A_463 = tpu.memref_squeeze %dma_start3A_462 : memref<1x64x128xf32, #tpu.memory_space<vmem>> -> memref<64x128xf32, #tpu.memory_space<vmem>>
    %dma_start3A_464 = arith.constant 0 : i32
    %dma_start3A_465 = tpu.memref_slice %arg11[%dma_start3A_458, %dma_start3A_464] : memref<2x128xi32, #tpu.memory_space<vmem>> -> memref<1x64xi32, #tpu.memory_space<vmem>>
    %dma_start3A_466 = tpu.memref_squeeze %dma_start3A_465 : memref<1x64xi32, #tpu.memory_space<vmem>> -> memref<64xi32, #tpu.memory_space<vmem>>
    %dma_start3A_467 = arith.constant 0 : i32
    %dma_start3A_468 = arith.constant 0 : i32
    %dma_start3A_469 = tpu.memref_slice %arg14[%dma_start3A_467, %dma_start3A_468] : memref<10240x128xf32, #tpu.memory_space<vmem_shared>> -> memref<10240x128xf32, #tpu.memory_space<vmem_shared>>
    tpu.enqueue_indirect_dma source(%dma_start3A_469 : memref<10240x128xf32, #tpu.memory_space<vmem_shared>>) target(%dma_start3A_463 : memref<64x128xf32, #tpu.memory_space<vmem>>) offsets(%dma_start3A_466 : memref<64xi32, #tpu.memory_space<vmem>>) semaphore(%arg15 : memref<!tpu.dma_semaphore, #tpu.memory_space<semaphore_mem>>)
    %dma_wait3A_470 = arith.constant 1 : i32
    %dma_wait3A_471 = arith.constant 2 : i32
    %dma_wait3A_472 = arith.constant 0 : i32
    %dma_wait3A_473 = arith.constant 0 : i32
    %dma_wait3A_474 = tpu.memref_slice %arg12[%dma_wait3A_471, %dma_wait3A_472, %dma_wait3A_473] : memref<5x64x128xf32, #tpu.memory_space<vmem>> -> memref<1x64x128xf32, #tpu.memory_space<vmem>>
    %dma_wait3A_475 = tpu.memref_squeeze %dma_wait3A_474 : memref<1x64x128xf32, #tpu.memory_space<vmem>> -> memref<64x128xf32, #tpu.memory_space<vmem>>
    %dma_wait3A_476 = arith.constant 0 : i32
    %dma_wait3A_477 = tpu.memref_slice %arg11[%dma_wait3A_470, %dma_wait3A_476] : memref<2x128xi32, #tpu.memory_space<vmem>> -> memref<1x64xi32, #tpu.memory_space<vmem>>
    %dma_wait3A_478 = tpu.memref_squeeze %dma_wait3A_477 : memref<1x64xi32, #tpu.memory_space<vmem>> -> memref<64xi32, #tpu.memory_space<vmem>>
    %dma_wait3A_479 = arith.constant 0 : i32
    %dma_wait3A_480 = arith.constant 0 : i32
    %dma_wait3A_481 = tpu.memref_slice %arg14[%dma_wait3A_479, %dma_wait3A_480] : memref<10240x128xf32, #tpu.memory_space<vmem_shared>> -> memref<10240x128xf32, #tpu.memory_space<vmem_shared>>
    tpu.wait_indirect_dma semaphore(%arg15 : memref<!tpu.dma_semaphore, #tpu.memory_space<semaphore_mem>>) src(%dma_wait3A_481 : memref<10240x128xf32, #tpu.memory_space<vmem_shared>>) dst(%dma_wait3A_475 : memref<64x128xf32, #tpu.memory_space<vmem>>)
    %mul3A_482 = arith.constant 256 : i32
    %mul3A_483 = arith.muli %arg1, %mul3A_482 : i32
    %add3A_484 = arith.constant 128 : i32
    %add3A_485 = arith.addi %mul3A_483, %add3A_484 : i32
    %run_scoped3A_486 = arith.constant 2 : i32
    "tpu.region"() ({
      %run_scoped3A_578 = tpu.sem_alloc : memref<!tpu.dma_semaphore, #tpu.memory_space<semaphore_mem>>
      %dma_start3A_579 = arith.constant 0 : i32
      %dma_start3A_580 = arith.constant 0 : i32
      %dma_start3A_581 = tpu.memref_slice %arg12[%run_scoped3A_486, %dma_start3A_579, %dma_start3A_580] : memref<5x64x128xf32, #tpu.memory_space<vmem>> -> memref<1x64x128xf32, #tpu.memory_space<vmem>>
      %dma_start3A_582 = tpu.memref_squeeze %dma_start3A_581 : memref<1x64x128xf32, #tpu.memory_space<vmem>> -> memref<64x128xf32, #tpu.memory_space<vmem>>
      %dma_start3A_583 = arith.constant 0 : i32
      %dma_start3A_584 = tpu.memref_slice %arg6[%arg0, %add3A_485, %dma_start3A_583] : memref<2x4096x128xf32, #tpu.memory_space<hbm>> -> memref<1x64x128xf32, #tpu.memory_space<hbm>>
      %dma_start3A_585 = tpu.memref_squeeze %dma_start3A_584 : memref<1x64x128xf32, #tpu.memory_space<hbm>> -> memref<64x128xf32, #tpu.memory_space<hbm>>
      %dma_start3A_586 = arith.constant 0 : i32
      %dma_start3A_587 = tpu.memref_slice %arg6[%arg0, %add3A_485, %dma_start3A_586] : memref<2x4096x128xf32, #tpu.memory_space<hbm>> -> memref<1x64x128xf32, #tpu.memory_space<hbm>>
      %dma_start3A_588 = tpu.memref_squeeze %dma_start3A_587 : memref<1x64x128xf32, #tpu.memory_space<hbm>> -> memref<64x128xf32, #tpu.memory_space<hbm>>
      %dma_start3A_589 = arith.constant 0 : i32
      %dma_start3A_590 = arith.constant 0 : i32
      %dma_start3A_591 = tpu.memref_slice %arg12[%run_scoped3A_486, %dma_start3A_589, %dma_start3A_590] : memref<5x64x128xf32, #tpu.memory_space<vmem>> -> memref<1x64x128xf32, #tpu.memory_space<vmem>>
      %dma_start3A_592 = tpu.memref_squeeze %dma_start3A_591 : memref<1x64x128xf32, #tpu.memory_space<vmem>> -> memref<64x128xf32, #tpu.memory_space<vmem>>
      tpu.enqueue_dma source(%dma_start3A_592 : memref<64x128xf32, #tpu.memory_space<vmem>>) target(%dma_start3A_588 : memref<64x128xf32, #tpu.memory_space<hbm>>) target_semaphore(%run_scoped3A_578 : memref<!tpu.dma_semaphore, #tpu.memory_space<semaphore_mem>>)
      %dma_wait3A_593 = arith.constant 0 : i32
      %dma_wait3A_594 = arith.constant 0 : i32
      %dma_wait3A_595 = tpu.memref_slice %arg12[%run_scoped3A_486, %dma_wait3A_593, %dma_wait3A_594] : memref<5x64x128xf32, #tpu.memory_space<vmem>> -> memref<1x64x128xf32, #tpu.memory_space<vmem>>
      %dma_wait3A_596 = tpu.memref_squeeze %dma_wait3A_595 : memref<1x64x128xf32, #tpu.memory_space<vmem>> -> memref<64x128xf32, #tpu.memory_space<vmem>>
      %dma_wait3A_597 = arith.constant 0 : i32
      %dma_wait3A_598 = tpu.memref_slice %arg6[%arg0, %add3A_485, %dma_wait3A_597] : memref<2x4096x128xf32, #tpu.memory_space<hbm>> -> memref<1x64x128xf32, #tpu.memory_space<hbm>>
      %dma_wait3A_599 = tpu.memref_squeeze %dma_wait3A_598 : memref<1x64x128xf32, #tpu.memory_space<hbm>> -> memref<64x128xf32, #tpu.memory_space<hbm>>
      %dma_wait3A_600 = arith.constant 0 : i32
      %dma_wait3A_601 = tpu.memref_slice %arg6[%arg0, %add3A_485, %dma_wait3A_600] : memref<2x4096x128xf32, #tpu.memory_space<hbm>> -> memref<1x64x128xf32, #tpu.memory_space<hbm>>
      %dma_wait3A_602 = tpu.memref_squeeze %dma_wait3A_601 : memref<1x64x128xf32, #tpu.memory_space<hbm>> -> memref<64x128xf32, #tpu.memory_space<hbm>>
      %dma_wait3A_603 = arith.constant 0 : i32
      %dma_wait3A_604 = arith.constant 0 : i32
      %dma_wait3A_605 = tpu.memref_slice %arg12[%run_scoped3A_486, %dma_wait3A_603, %dma_wait3A_604] : memref<5x64x128xf32, #tpu.memory_space<vmem>> -> memref<1x64x128xf32, #tpu.memory_space<vmem>>
      %dma_wait3A_606 = tpu.memref_squeeze %dma_wait3A_605 : memref<1x64x128xf32, #tpu.memory_space<vmem>> -> memref<64x128xf32, #tpu.memory_space<vmem>>
      tpu.wait_dma2 semaphore(%run_scoped3A_578 : memref<!tpu.dma_semaphore, #tpu.memory_space<semaphore_mem>>) src(%dma_wait3A_606 : memref<64x128xf32, #tpu.memory_space<vmem>>) dst(%dma_wait3A_602 : memref<64x128xf32, #tpu.memory_space<hbm>>)
      tpu.yield
    }) : () -> ()
    %dma_start3A_487 = arith.constant 1 : i32
    %dma_start3A_488 = arith.constant 3 : i32
    %dma_start3A_489 = arith.constant 0 : i32
    %dma_start3A_490 = arith.constant 0 : i32
    %dma_start3A_491 = tpu.memref_slice %arg12[%dma_start3A_488, %dma_start3A_489, %dma_start3A_490] : memref<5x64x128xf32, #tpu.memory_space<vmem>> -> memref<1x64x128xf32, #tpu.memory_space<vmem>>
    %dma_start3A_492 = tpu.memref_squeeze %dma_start3A_491 : memref<1x64x128xf32, #tpu.memory_space<vmem>> -> memref<64x128xf32, #tpu.memory_space<vmem>>
    %dma_start3A_493 = arith.constant 64 : i32
    %dma_start3A_494 = tpu.memref_slice %arg11[%dma_start3A_487, %dma_start3A_493] : memref<2x128xi32, #tpu.memory_space<vmem>> -> memref<1x64xi32, #tpu.memory_space<vmem>>
    %dma_start3A_495 = tpu.memref_squeeze %dma_start3A_494 : memref<1x64xi32, #tpu.memory_space<vmem>> -> memref<64xi32, #tpu.memory_space<vmem>>
    %dma_start3A_496 = arith.constant 0 : i32
    %dma_start3A_497 = arith.constant 0 : i32
    %dma_start3A_498 = tpu.memref_slice %arg14[%dma_start3A_496, %dma_start3A_497] : memref<10240x128xf32, #tpu.memory_space<vmem_shared>> -> memref<10240x128xf32, #tpu.memory_space<vmem_shared>>
    tpu.enqueue_indirect_dma source(%dma_start3A_498 : memref<10240x128xf32, #tpu.memory_space<vmem_shared>>) target(%dma_start3A_492 : memref<64x128xf32, #tpu.memory_space<vmem>>) offsets(%dma_start3A_495 : memref<64xi32, #tpu.memory_space<vmem>>) semaphore(%arg15 : memref<!tpu.dma_semaphore, #tpu.memory_space<semaphore_mem>>)
    %dma_wait3A_499 = arith.constant 1 : i32
    %dma_wait3A_500 = arith.constant 3 : i32
    %dma_wait3A_501 = arith.constant 0 : i32
    %dma_wait3A_502 = arith.constant 0 : i32
    %dma_wait3A_503 = tpu.memref_slice %arg12[%dma_wait3A_500, %dma_wait3A_501, %dma_wait3A_502] : memref<5x64x128xf32, #tpu.memory_space<vmem>> -> memref<1x64x128xf32, #tpu.memory_space<vmem>>
    %dma_wait3A_504 = tpu.memref_squeeze %dma_wait3A_503 : memref<1x64x128xf32, #tpu.memory_space<vmem>> -> memref<64x128xf32, #tpu.memory_space<vmem>>
    %dma_wait3A_505 = arith.constant 64 : i32
    %dma_wait3A_506 = tpu.memref_slice %arg11[%dma_wait3A_499, %dma_wait3A_505] : memref<2x128xi32, #tpu.memory_space<vmem>> -> memref<1x64xi32, #tpu.memory_space<vmem>>
    %dma_wait3A_507 = tpu.memref_squeeze %dma_wait3A_506 : memref<1x64xi32, #tpu.memory_space<vmem>> -> memref<64xi32, #tpu.memory_space<vmem>>
    %dma_wait3A_508 = arith.constant 0 : i32
    %dma_wait3A_509 = arith.constant 0 : i32
    %dma_wait3A_510 = tpu.memref_slice %arg14[%dma_wait3A_508, %dma_wait3A_509] : memref<10240x128xf32, #tpu.memory_space<vmem_shared>> -> memref<10240x128xf32, #tpu.memory_space<vmem_shared>>
    tpu.wait_indirect_dma semaphore(%arg15 : memref<!tpu.dma_semaphore, #tpu.memory_space<semaphore_mem>>) src(%dma_wait3A_510 : memref<10240x128xf32, #tpu.memory_space<vmem_shared>>) dst(%dma_wait3A_504 : memref<64x128xf32, #tpu.memory_space<vmem>>)
    %mul3A_511 = arith.constant 256 : i32
    %mul3A_512 = arith.muli %arg1, %mul3A_511 : i32
    %add3A_513 = arith.constant 192 : i32
    %add3A_514 = arith.addi %mul3A_512, %add3A_513 : i32
    %run_scoped3A_515 = arith.constant 3 : i32
    "tpu.region"() ({
      %run_scoped3A_578 = tpu.sem_alloc : memref<!tpu.dma_semaphore, #tpu.memory_space<semaphore_mem>>
      %dma_start3A_579 = arith.constant 0 : i32
      %dma_start3A_580 = arith.constant 0 : i32
      %dma_start3A_581 = tpu.memref_slice %arg12[%run_scoped3A_515, %dma_start3A_579, %dma_start3A_580] : memref<5x64x128xf32, #tpu.memory_space<vmem>> -> memref<1x64x128xf32, #tpu.memory_space<vmem>>
      %dma_start3A_582 = tpu.memref_squeeze %dma_start3A_581 : memref<1x64x128xf32, #tpu.memory_space<vmem>> -> memref<64x128xf32, #tpu.memory_space<vmem>>
      %dma_start3A_583 = arith.constant 0 : i32
      %dma_start3A_584 = tpu.memref_slice %arg6[%arg0, %add3A_514, %dma_start3A_583] : memref<2x4096x128xf32, #tpu.memory_space<hbm>> -> memref<1x64x128xf32, #tpu.memory_space<hbm>>
      %dma_start3A_585 = tpu.memref_squeeze %dma_start3A_584 : memref<1x64x128xf32, #tpu.memory_space<hbm>> -> memref<64x128xf32, #tpu.memory_space<hbm>>
      %dma_start3A_586 = arith.constant 0 : i32
      %dma_start3A_587 = tpu.memref_slice %arg6[%arg0, %add3A_514, %dma_start3A_586] : memref<2x4096x128xf32, #tpu.memory_space<hbm>> -> memref<1x64x128xf32, #tpu.memory_space<hbm>>
      %dma_start3A_588 = tpu.memref_squeeze %dma_start3A_587 : memref<1x64x128xf32, #tpu.memory_space<hbm>> -> memref<64x128xf32, #tpu.memory_space<hbm>>
      %dma_start3A_589 = arith.constant 0 : i32
      %dma_start3A_590 = arith.constant 0 : i32
      %dma_start3A_591 = tpu.memref_slice %arg12[%run_scoped3A_515, %dma_start3A_589, %dma_start3A_590] : memref<5x64x128xf32, #tpu.memory_space<vmem>> -> memref<1x64x128xf32, #tpu.memory_space<vmem>>
      %dma_start3A_592 = tpu.memref_squeeze %dma_start3A_591 : memref<1x64x128xf32, #tpu.memory_space<vmem>> -> memref<64x128xf32, #tpu.memory_space<vmem>>
      tpu.enqueue_dma source(%dma_start3A_592 : memref<64x128xf32, #tpu.memory_space<vmem>>) target(%dma_start3A_588 : memref<64x128xf32, #tpu.memory_space<hbm>>) target_semaphore(%run_scoped3A_578 : memref<!tpu.dma_semaphore, #tpu.memory_space<semaphore_mem>>)
      %dma_wait3A_593 = arith.constant 0 : i32
      %dma_wait3A_594 = arith.constant 0 : i32
      %dma_wait3A_595 = tpu.memref_slice %arg12[%run_scoped3A_515, %dma_wait3A_593, %dma_wait3A_594] : memref<5x64x128xf32, #tpu.memory_space<vmem>> -> memref<1x64x128xf32, #tpu.memory_space<vmem>>
      %dma_wait3A_596 = tpu.memref_squeeze %dma_wait3A_595 : memref<1x64x128xf32, #tpu.memory_space<vmem>> -> memref<64x128xf32, #tpu.memory_space<vmem>>
      %dma_wait3A_597 = arith.constant 0 : i32
      %dma_wait3A_598 = tpu.memref_slice %arg6[%arg0, %add3A_514, %dma_wait3A_597] : memref<2x4096x128xf32, #tpu.memory_space<hbm>> -> memref<1x64x128xf32, #tpu.memory_space<hbm>>
      %dma_wait3A_599 = tpu.memref_squeeze %dma_wait3A_598 : memref<1x64x128xf32, #tpu.memory_space<hbm>> -> memref<64x128xf32, #tpu.memory_space<hbm>>
      %dma_wait3A_600 = arith.constant 0 : i32
      %dma_wait3A_601 = tpu.memref_slice %arg6[%arg0, %add3A_514, %dma_wait3A_600] : memref<2x4096x128xf32, #tpu.memory_space<hbm>> -> memref<1x64x128xf32, #tpu.memory_space<hbm>>
      %dma_wait3A_602 = tpu.memref_squeeze %dma_wait3A_601 : memref<1x64x128xf32, #tpu.memory_space<hbm>> -> memref<64x128xf32, #tpu.memory_space<hbm>>
      %dma_wait3A_603 = arith.constant 0 : i32
      %dma_wait3A_604 = arith.constant 0 : i32
      %dma_wait3A_605 = tpu.memref_slice %arg12[%run_scoped3A_515, %dma_wait3A_603, %dma_wait3A_604] : memref<5x64x128xf32, #tpu.memory_space<vmem>> -> memref<1x64x128xf32, #tpu.memory_space<vmem>>
      %dma_wait3A_606 = tpu.memref_squeeze %dma_wait3A_605 : memref<1x64x128xf32, #tpu.memory_space<vmem>> -> memref<64x128xf32, #tpu.memory_space<vmem>>
      tpu.wait_dma2 semaphore(%run_scoped3A_578 : memref<!tpu.dma_semaphore, #tpu.memory_space<semaphore_mem>>) src(%dma_wait3A_606 : memref<64x128xf32, #tpu.memory_space<vmem>>) dst(%dma_wait3A_602 : memref<64x128xf32, #tpu.memory_space<hbm>>)
      tpu.yield
    }) : () -> ()
    %dma_start3A_516 = arith.constant 4 : i32
    %dma_start3A_517 = arith.constant 0 : i32
    %dma_start3A_518 = arith.constant 0 : i32
    %dma_start3A_519 = tpu.memref_slice %arg12[%dma_start3A_516, %dma_start3A_517, %dma_start3A_518] : memref<5x64x128xf32, #tpu.memory_space<vmem>> -> memref<1x64x128xf32, #tpu.memory_space<vmem>>
    %dma_start3A_520 = tpu.memref_squeeze %dma_start3A_519 : memref<1x64x128xf32, #tpu.memory_space<vmem>> -> memref<64x128xf32, #tpu.memory_space<vmem>>
    %dma_start3A_521 = arith.constant 0 : i32
    %dma_start3A_522 = tpu.memref_slice %arg11[%arg0, %dma_start3A_521] : memref<2x128xi32, #tpu.memory_space<vmem>> -> memref<1x64xi32, #tpu.memory_space<vmem>>
    %dma_start3A_523 = tpu.memref_squeeze %dma_start3A_522 : memref<1x64xi32, #tpu.memory_space<vmem>> -> memref<64xi32, #tpu.memory_space<vmem>>
    %dma_start3A_524 = arith.constant 0 : i32
    %dma_start3A_525 = arith.constant 0 : i32
    %dma_start3A_526 = tpu.memref_slice %arg2[%dma_start3A_524, %dma_start3A_525] : memref<10240x128xf32, #tpu.memory_space<hbm>> -> memref<10240x128xf32, #tpu.memory_space<hbm>>
    tpu.enqueue_indirect_dma source(%dma_start3A_526 : memref<10240x128xf32, #tpu.memory_space<hbm>>) target(%dma_start3A_520 : memref<64x128xf32, #tpu.memory_space<vmem>>) offsets(%dma_start3A_523 : memref<64xi32, #tpu.memory_space<vmem>>) semaphore(%arg15 : memref<!tpu.dma_semaphore, #tpu.memory_space<semaphore_mem>>)
    %dma_wait3A_527 = arith.constant 4 : i32
    %dma_wait3A_528 = arith.constant 0 : i32
    %dma_wait3A_529 = arith.constant 0 : i32
    %dma_wait3A_530 = tpu.memref_slice %arg12[%dma_wait3A_527, %dma_wait3A_528, %dma_wait3A_529] : memref<5x64x128xf32, #tpu.memory_space<vmem>> -> memref<1x64x128xf32, #tpu.memory_space<vmem>>
    %dma_wait3A_531 = tpu.memref_squeeze %dma_wait3A_530 : memref<1x64x128xf32, #tpu.memory_space<vmem>> -> memref<64x128xf32, #tpu.memory_space<vmem>>
    %dma_wait3A_532 = arith.constant 0 : i32
    %dma_wait3A_533 = tpu.memref_slice %arg11[%arg0, %dma_wait3A_532] : memref<2x128xi32, #tpu.memory_space<vmem>> -> memref<1x64xi32, #tpu.memory_space<vmem>>
    %dma_wait3A_534 = tpu.memref_squeeze %dma_wait3A_533 : memref<1x64xi32, #tpu.memory_space<vmem>> -> memref<64xi32, #tpu.memory_space<vmem>>
    %dma_wait3A_535 = arith.constant 0 : i32
    %dma_wait3A_536 = arith.constant 0 : i32
    %dma_wait3A_537 = tpu.memref_slice %arg2[%dma_wait3A_535, %dma_wait3A_536] : memref<10240x128xf32, #tpu.memory_space<hbm>> -> memref<10240x128xf32, #tpu.memory_space<hbm>>
    tpu.wait_indirect_dma semaphore(%arg15 : memref<!tpu.dma_semaphore, #tpu.memory_space<semaphore_mem>>) src(%dma_wait3A_537 : memref<10240x128xf32, #tpu.memory_space<hbm>>) dst(%dma_wait3A_531 : memref<64x128xf32, #tpu.memory_space<vmem>>)
    %mul3A_538 = arith.constant 256 : i32
    %mul3A_539 = arith.muli %arg1, %mul3A_538 : i32
    %mul3A_540 = arith.constant 128 : i32
    %mul3A_541 = arith.muli %arg0, %mul3A_540 : i32
    %add3A_542 = arith.addi %mul3A_539, %mul3A_541 : i32
    %add3A_543 = arith.constant 0 : i32
    %add3A_544 = arith.addi %add3A_542, %add3A_543 : i32
    %run_scoped3A_545 = arith.constant 4 : i32
    "tpu.region"() ({
      %run_scoped3A_578 = tpu.sem_alloc : memref<!tpu.dma_semaphore, #tpu.memory_space<semaphore_mem>>
      %dma_start3A_579 = arith.constant 0 : i32
      %dma_start3A_580 = arith.constant 0 : i32
      %dma_start3A_581 = tpu.memref_slice %arg12[%run_scoped3A_545, %dma_start3A_579, %dma_start3A_580] : memref<5x64x128xf32, #tpu.memory_space<vmem>> -> memref<1x64x128xf32, #tpu.memory_space<vmem>>
      %dma_start3A_582 = tpu.memref_squeeze %dma_start3A_581 : memref<1x64x128xf32, #tpu.memory_space<vmem>> -> memref<64x128xf32, #tpu.memory_space<vmem>>
      %dma_start3A_583 = arith.constant 0 : i32
      %dma_start3A_584 = tpu.memref_slice %arg7[%add3A_544, %dma_start3A_583] : memref<4096x128xf32, #tpu.memory_space<hbm>> -> memref<64x128xf32, #tpu.memory_space<hbm>>
      %dma_start3A_585 = arith.constant 0 : i32
      %dma_start3A_586 = tpu.memref_slice %arg7[%add3A_544, %dma_start3A_585] : memref<4096x128xf32, #tpu.memory_space<hbm>> -> memref<64x128xf32, #tpu.memory_space<hbm>>
      %dma_start3A_587 = arith.constant 0 : i32
      %dma_start3A_588 = arith.constant 0 : i32
      %dma_start3A_589 = tpu.memref_slice %arg12[%run_scoped3A_545, %dma_start3A_587, %dma_start3A_588] : memref<5x64x128xf32, #tpu.memory_space<vmem>> -> memref<1x64x128xf32, #tpu.memory_space<vmem>>
      %dma_start3A_590 = tpu.memref_squeeze %dma_start3A_589 : memref<1x64x128xf32, #tpu.memory_space<vmem>> -> memref<64x128xf32, #tpu.memory_space<vmem>>
      tpu.enqueue_dma source(%dma_start3A_590 : memref<64x128xf32, #tpu.memory_space<vmem>>) target(%dma_start3A_586 : memref<64x128xf32, #tpu.memory_space<hbm>>) target_semaphore(%run_scoped3A_578 : memref<!tpu.dma_semaphore, #tpu.memory_space<semaphore_mem>>)
      %dma_wait3A_591 = arith.constant 0 : i32
      %dma_wait3A_592 = arith.constant 0 : i32
      %dma_wait3A_593 = tpu.memref_slice %arg12[%run_scoped3A_545, %dma_wait3A_591, %dma_wait3A_592] : memref<5x64x128xf32, #tpu.memory_space<vmem>> -> memref<1x64x128xf32, #tpu.memory_space<vmem>>
      %dma_wait3A_594 = tpu.memref_squeeze %dma_wait3A_593 : memref<1x64x128xf32, #tpu.memory_space<vmem>> -> memref<64x128xf32, #tpu.memory_space<vmem>>
      %dma_wait3A_595 = arith.constant 0 : i32
      %dma_wait3A_596 = tpu.memref_slice %arg7[%add3A_544, %dma_wait3A_595] : memref<4096x128xf32, #tpu.memory_space<hbm>> -> memref<64x128xf32, #tpu.memory_space<hbm>>
      %dma_wait3A_597 = arith.constant 0 : i32
      %dma_wait3A_598 = tpu.memref_slice %arg7[%add3A_544, %dma_wait3A_597] : memref<4096x128xf32, #tpu.memory_space<hbm>> -> memref<64x128xf32, #tpu.memory_space<hbm>>
      %dma_wait3A_599 = arith.constant 0 : i32
      %dma_wait3A_600 = arith.constant 0 : i32
      %dma_wait3A_601 = tpu.memref_slice %arg12[%run_scoped3A_545, %dma_wait3A_599, %dma_wait3A_600] : memref<5x64x128xf32, #tpu.memory_space<vmem>> -> memref<1x64x128xf32, #tpu.memory_space<vmem>>
      %dma_wait3A_602 = tpu.memref_squeeze %dma_wait3A_601 : memref<1x64x128xf32, #tpu.memory_space<vmem>> -> memref<64x128xf32, #tpu.memory_space<vmem>>
      tpu.wait_dma2 semaphore(%run_scoped3A_578 : memref<!tpu.dma_semaphore, #tpu.memory_space<semaphore_mem>>) src(%dma_wait3A_602 : memref<64x128xf32, #tpu.memory_space<vmem>>) dst(%dma_wait3A_598 : memref<64x128xf32, #tpu.memory_space<hbm>>)
      tpu.yield
    }) : () -> ()
    %dma_start3A_546 = arith.constant 0 : i32
    %dma_start3A_547 = arith.constant 0 : i32
    %dma_start3A_548 = arith.constant 0 : i32
    %dma_start3A_549 = tpu.memref_slice %arg12[%dma_start3A_546, %dma_start3A_547, %dma_start3A_548] : memref<5x64x128xf32, #tpu.memory_space<vmem>> -> memref<1x64x128xf32, #tpu.memory_space<vmem>>
    %dma_start3A_550 = tpu.memref_squeeze %dma_start3A_549 : memref<1x64x128xf32, #tpu.memory_space<vmem>> -> memref<64x128xf32, #tpu.memory_space<vmem>>
    %dma_start3A_551 = arith.constant 64 : i32
    %dma_start3A_552 = tpu.memref_slice %arg11[%arg0, %dma_start3A_551] : memref<2x128xi32, #tpu.memory_space<vmem>> -> memref<1x64xi32, #tpu.memory_space<vmem>>
    %dma_start3A_553 = tpu.memref_squeeze %dma_start3A_552 : memref<1x64xi32, #tpu.memory_space<vmem>> -> memref<64xi32, #tpu.memory_space<vmem>>
    %dma_start3A_554 = arith.constant 0 : i32
    %dma_start3A_555 = arith.constant 0 : i32
    %dma_start3A_556 = tpu.memref_slice %arg2[%dma_start3A_554, %dma_start3A_555] : memref<10240x128xf32, #tpu.memory_space<hbm>> -> memref<10240x128xf32, #tpu.memory_space<hbm>>
    tpu.enqueue_indirect_dma source(%dma_start3A_556 : memref<10240x128xf32, #tpu.memory_space<hbm>>) target(%dma_start3A_550 : memref<64x128xf32, #tpu.memory_space<vmem>>) offsets(%dma_start3A_553 : memref<64xi32, #tpu.memory_space<vmem>>) semaphore(%arg15 : memref<!tpu.dma_semaphore, #tpu.memory_space<semaphore_mem>>)
    %dma_wait3A_557 = arith.constant 0 : i32
    %dma_wait3A_558 = arith.constant 0 : i32
    %dma_wait3A_559 = arith.constant 0 : i32
    %dma_wait3A_560 = tpu.memref_slice %arg12[%dma_wait3A_557, %dma_wait3A_558, %dma_wait3A_559] : memref<5x64x128xf32, #tpu.memory_space<vmem>> -> memref<1x64x128xf32, #tpu.memory_space<vmem>>
    %dma_wait3A_561 = tpu.memref_squeeze %dma_wait3A_560 : memref<1x64x128xf32, #tpu.memory_space<vmem>> -> memref<64x128xf32, #tpu.memory_space<vmem>>
    %dma_wait3A_562 = arith.constant 64 : i32
    %dma_wait3A_563 = tpu.memref_slice %arg11[%arg0, %dma_wait3A_562] : memref<2x128xi32, #tpu.memory_space<vmem>> -> memref<1x64xi32, #tpu.memory_space<vmem>>
    %dma_wait3A_564 = tpu.memref_squeeze %dma_wait3A_563 : memref<1x64xi32, #tpu.memory_space<vmem>> -> memref<64xi32, #tpu.memory_space<vmem>>
    %dma_wait3A_565 = arith.constant 0 : i32
    %dma_wait3A_566 = arith.constant 0 : i32
    %dma_wait3A_567 = tpu.memref_slice %arg2[%dma_wait3A_565, %dma_wait3A_566] : memref<10240x128xf32, #tpu.memory_space<hbm>> -> memref<10240x128xf32, #tpu.memory_space<hbm>>
    tpu.wait_indirect_dma semaphore(%arg15 : memref<!tpu.dma_semaphore, #tpu.memory_space<semaphore_mem>>) src(%dma_wait3A_567 : memref<10240x128xf32, #tpu.memory_space<hbm>>) dst(%dma_wait3A_561 : memref<64x128xf32, #tpu.memory_space<vmem>>)
    %mul3A_568 = arith.constant 256 : i32
    %mul3A_569 = arith.muli %arg1, %mul3A_568 : i32
    %mul3A_570 = arith.constant 128 : i32
    %mul3A_571 = arith.muli %arg0, %mul3A_570 : i32
    %add3A_572 = arith.addi %mul3A_569, %mul3A_571 : i32
    %add3A_573 = arith.constant 64 : i32
    %add3A_574 = arith.addi %add3A_572, %add3A_573 : i32
    %run_scoped3A_575 = arith.constant 0 : i32
    "tpu.region"() ({
      %run_scoped3A_578 = tpu.sem_alloc : memref<!tpu.dma_semaphore, #tpu.memory_space<semaphore_mem>>
      %dma_start3A_579 = arith.constant 0 : i32
      %dma_start3A_580 = arith.constant 0 : i32
      %dma_start3A_581 = tpu.memref_slice %arg12[%run_scoped3A_575, %dma_start3A_579, %dma_start3A_580] : memref<5x64x128xf32, #tpu.memory_space<vmem>> -> memref<1x64x128xf32, #tpu.memory_space<vmem>>
      %dma_start3A_582 = tpu.memref_squeeze %dma_start3A_581 : memref<1x64x128xf32, #tpu.memory_space<vmem>> -> memref<64x128xf32, #tpu.memory_space<vmem>>
      %dma_start3A_583 = arith.constant 0 : i32
      %dma_start3A_584 = tpu.memref_slice %arg7[%add3A_574, %dma_start3A_583] : memref<4096x128xf32, #tpu.memory_space<hbm>> -> memref<64x128xf32, #tpu.memory_space<hbm>>
      %dma_start3A_585 = arith.constant 0 : i32
      %dma_start3A_586 = tpu.memref_slice %arg7[%add3A_574, %dma_start3A_585] : memref<4096x128xf32, #tpu.memory_space<hbm>> -> memref<64x128xf32, #tpu.memory_space<hbm>>
      %dma_start3A_587 = arith.constant 0 : i32
      %dma_start3A_588 = arith.constant 0 : i32
      %dma_start3A_589 = tpu.memref_slice %arg12[%run_scoped3A_575, %dma_start3A_587, %dma_start3A_588] : memref<5x64x128xf32, #tpu.memory_space<vmem>> -> memref<1x64x128xf32, #tpu.memory_space<vmem>>
      %dma_start3A_590 = tpu.memref_squeeze %dma_start3A_589 : memref<1x64x128xf32, #tpu.memory_space<vmem>> -> memref<64x128xf32, #tpu.memory_space<vmem>>
      tpu.enqueue_dma source(%dma_start3A_590 : memref<64x128xf32, #tpu.memory_space<vmem>>) target(%dma_start3A_586 : memref<64x128xf32, #tpu.memory_space<hbm>>) target_semaphore(%run_scoped3A_578 : memref<!tpu.dma_semaphore, #tpu.memory_space<semaphore_mem>>)
      %dma_wait3A_591 = arith.constant 0 : i32
      %dma_wait3A_592 = arith.constant 0 : i32
      %dma_wait3A_593 = tpu.memref_slice %arg12[%run_scoped3A_575, %dma_wait3A_591, %dma_wait3A_592] : memref<5x64x128xf32, #tpu.memory_space<vmem>> -> memref<1x64x128xf32, #tpu.memory_space<vmem>>
      %dma_wait3A_594 = tpu.memref_squeeze %dma_wait3A_593 : memref<1x64x128xf32, #tpu.memory_space<vmem>> -> memref<64x128xf32, #tpu.memory_space<vmem>>
      %dma_wait3A_595 = arith.constant 0 : i32
      %dma_wait3A_596 = tpu.memref_slice %arg7[%add3A_574, %dma_wait3A_595] : memref<4096x128xf32, #tpu.memory_space<hbm>> -> memref<64x128xf32, #tpu.memory_space<hbm>>
      %dma_wait3A_597 = arith.constant 0 : i32
      %dma_wait3A_598 = tpu.memref_slice %arg7[%add3A_574, %dma_wait3A_597] : memref<4096x128xf32, #tpu.memory_space<hbm>> -> memref<64x128xf32, #tpu.memory_space<hbm>>
      %dma_wait3A_599 = arith.constant 0 : i32
      %dma_wait3A_600 = arith.constant 0 : i32
      %dma_wait3A_601 = tpu.memref_slice %arg12[%run_scoped3A_575, %dma_wait3A_599, %dma_wait3A_600] : memref<5x64x128xf32, #tpu.memory_space<vmem>> -> memref<1x64x128xf32, #tpu.memory_space<vmem>>
      %dma_wait3A_602 = tpu.memref_squeeze %dma_wait3A_601 : memref<1x64x128xf32, #tpu.memory_space<vmem>> -> memref<64x128xf32, #tpu.memory_space<vmem>>
      tpu.wait_dma2 semaphore(%run_scoped3A_578 : memref<!tpu.dma_semaphore, #tpu.memory_space<semaphore_mem>>) src(%dma_wait3A_602 : memref<64x128xf32, #tpu.memory_space<vmem>>) dst(%dma_wait3A_598 : memref<64x128xf32, #tpu.memory_space<hbm>>)
      tpu.yield
    }) : () -> ()
    %eq3A = arith.constant 0 : i32
    %eq3A_576 = arith.cmpi eq, %arg0, %eq3A : i32
    %convert_element_type3A = arith.extui %eq3A_576 : i1 to i32
    %cond3A = arith.constant 0 : i32
    %cond3A_577 = arith.cmpi ne, %convert_element_type3A, %cond3A : i32
    scf.if %cond3A_577 {
      %dma_start3A_578 = arith.constant 0 : i32
      %dma_start3A_579 = arith.constant 0 : i32
      %dma_start3A_580 = tpu.memref_slice %arg13[%dma_start3A_579] : memref<256xf32, #tpu.memory_space<vmem>> -> memref<128xf32, #tpu.memory_space<vmem>>
      %dma_start3A_581 = arith.constant 0 : i32
      %dma_start3A_582 = tpu.memref_slice %arg11[%dma_start3A_578, %dma_start3A_581] : memref<2x128xi32, #tpu.memory_space<vmem>> -> memref<1x128xi32, #tpu.memory_space<vmem>>
      %dma_start3A_583 = tpu.memref_squeeze %dma_start3A_582 : memref<1x128xi32, #tpu.memory_space<vmem>> -> memref<128xi32, #tpu.memory_space<vmem>>
      %dma_start3A_584 = arith.constant 0 : i32
      %dma_start3A_585 = tpu.memref_slice %arg5[%dma_start3A_584] : memref<10240xf32, #tpu.memory_space<hbm>> -> memref<10240xf32, #tpu.memory_space<hbm>>
      tpu.enqueue_indirect_dma source(%dma_start3A_585 : memref<10240xf32, #tpu.memory_space<hbm>>) target(%dma_start3A_580 : memref<128xf32, #tpu.memory_space<vmem>>) offsets(%dma_start3A_583 : memref<128xi32, #tpu.memory_space<vmem>>) semaphore(%arg15 : memref<!tpu.dma_semaphore, #tpu.memory_space<semaphore_mem>>)
      %dma_wait3A_586 = arith.constant 0 : i32
      %dma_wait3A_587 = arith.constant 0 : i32
      %dma_wait3A_588 = tpu.memref_slice %arg13[%dma_wait3A_587] : memref<256xf32, #tpu.memory_space<vmem>> -> memref<128xf32, #tpu.memory_space<vmem>>
      %dma_wait3A_589 = arith.constant 0 : i32
      %dma_wait3A_590 = tpu.memref_slice %arg11[%dma_wait3A_586, %dma_wait3A_589] : memref<2x128xi32, #tpu.memory_space<vmem>> -> memref<1x128xi32, #tpu.memory_space<vmem>>
      %dma_wait3A_591 = tpu.memref_squeeze %dma_wait3A_590 : memref<1x128xi32, #tpu.memory_space<vmem>> -> memref<128xi32, #tpu.memory_space<vmem>>
      %dma_wait3A_592 = arith.constant 0 : i32
      %dma_wait3A_593 = tpu.memref_slice %arg5[%dma_wait3A_592] : memref<10240xf32, #tpu.memory_space<hbm>> -> memref<10240xf32, #tpu.memory_space<hbm>>
      tpu.wait_indirect_dma semaphore(%arg15 : memref<!tpu.dma_semaphore, #tpu.memory_space<semaphore_mem>>) src(%dma_wait3A_593 : memref<10240xf32, #tpu.memory_space<hbm>>) dst(%dma_wait3A_588 : memref<128xf32, #tpu.memory_space<vmem>>)
      %dma_start3A_594 = arith.constant 1 : i32
      %dma_start3A_595 = arith.constant 128 : i32
      %dma_start3A_596 = tpu.memref_slice %arg13[%dma_start3A_595] : memref<256xf32, #tpu.memory_space<vmem>> -> memref<128xf32, #tpu.memory_space<vmem>>
      %dma_start3A_597 = arith.constant 0 : i32
      %dma_start3A_598 = tpu.memref_slice %arg11[%dma_start3A_594, %dma_start3A_597] : memref<2x128xi32, #tpu.memory_space<vmem>> -> memref<1x128xi32, #tpu.memory_space<vmem>>
      %dma_start3A_599 = tpu.memref_squeeze %dma_start3A_598 : memref<1x128xi32, #tpu.memory_space<vmem>> -> memref<128xi32, #tpu.memory_space<vmem>>
      %dma_start3A_600 = arith.constant 0 : i32
      %dma_start3A_601 = tpu.memref_slice %arg5[%dma_start3A_600] : memref<10240xf32, #tpu.memory_space<hbm>> -> memref<10240xf32, #tpu.memory_space<hbm>>
      tpu.enqueue_indirect_dma source(%dma_start3A_601 : memref<10240xf32, #tpu.memory_space<hbm>>) target(%dma_start3A_596 : memref<128xf32, #tpu.memory_space<vmem>>) offsets(%dma_start3A_599 : memref<128xi32, #tpu.memory_space<vmem>>) semaphore(%arg15 : memref<!tpu.dma_semaphore, #tpu.memory_space<semaphore_mem>>)
      %dma_wait3A_602 = arith.constant 1 : i32
      %dma_wait3A_603 = arith.constant 128 : i32
      %dma_wait3A_604 = tpu.memref_slice %arg13[%dma_wait3A_603] : memref<256xf32, #tpu.memory_space<vmem>> -> memref<128xf32, #tpu.memory_space<vmem>>
      %dma_wait3A_605 = arith.constant 0 : i32
      %dma_wait3A_606 = tpu.memref_slice %arg11[%dma_wait3A_602, %dma_wait3A_605] : memref<2x128xi32, #tpu.memory_space<vmem>> -> memref<1x128xi32, #tpu.memory_space<vmem>>
      %dma_wait3A_607 = tpu.memref_squeeze %dma_wait3A_606 : memref<1x128xi32, #tpu.memory_space<vmem>> -> memref<128xi32, #tpu.memory_space<vmem>>
      %dma_wait3A_608 = arith.constant 0 : i32
      %dma_wait3A_609 = tpu.memref_slice %arg5[%dma_wait3A_608] : memref<10240xf32, #tpu.memory_space<hbm>> -> memref<10240xf32, #tpu.memory_space<hbm>>
      tpu.wait_indirect_dma semaphore(%arg15 : memref<!tpu.dma_semaphore, #tpu.memory_space<semaphore_mem>>) src(%dma_wait3A_609 : memref<10240xf32, #tpu.memory_space<hbm>>) dst(%dma_wait3A_604 : memref<128xf32, #tpu.memory_space<vmem>>)
      %mul3A_610 = arith.constant 256 : i32
      %mul3A_611 = arith.muli %arg1, %mul3A_610 : i32
      "tpu.region"() ({
        %run_scoped3A_612 = tpu.sem_alloc : memref<!tpu.dma_semaphore, #tpu.memory_space<semaphore_mem>>
        %dma_start3A_613 = tpu.memref_slice %arg8[%mul3A_611] : memref<4096xf32, #tpu.memory_space<hbm>> -> memref<256xf32, #tpu.memory_space<hbm>>
        %dma_start3A_614 = tpu.memref_slice %arg8[%mul3A_611] : memref<4096xf32, #tpu.memory_space<hbm>> -> memref<256xf32, #tpu.memory_space<hbm>>
        tpu.enqueue_dma source(%arg13 : memref<256xf32, #tpu.memory_space<vmem>>) target(%dma_start3A_614 : memref<256xf32, #tpu.memory_space<hbm>>) target_semaphore(%run_scoped3A_612 : memref<!tpu.dma_semaphore, #tpu.memory_space<semaphore_mem>>)
        %dma_wait3A_615 = tpu.memref_slice %arg8[%mul3A_611] : memref<4096xf32, #tpu.memory_space<hbm>> -> memref<256xf32, #tpu.memory_space<hbm>>
        %dma_wait3A_616 = tpu.memref_slice %arg8[%mul3A_611] : memref<4096xf32, #tpu.memory_space<hbm>> -> memref<256xf32, #tpu.memory_space<hbm>>
        tpu.wait_dma2 semaphore(%run_scoped3A_612 : memref<!tpu.dma_semaphore, #tpu.memory_space<semaphore_mem>>) src(%arg13 : memref<256xf32, #tpu.memory_space<vmem>>) dst(%dma_wait3A_616 : memref<256xf32, #tpu.memory_space<hbm>>)
        tpu.yield
      }) : () -> ()
    } else {
    }
    return
  }
}

#map = affine_map<(d0, d1) -> (0, 0, 0, 0, 0)>
#map1 = affine_map<(d0, d1) -> (0, 0)>
module attributes {stable_mosaic.version = 14 : i64} {
  func.func @k(%arg0: i32, %arg1: i32, %arg2: memref<2x32x20x8x64xi32, #tpu.memory_space<hbm>>, %arg3: memref<2x10240xf32, #tpu.memory_space<hbm>>, %arg4: memref<20x8x64xi32, #tpu.memory_space<vmem>>, %arg5: memref<64xf32, #tpu.memory_space<vmem>>, %arg6: memref<640xf32, #tpu.memory_space<vmem>>, %arg7: memref<10240xf32, #tpu.memory_space<vmem_shared>>, %arg8: memref<!tpu.dma_semaphore, #tpu.memory_space<semaphore_mem>>) attributes {dimension_semantics = [#tpu.dimension_semantics<core_parallel>, #tpu.dimension_semantics<subcore_parallel>], iteration_bounds = array<i64: 2, 16>, scalar_prefetch = 0 : i64, scratch_operands = 5 : i64, tpu.core_type = #tpu.core_type<sc_vector_subcore>, window_params = [{transform_indices = #map}, {transform_indices = #map1}]} {
    %mul3A = arith.constant 16 : i32
    %mul3A_0 = arith.muli %arg0, %mul3A : i32
    %add3A = arith.addi %mul3A_0, %arg1 : i32
    %broadcast_in_dim3A = arith.constant 0.000000e+00 : f32
    %broadcast_in_dim3A_1 = vector.broadcast %broadcast_in_dim3A : f32 to vector<16xf32>
    %broadcast_in_dim3A_2 = arith.constant 1.000000e+00 : f32
    %broadcast_in_dim3A_3 = vector.broadcast %broadcast_in_dim3A_2 : f32 to vector<16xf32>
    %scan3A = arith.constant 0 : i32
    %scan3A_4 = arith.constant 40 : i32
    %scan3A_5 = arith.addi %scan3A, %scan3A_4 : i32
    %scan3A_6 = arith.constant 1 : i32
    scf.for %scan3A_80 = %scan3A to %scan3A_5 step %scan3A_6  : i32 {
      %mul3A_81 = arith.constant 1 : i32
      %mul3A_82 = arith.muli %scan3A_80, %mul3A_81 : i32
      %add3A_83 = arith.constant 0 : i32
      %add3A_84 = arith.addi %add3A_83, %mul3A_82 : i32
      %mul3A_85 = arith.constant 16 : i32
      %mul3A_86 = arith.muli %add3A_84, %mul3A_85 : i32
      %swap3A = arith.index_cast %mul3A_86 : i32 to index
      %swap3A_87 = tpu.vector_load %arg6[%swap3A] {strides = array<i32>} : memref<640xf32, #tpu.memory_space<vmem>>, vector<16xf32>,
      %swap3A_88 = vector.shape_cast %swap3A_87 : vector<16xf32> to vector<16xf32>
      %swap3A_89 = vector.shape_cast %broadcast_in_dim3A_1 : vector<16xf32> to vector<16xf32>
      tpu.vector_store %arg6[%swap3A], %swap3A_89 {strides = array<i32>} : memref<640xf32, #tpu.memory_space<vmem>>, vector<16xf32>,
    }
    %scan3A_7 = arith.constant 40 : i32
    %scan3A_8 = arith.constant 0 : i32
    %scan3A_9 = arith.constant 4 : i32
    %scan3A_10 = arith.addi %scan3A_8, %scan3A_9 : i32
    %scan3A_11 = arith.constant 1 : i32
    scf.for %scan3A_80 = %scan3A_8 to %scan3A_10 step %scan3A_11  : i32 {
      %mul3A_81 = arith.constant 1 : i32
      %mul3A_82 = arith.muli %scan3A_80, %mul3A_81 : i32
      %add3A_83 = arith.constant 0 : i32
      %add3A_84 = arith.addi %add3A_83, %mul3A_82 : i32
      %mul3A_85 = arith.constant 16 : i32
      %mul3A_86 = arith.muli %add3A_84, %mul3A_85 : i32
      %swap3A = arith.index_cast %mul3A_86 : i32 to index
      %swap3A_87 = tpu.vector_load %arg5[%swap3A] {strides = array<i32>} : memref<64xf32, #tpu.memory_space<vmem>>, vector<16xf32>,
      %swap3A_88 = vector.shape_cast %swap3A_87 : vector<16xf32> to vector<16xf32>
      %swap3A_89 = vector.shape_cast %broadcast_in_dim3A_3 : vector<16xf32> to vector<16xf32>
      tpu.vector_store %arg5[%swap3A], %swap3A_89 {strides = array<i32>} : memref<64xf32, #tpu.memory_space<vmem>>, vector<16xf32>,
    }
    %scan3A_12 = arith.constant 4 : i32
    %run_scoped3A = arith.constant 1 : i32
    "tpu.region"() ({
      %run_scoped3A_80 = tpu.sem_alloc : memref<!tpu.dma_semaphore, #tpu.memory_space<semaphore_mem>>
      %dma_start3A = arith.constant 0 : i32
      %dma_start3A_81 = arith.constant 0 : i32
      %dma_start3A_82 = arith.constant 0 : i32
      %dma_start3A_83 = tpu.memref_slice %arg2[%run_scoped3A, %add3A, %dma_start3A, %dma_start3A_81, %dma_start3A_82] : memref<2x32x20x8x64xi32, #tpu.memory_space<hbm>> -> memref<1x1x20x8x64xi32, #tpu.memory_space<hbm>>
      %dma_start3A_84 = tpu.memref_squeeze %dma_start3A_83 : memref<1x1x20x8x64xi32, #tpu.memory_space<hbm>> -> memref<20x8x64xi32, #tpu.memory_space<hbm>>
      %dma_start3A_85 = arith.constant 0 : i32
      %dma_start3A_86 = arith.constant 0 : i32
      %dma_start3A_87 = arith.constant 0 : i32
      %dma_start3A_88 = tpu.memref_slice %arg2[%run_scoped3A, %add3A, %dma_start3A_85, %dma_start3A_86, %dma_start3A_87] : memref<2x32x20x8x64xi32, #tpu.memory_space<hbm>> -> memref<1x1x20x8x64xi32, #tpu.memory_space<hbm>>
      %dma_start3A_89 = tpu.memref_squeeze %dma_start3A_88 : memref<1x1x20x8x64xi32, #tpu.memory_space<hbm>> -> memref<20x8x64xi32, #tpu.memory_space<hbm>>
      tpu.enqueue_dma source(%dma_start3A_89 : memref<20x8x64xi32, #tpu.memory_space<hbm>>) target(%arg4 : memref<20x8x64xi32, #tpu.memory_space<vmem>>) target_semaphore(%run_scoped3A_80 : memref<!tpu.dma_semaphore, #tpu.memory_space<semaphore_mem>>)
      %dma_wait3A_90 = arith.constant 0 : i32
      %dma_wait3A_91 = arith.constant 0 : i32
      %dma_wait3A_92 = arith.constant 0 : i32
      %dma_wait3A_93 = tpu.memref_slice %arg2[%run_scoped3A, %add3A, %dma_wait3A_90, %dma_wait3A_91, %dma_wait3A_92] : memref<2x32x20x8x64xi32, #tpu.memory_space<hbm>> -> memref<1x1x20x8x64xi32, #tpu.memory_space<hbm>>
      %dma_wait3A_94 = tpu.memref_squeeze %dma_wait3A_93 : memref<1x1x20x8x64xi32, #tpu.memory_space<hbm>> -> memref<20x8x64xi32, #tpu.memory_space<hbm>>
      %dma_wait3A_95 = arith.constant 0 : i32
      %dma_wait3A_96 = arith.constant 0 : i32
      %dma_wait3A_97 = arith.constant 0 : i32
      %dma_wait3A_98 = tpu.memref_slice %arg2[%run_scoped3A, %add3A, %dma_wait3A_95, %dma_wait3A_96, %dma_wait3A_97] : memref<2x32x20x8x64xi32, #tpu.memory_space<hbm>> -> memref<1x1x20x8x64xi32, #tpu.memory_space<hbm>>
      %dma_wait3A_99 = tpu.memref_squeeze %dma_wait3A_98 : memref<1x1x20x8x64xi32, #tpu.memory_space<hbm>> -> memref<20x8x64xi32, #tpu.memory_space<hbm>>
      tpu.wait_dma2 semaphore(%run_scoped3A_80 : memref<!tpu.dma_semaphore, #tpu.memory_space<semaphore_mem>>) src(%dma_wait3A_99 : memref<20x8x64xi32, #tpu.memory_space<hbm>>) dst(%arg4 : memref<20x8x64xi32, #tpu.memory_space<vmem>>)
      tpu.yield
    }) : () -> ()
    %mul3A_13 = arith.constant 640 : i32
    %mul3A_14 = arith.muli %arg1, %mul3A_13 : i32
    "tpu.region"() ({
      %run_scoped3A_80 = tpu.sem_alloc : memref<!tpu.dma_semaphore, #tpu.memory_space<semaphore_mem>>
      %dma_start3A = tpu.memref_slice %arg7[%mul3A_14] : memref<10240xf32, #tpu.memory_space<vmem_shared>> -> memref<640xf32, #tpu.memory_space<vmem_shared>>
      %dma_start3A_81 = tpu.memref_slice %arg7[%mul3A_14] : memref<10240xf32, #tpu.memory_space<vmem_shared>> -> memref<640xf32, #tpu.memory_space<vmem_shared>>
      tpu.enqueue_dma source(%arg6 : memref<640xf32, #tpu.memory_space<vmem>>) target(%dma_start3A_81 : memref<640xf32, #tpu.memory_space<vmem_shared>>) target_semaphore(%run_scoped3A_80 : memref<!tpu.dma_semaphore, #tpu.memory_space<semaphore_mem>>)
      %dma_wait3A_82 = tpu.memref_slice %arg7[%mul3A_14] : memref<10240xf32, #tpu.memory_space<vmem_shared>> -> memref<640xf32, #tpu.memory_space<vmem_shared>>
      %dma_wait3A_83 = tpu.memref_slice %arg7[%mul3A_14] : memref<10240xf32, #tpu.memory_space<vmem_shared>> -> memref<640xf32, #tpu.memory_space<vmem_shared>>
      tpu.wait_dma2 semaphore(%run_scoped3A_80 : memref<!tpu.dma_semaphore, #tpu.memory_space<semaphore_mem>>) src(%arg6 : memref<640xf32, #tpu.memory_space<vmem>>) dst(%dma_wait3A_83 : memref<640xf32, #tpu.memory_space<vmem_shared>>)
      tpu.yield
    }) : () -> ()
    %barrier3A = arith.constant 0 : index
    tpu.barrier barrier_id(%barrier3A)
    %scan3A_15 = arith.constant 0 : i32
    %scan3A_16 = arith.constant 20 : i32
    %scan3A_17 = arith.addi %scan3A_15, %scan3A_16 : i32
    %scan3A_18 = arith.constant 1 : i32
    scf.for %scan3A_80 = %scan3A_15 to %scan3A_17 step %scan3A_18  : i32 {
      %mul3A_81 = arith.constant 1 : i32
      %mul3A_82 = arith.muli %scan3A_80, %mul3A_81 : i32
      %add3A_83 = arith.constant 0 : i32
      %add3A_84 = arith.addi %add3A_83, %mul3A_82 : i32
      %dma_start3A = arith.constant 0 : i32
      %dma_start3A_85 = arith.constant 0 : i32
      %dma_start3A_86 = tpu.memref_slice %arg4[%add3A_84, %dma_start3A, %dma_start3A_85] : memref<20x8x64xi32, #tpu.memory_space<vmem>> -> memref<1x1x64xi32, #tpu.memory_space<vmem>>
      %dma_start3A_87 = tpu.memref_squeeze %dma_start3A_86 : memref<1x1x64xi32, #tpu.memory_space<vmem>> -> memref<64xi32, #tpu.memory_space<vmem>>
      %dma_start3A_88 = arith.constant 0 : i32
      %dma_start3A_89 = tpu.memref_slice %arg7[%dma_start3A_88] : memref<10240xf32, #tpu.memory_space<vmem_shared>> -> memref<10240xf32, #tpu.memory_space<vmem_shared>>
      tpu.enqueue_indirect_dma source(%arg5 : memref<64xf32, #tpu.memory_space<vmem>>) target(%dma_start3A_89 : memref<10240xf32, #tpu.memory_space<vmem_shared>>) offsets(%dma_start3A_87 : memref<64xi32, #tpu.memory_space<vmem>>) semaphore(%arg8 : memref<!tpu.dma_semaphore, #tpu.memory_space<semaphore_mem>>) {add = true}
      %ge3A = arith.constant 1 : i32
      %ge3A_90 = arith.cmpi sge, %add3A_84, %ge3A : i32
      %convert_element_type3A = arith.extui %ge3A_90 : i1 to i32
      %cond3A = arith.constant 0 : i32
      %cond3A_91 = arith.cmpi ne, %convert_element_type3A, %cond3A : i32
      scf.if %cond3A_91 {
        %dma_wait3A_169 = arith.constant 0 : i32
        %dma_wait3A_170 = arith.constant 0 : i32
        %dma_wait3A_171 = tpu.memref_slice %arg4[%add3A_84, %dma_wait3A_169, %dma_wait3A_170] : memref<20x8x64xi32, #tpu.memory_space<vmem>> -> memref<1x1x64xi32, #tpu.memory_space<vmem>>
        %dma_wait3A_172 = tpu.memref_squeeze %dma_wait3A_171 : memref<1x1x64xi32, #tpu.memory_space<vmem>> -> memref<64xi32, #tpu.memory_space<vmem>>
        %dma_wait3A_173 = arith.constant 0 : i32
        %dma_wait3A_174 = tpu.memref_slice %arg7[%dma_wait3A_173] : memref<10240xf32, #tpu.memory_space<vmem_shared>> -> memref<10240xf32, #tpu.memory_space<vmem_shared>>
        tpu.wait_indirect_dma semaphore(%arg8 : memref<!tpu.dma_semaphore, #tpu.memory_space<semaphore_mem>>) src(%arg5 : memref<64xf32, #tpu.memory_space<vmem>>) dst(%dma_wait3A_174 : memref<10240xf32, #tpu.memory_space<vmem_shared>>)
      } else {
      }
      %dma_start3A_92 = arith.constant 1 : i32
      %dma_start3A_93 = arith.constant 0 : i32
      %dma_start3A_94 = tpu.memref_slice %arg4[%add3A_84, %dma_start3A_92, %dma_start3A_93] : memref<20x8x64xi32, #tpu.memory_space<vmem>> -> memref<1x1x64xi32, #tpu.memory_space<vmem>>
      %dma_start3A_95 = tpu.memref_squeeze %dma_start3A_94 : memref<1x1x64xi32, #tpu.memory_space<vmem>> -> memref<64xi32, #tpu.memory_space<vmem>>
      %dma_start3A_96 = arith.constant 0 : i32
      %dma_start3A_97 = tpu.memref_slice %arg7[%dma_start3A_96] : memref<10240xf32, #tpu.memory_space<vmem_shared>> -> memref<10240xf32, #tpu.memory_space<vmem_shared>>
      tpu.enqueue_indirect_dma source(%arg5 : memref<64xf32, #tpu.memory_space<vmem>>) target(%dma_start3A_97 : memref<10240xf32, #tpu.memory_space<vmem_shared>>) offsets(%dma_start3A_95 : memref<64xi32, #tpu.memory_space<vmem>>) semaphore(%arg8 : memref<!tpu.dma_semaphore, #tpu.memory_space<semaphore_mem>>) {add = true}
      %ge3A_98 = arith.constant 1 : i32
      %ge3A_99 = arith.cmpi sge, %add3A_84, %ge3A_98 : i32
      %convert_element_type3A_100 = arith.extui %ge3A_99 : i1 to i32
      %cond3A_101 = arith.constant 0 : i32
      %cond3A_102 = arith.cmpi ne, %convert_element_type3A_100, %cond3A_101 : i32
      scf.if %cond3A_102 {
        %dma_wait3A_169 = arith.constant 1 : i32
        %dma_wait3A_170 = arith.constant 0 : i32
        %dma_wait3A_171 = tpu.memref_slice %arg4[%add3A_84, %dma_wait3A_169, %dma_wait3A_170] : memref<20x8x64xi32, #tpu.memory_space<vmem>> -> memref<1x1x64xi32, #tpu.memory_space<vmem>>
        %dma_wait3A_172 = tpu.memref_squeeze %dma_wait3A_171 : memref<1x1x64xi32, #tpu.memory_space<vmem>> -> memref<64xi32, #tpu.memory_space<vmem>>
        %dma_wait3A_173 = arith.constant 0 : i32
        %dma_wait3A_174 = tpu.memref_slice %arg7[%dma_wait3A_173] : memref<10240xf32, #tpu.memory_space<vmem_shared>> -> memref<10240xf32, #tpu.memory_space<vmem_shared>>
        tpu.wait_indirect_dma semaphore(%arg8 : memref<!tpu.dma_semaphore, #tpu.memory_space<semaphore_mem>>) src(%arg5 : memref<64xf32, #tpu.memory_space<vmem>>) dst(%dma_wait3A_174 : memref<10240xf32, #tpu.memory_space<vmem_shared>>)
      } else {
      }
      %dma_start3A_103 = arith.constant 2 : i32
      %dma_start3A_104 = arith.constant 0 : i32
      %dma_start3A_105 = tpu.memref_slice %arg4[%add3A_84, %dma_start3A_103, %dma_start3A_104] : memref<20x8x64xi32, #tpu.memory_space<vmem>> -> memref<1x1x64xi32, #tpu.memory_space<vmem>>
      %dma_start3A_106 = tpu.memref_squeeze %dma_start3A_105 : memref<1x1x64xi32, #tpu.memory_space<vmem>> -> memref<64xi32, #tpu.memory_space<vmem>>
      %dma_start3A_107 = arith.constant 0 : i32
      %dma_start3A_108 = tpu.memref_slice %arg7[%dma_start3A_107] : memref<10240xf32, #tpu.memory_space<vmem_shared>> -> memref<10240xf32, #tpu.memory_space<vmem_shared>>
      tpu.enqueue_indirect_dma source(%arg5 : memref<64xf32, #tpu.memory_space<vmem>>) target(%dma_start3A_108 : memref<10240xf32, #tpu.memory_space<vmem_shared>>) offsets(%dma_start3A_106 : memref<64xi32, #tpu.memory_space<vmem>>) semaphore(%arg8 : memref<!tpu.dma_semaphore, #tpu.memory_space<semaphore_mem>>) {add = true}
      %ge3A_109 = arith.constant 1 : i32
      %ge3A_110 = arith.cmpi sge, %add3A_84, %ge3A_109 : i32
      %convert_element_type3A_111 = arith.extui %ge3A_110 : i1 to i32
      %cond3A_112 = arith.constant 0 : i32
      %cond3A_113 = arith.cmpi ne, %convert_element_type3A_111, %cond3A_112 : i32
      scf.if %cond3A_113 {
        %dma_wait3A_169 = arith.constant 2 : i32
        %dma_wait3A_170 = arith.constant 0 : i32
        %dma_wait3A_171 = tpu.memref_slice %arg4[%add3A_84, %dma_wait3A_169, %dma_wait3A_170] : memref<20x8x64xi32, #tpu.memory_space<vmem>> -> memref<1x1x64xi32, #tpu.memory_space<vmem>>
        %dma_wait3A_172 = tpu.memref_squeeze %dma_wait3A_171 : memref<1x1x64xi32, #tpu.memory_space<vmem>> -> memref<64xi32, #tpu.memory_space<vmem>>
        %dma_wait3A_173 = arith.constant 0 : i32
        %dma_wait3A_174 = tpu.memref_slice %arg7[%dma_wait3A_173] : memref<10240xf32, #tpu.memory_space<vmem_shared>> -> memref<10240xf32, #tpu.memory_space<vmem_shared>>
        tpu.wait_indirect_dma semaphore(%arg8 : memref<!tpu.dma_semaphore, #tpu.memory_space<semaphore_mem>>) src(%arg5 : memref<64xf32, #tpu.memory_space<vmem>>) dst(%dma_wait3A_174 : memref<10240xf32, #tpu.memory_space<vmem_shared>>)
      } else {
      }
      %dma_start3A_114 = arith.constant 3 : i32
      %dma_start3A_115 = arith.constant 0 : i32
      %dma_start3A_116 = tpu.memref_slice %arg4[%add3A_84, %dma_start3A_114, %dma_start3A_115] : memref<20x8x64xi32, #tpu.memory_space<vmem>> -> memref<1x1x64xi32, #tpu.memory_space<vmem>>
      %dma_start3A_117 = tpu.memref_squeeze %dma_start3A_116 : memref<1x1x64xi32, #tpu.memory_space<vmem>> -> memref<64xi32, #tpu.memory_space<vmem>>
      %dma_start3A_118 = arith.constant 0 : i32
      %dma_start3A_119 = tpu.memref_slice %arg7[%dma_start3A_118] : memref<10240xf32, #tpu.memory_space<vmem_shared>> -> memref<10240xf32, #tpu.memory_space<vmem_shared>>
      tpu.enqueue_indirect_dma source(%arg5 : memref<64xf32, #tpu.memory_space<vmem>>) target(%dma_start3A_119 : memref<10240xf32, #tpu.memory_space<vmem_shared>>) offsets(%dma_start3A_117 : memref<64xi32, #tpu.memory_space<vmem>>) semaphore(%arg8 : memref<!tpu.dma_semaphore, #tpu.memory_space<semaphore_mem>>) {add = true}
      %ge3A_120 = arith.constant 1 : i32
      %ge3A_121 = arith.cmpi sge, %add3A_84, %ge3A_120 : i32
      %convert_element_type3A_122 = arith.extui %ge3A_121 : i1 to i32
      %cond3A_123 = arith.constant 0 : i32
      %cond3A_124 = arith.cmpi ne, %convert_element_type3A_122, %cond3A_123 : i32
      scf.if %cond3A_124 {
        %dma_wait3A_169 = arith.constant 3 : i32
        %dma_wait3A_170 = arith.constant 0 : i32
        %dma_wait3A_171 = tpu.memref_slice %arg4[%add3A_84, %dma_wait3A_169, %dma_wait3A_170] : memref<20x8x64xi32, #tpu.memory_space<vmem>> -> memref<1x1x64xi32, #tpu.memory_space<vmem>>
        %dma_wait3A_172 = tpu.memref_squeeze %dma_wait3A_171 : memref<1x1x64xi32, #tpu.memory_space<vmem>> -> memref<64xi32, #tpu.memory_space<vmem>>
        %dma_wait3A_173 = arith.constant 0 : i32
        %dma_wait3A_174 = tpu.memref_slice %arg7[%dma_wait3A_173] : memref<10240xf32, #tpu.memory_space<vmem_shared>> -> memref<10240xf32, #tpu.memory_space<vmem_shared>>
        tpu.wait_indirect_dma semaphore(%arg8 : memref<!tpu.dma_semaphore, #tpu.memory_space<semaphore_mem>>) src(%arg5 : memref<64xf32, #tpu.memory_space<vmem>>) dst(%dma_wait3A_174 : memref<10240xf32, #tpu.memory_space<vmem_shared>>)
      } else {
      }
      %dma_start3A_125 = arith.constant 4 : i32
      %dma_start3A_126 = arith.constant 0 : i32
      %dma_start3A_127 = tpu.memref_slice %arg4[%add3A_84, %dma_start3A_125, %dma_start3A_126] : memref<20x8x64xi32, #tpu.memory_space<vmem>> -> memref<1x1x64xi32, #tpu.memory_space<vmem>>
      %dma_start3A_128 = tpu.memref_squeeze %dma_start3A_127 : memref<1x1x64xi32, #tpu.memory_space<vmem>> -> memref<64xi32, #tpu.memory_space<vmem>>
      %dma_start3A_129 = arith.constant 0 : i32
      %dma_start3A_130 = tpu.memref_slice %arg7[%dma_start3A_129] : memref<10240xf32, #tpu.memory_space<vmem_shared>> -> memref<10240xf32, #tpu.memory_space<vmem_shared>>
      tpu.enqueue_indirect_dma source(%arg5 : memref<64xf32, #tpu.memory_space<vmem>>) target(%dma_start3A_130 : memref<10240xf32, #tpu.memory_space<vmem_shared>>) offsets(%dma_start3A_128 : memref<64xi32, #tpu.memory_space<vmem>>) semaphore(%arg8 : memref<!tpu.dma_semaphore, #tpu.memory_space<semaphore_mem>>) {add = true}
      %ge3A_131 = arith.constant 1 : i32
      %ge3A_132 = arith.cmpi sge, %add3A_84, %ge3A_131 : i32
      %convert_element_type3A_133 = arith.extui %ge3A_132 : i1 to i32
      %cond3A_134 = arith.constant 0 : i32
      %cond3A_135 = arith.cmpi ne, %convert_element_type3A_133, %cond3A_134 : i32
      scf.if %cond3A_135 {
        %dma_wait3A_169 = arith.constant 4 : i32
        %dma_wait3A_170 = arith.constant 0 : i32
        %dma_wait3A_171 = tpu.memref_slice %arg4[%add3A_84, %dma_wait3A_169, %dma_wait3A_170] : memref<20x8x64xi32, #tpu.memory_space<vmem>> -> memref<1x1x64xi32, #tpu.memory_space<vmem>>
        %dma_wait3A_172 = tpu.memref_squeeze %dma_wait3A_171 : memref<1x1x64xi32, #tpu.memory_space<vmem>> -> memref<64xi32, #tpu.memory_space<vmem>>
        %dma_wait3A_173 = arith.constant 0 : i32
        %dma_wait3A_174 = tpu.memref_slice %arg7[%dma_wait3A_173] : memref<10240xf32, #tpu.memory_space<vmem_shared>> -> memref<10240xf32, #tpu.memory_space<vmem_shared>>
        tpu.wait_indirect_dma semaphore(%arg8 : memref<!tpu.dma_semaphore, #tpu.memory_space<semaphore_mem>>) src(%arg5 : memref<64xf32, #tpu.memory_space<vmem>>) dst(%dma_wait3A_174 : memref<10240xf32, #tpu.memory_space<vmem_shared>>)
      } else {
      }
      %dma_start3A_136 = arith.constant 5 : i32
      %dma_start3A_137 = arith.constant 0 : i32
      %dma_start3A_138 = tpu.memref_slice %arg4[%add3A_84, %dma_start3A_136, %dma_start3A_137] : memref<20x8x64xi32, #tpu.memory_space<vmem>> -> memref<1x1x64xi32, #tpu.memory_space<vmem>>
      %dma_start3A_139 = tpu.memref_squeeze %dma_start3A_138 : memref<1x1x64xi32, #tpu.memory_space<vmem>> -> memref<64xi32, #tpu.memory_space<vmem>>
      %dma_start3A_140 = arith.constant 0 : i32
      %dma_start3A_141 = tpu.memref_slice %arg7[%dma_start3A_140] : memref<10240xf32, #tpu.memory_space<vmem_shared>> -> memref<10240xf32, #tpu.memory_space<vmem_shared>>
      tpu.enqueue_indirect_dma source(%arg5 : memref<64xf32, #tpu.memory_space<vmem>>) target(%dma_start3A_141 : memref<10240xf32, #tpu.memory_space<vmem_shared>>) offsets(%dma_start3A_139 : memref<64xi32, #tpu.memory_space<vmem>>) semaphore(%arg8 : memref<!tpu.dma_semaphore, #tpu.memory_space<semaphore_mem>>) {add = true}
      %ge3A_142 = arith.constant 1 : i32
      %ge3A_143 = arith.cmpi sge, %add3A_84, %ge3A_142 : i32
      %convert_element_type3A_144 = arith.extui %ge3A_143 : i1 to i32
      %cond3A_145 = arith.constant 0 : i32
      %cond3A_146 = arith.cmpi ne, %convert_element_type3A_144, %cond3A_145 : i32
      scf.if %cond3A_146 {
        %dma_wait3A_169 = arith.constant 5 : i32
        %dma_wait3A_170 = arith.constant 0 : i32
        %dma_wait3A_171 = tpu.memref_slice %arg4[%add3A_84, %dma_wait3A_169, %dma_wait3A_170] : memref<20x8x64xi32, #tpu.memory_space<vmem>> -> memref<1x1x64xi32, #tpu.memory_space<vmem>>
        %dma_wait3A_172 = tpu.memref_squeeze %dma_wait3A_171 : memref<1x1x64xi32, #tpu.memory_space<vmem>> -> memref<64xi32, #tpu.memory_space<vmem>>
        %dma_wait3A_173 = arith.constant 0 : i32
        %dma_wait3A_174 = tpu.memref_slice %arg7[%dma_wait3A_173] : memref<10240xf32, #tpu.memory_space<vmem_shared>> -> memref<10240xf32, #tpu.memory_space<vmem_shared>>
        tpu.wait_indirect_dma semaphore(%arg8 : memref<!tpu.dma_semaphore, #tpu.memory_space<semaphore_mem>>) src(%arg5 : memref<64xf32, #tpu.memory_space<vmem>>) dst(%dma_wait3A_174 : memref<10240xf32, #tpu.memory_space<vmem_shared>>)
      } else {
      }
      %dma_start3A_147 = arith.constant 6 : i32
      %dma_start3A_148 = arith.constant 0 : i32
      %dma_start3A_149 = tpu.memref_slice %arg4[%add3A_84, %dma_start3A_147, %dma_start3A_148] : memref<20x8x64xi32, #tpu.memory_space<vmem>> -> memref<1x1x64xi32, #tpu.memory_space<vmem>>
      %dma_start3A_150 = tpu.memref_squeeze %dma_start3A_149 : memref<1x1x64xi32, #tpu.memory_space<vmem>> -> memref<64xi32, #tpu.memory_space<vmem>>
      %dma_start3A_151 = arith.constant 0 : i32
      %dma_start3A_152 = tpu.memref_slice %arg7[%dma_start3A_151] : memref<10240xf32, #tpu.memory_space<vmem_shared>> -> memref<10240xf32, #tpu.memory_space<vmem_shared>>
      tpu.enqueue_indirect_dma source(%arg5 : memref<64xf32, #tpu.memory_space<vmem>>) target(%dma_start3A_152 : memref<10240xf32, #tpu.memory_space<vmem_shared>>) offsets(%dma_start3A_150 : memref<64xi32, #tpu.memory_space<vmem>>) semaphore(%arg8 : memref<!tpu.dma_semaphore, #tpu.memory_space<semaphore_mem>>) {add = true}
      %ge3A_153 = arith.constant 1 : i32
      %ge3A_154 = arith.cmpi sge, %add3A_84, %ge3A_153 : i32
      %convert_element_type3A_155 = arith.extui %ge3A_154 : i1 to i32
      %cond3A_156 = arith.constant 0 : i32
      %cond3A_157 = arith.cmpi ne, %convert_element_type3A_155, %cond3A_156 : i32
      scf.if %cond3A_157 {
        %dma_wait3A_169 = arith.constant 6 : i32
        %dma_wait3A_170 = arith.constant 0 : i32
        %dma_wait3A_171 = tpu.memref_slice %arg4[%add3A_84, %dma_wait3A_169, %dma_wait3A_170] : memref<20x8x64xi32, #tpu.memory_space<vmem>> -> memref<1x1x64xi32, #tpu.memory_space<vmem>>
        %dma_wait3A_172 = tpu.memref_squeeze %dma_wait3A_171 : memref<1x1x64xi32, #tpu.memory_space<vmem>> -> memref<64xi32, #tpu.memory_space<vmem>>
        %dma_wait3A_173 = arith.constant 0 : i32
        %dma_wait3A_174 = tpu.memref_slice %arg7[%dma_wait3A_173] : memref<10240xf32, #tpu.memory_space<vmem_shared>> -> memref<10240xf32, #tpu.memory_space<vmem_shared>>
        tpu.wait_indirect_dma semaphore(%arg8 : memref<!tpu.dma_semaphore, #tpu.memory_space<semaphore_mem>>) src(%arg5 : memref<64xf32, #tpu.memory_space<vmem>>) dst(%dma_wait3A_174 : memref<10240xf32, #tpu.memory_space<vmem_shared>>)
      } else {
      }
      %dma_start3A_158 = arith.constant 7 : i32
      %dma_start3A_159 = arith.constant 0 : i32
      %dma_start3A_160 = tpu.memref_slice %arg4[%add3A_84, %dma_start3A_158, %dma_start3A_159] : memref<20x8x64xi32, #tpu.memory_space<vmem>> -> memref<1x1x64xi32, #tpu.memory_space<vmem>>
      %dma_start3A_161 = tpu.memref_squeeze %dma_start3A_160 : memref<1x1x64xi32, #tpu.memory_space<vmem>> -> memref<64xi32, #tpu.memory_space<vmem>>
      %dma_start3A_162 = arith.constant 0 : i32
      %dma_start3A_163 = tpu.memref_slice %arg7[%dma_start3A_162] : memref<10240xf32, #tpu.memory_space<vmem_shared>> -> memref<10240xf32, #tpu.memory_space<vmem_shared>>
      tpu.enqueue_indirect_dma source(%arg5 : memref<64xf32, #tpu.memory_space<vmem>>) target(%dma_start3A_163 : memref<10240xf32, #tpu.memory_space<vmem_shared>>) offsets(%dma_start3A_161 : memref<64xi32, #tpu.memory_space<vmem>>) semaphore(%arg8 : memref<!tpu.dma_semaphore, #tpu.memory_space<semaphore_mem>>) {add = true}
      %ge3A_164 = arith.constant 1 : i32
      %ge3A_165 = arith.cmpi sge, %add3A_84, %ge3A_164 : i32
      %convert_element_type3A_166 = arith.extui %ge3A_165 : i1 to i32
      %cond3A_167 = arith.constant 0 : i32
      %cond3A_168 = arith.cmpi ne, %convert_element_type3A_166, %cond3A_167 : i32
      scf.if %cond3A_168 {
        %dma_wait3A_169 = arith.constant 7 : i32
        %dma_wait3A_170 = arith.constant 0 : i32
        %dma_wait3A_171 = tpu.memref_slice %arg4[%add3A_84, %dma_wait3A_169, %dma_wait3A_170] : memref<20x8x64xi32, #tpu.memory_space<vmem>> -> memref<1x1x64xi32, #tpu.memory_space<vmem>>
        %dma_wait3A_172 = tpu.memref_squeeze %dma_wait3A_171 : memref<1x1x64xi32, #tpu.memory_space<vmem>> -> memref<64xi32, #tpu.memory_space<vmem>>
        %dma_wait3A_173 = arith.constant 0 : i32
        %dma_wait3A_174 = tpu.memref_slice %arg7[%dma_wait3A_173] : memref<10240xf32, #tpu.memory_space<vmem_shared>> -> memref<10240xf32, #tpu.memory_space<vmem_shared>>
        tpu.wait_indirect_dma semaphore(%arg8 : memref<!tpu.dma_semaphore, #tpu.memory_space<semaphore_mem>>) src(%arg5 : memref<64xf32, #tpu.memory_space<vmem>>) dst(%dma_wait3A_174 : memref<10240xf32, #tpu.memory_space<vmem_shared>>)
      } else {
      }
    }
    %scan3A_19 = arith.constant 20 : i32
    %dma_wait3A = arith.constant 0 : i32
    %dma_wait3A_20 = arith.constant 0 : i32
    %dma_wait3A_21 = arith.constant 0 : i32
    %dma_wait3A_22 = tpu.memref_slice %arg4[%dma_wait3A, %dma_wait3A_20, %dma_wait3A_21] : memref<20x8x64xi32, #tpu.memory_space<vmem>> -> memref<1x1x64xi32, #tpu.memory_space<vmem>>
    %dma_wait3A_23 = tpu.memref_squeeze %dma_wait3A_22 : memref<1x1x64xi32, #tpu.memory_space<vmem>> -> memref<64xi32, #tpu.memory_space<vmem>>
    %dma_wait3A_24 = arith.constant 0 : i32
    %dma_wait3A_25 = tpu.memref_slice %arg7[%dma_wait3A_24] : memref<10240xf32, #tpu.memory_space<vmem_shared>> -> memref<10240xf32, #tpu.memory_space<vmem_shared>>
    tpu.wait_indirect_dma semaphore(%arg8 : memref<!tpu.dma_semaphore, #tpu.memory_space<semaphore_mem>>) src(%arg5 : memref<64xf32, #tpu.memory_space<vmem>>) dst(%dma_wait3A_25 : memref<10240xf32, #tpu.memory_space<vmem_shared>>)
    %dma_wait3A_26 = arith.constant 0 : i32
    %dma_wait3A_27 = arith.constant 1 : i32
    %dma_wait3A_28 = arith.constant 0 : i32
    %dma_wait3A_29 = tpu.memref_slice %arg4[%dma_wait3A_26, %dma_wait3A_27, %dma_wait3A_28] : memref<20x8x64xi32, #tpu.memory_space<vmem>> -> memref<1x1x64xi32, #tpu.memory_space<vmem>>
    %dma_wait3A_30 = tpu.memref_squeeze %dma_wait3A_29 : memref<1x1x64xi32, #tpu.memory_space<vmem>> -> memref<64xi32, #tpu.memory_space<vmem>>
    %dma_wait3A_31 = arith.constant 0 : i32
    %dma_wait3A_32 = tpu.memref_slice %arg7[%dma_wait3A_31] : memref<10240xf32, #tpu.memory_space<vmem_shared>> -> memref<10240xf32, #tpu.memory_space<vmem_shared>>
    tpu.wait_indirect_dma semaphore(%arg8 : memref<!tpu.dma_semaphore, #tpu.memory_space<semaphore_mem>>) src(%arg5 : memref<64xf32, #tpu.memory_space<vmem>>) dst(%dma_wait3A_32 : memref<10240xf32, #tpu.memory_space<vmem_shared>>)
    %dma_wait3A_33 = arith.constant 0 : i32
    %dma_wait3A_34 = arith.constant 2 : i32
    %dma_wait3A_35 = arith.constant 0 : i32
    %dma_wait3A_36 = tpu.memref_slice %arg4[%dma_wait3A_33, %dma_wait3A_34, %dma_wait3A_35] : memref<20x8x64xi32, #tpu.memory_space<vmem>> -> memref<1x1x64xi32, #tpu.memory_space<vmem>>
    %dma_wait3A_37 = tpu.memref_squeeze %dma_wait3A_36 : memref<1x1x64xi32, #tpu.memory_space<vmem>> -> memref<64xi32, #tpu.memory_space<vmem>>
    %dma_wait3A_38 = arith.constant 0 : i32
    %dma_wait3A_39 = tpu.memref_slice %arg7[%dma_wait3A_38] : memref<10240xf32, #tpu.memory_space<vmem_shared>> -> memref<10240xf32, #tpu.memory_space<vmem_shared>>
    tpu.wait_indirect_dma semaphore(%arg8 : memref<!tpu.dma_semaphore, #tpu.memory_space<semaphore_mem>>) src(%arg5 : memref<64xf32, #tpu.memory_space<vmem>>) dst(%dma_wait3A_39 : memref<10240xf32, #tpu.memory_space<vmem_shared>>)
    %dma_wait3A_40 = arith.constant 0 : i32
    %dma_wait3A_41 = arith.constant 3 : i32
    %dma_wait3A_42 = arith.constant 0 : i32
    %dma_wait3A_43 = tpu.memref_slice %arg4[%dma_wait3A_40, %dma_wait3A_41, %dma_wait3A_42] : memref<20x8x64xi32, #tpu.memory_space<vmem>> -> memref<1x1x64xi32, #tpu.memory_space<vmem>>
    %dma_wait3A_44 = tpu.memref_squeeze %dma_wait3A_43 : memref<1x1x64xi32, #tpu.memory_space<vmem>> -> memref<64xi32, #tpu.memory_space<vmem>>
    %dma_wait3A_45 = arith.constant 0 : i32
    %dma_wait3A_46 = tpu.memref_slice %arg7[%dma_wait3A_45] : memref<10240xf32, #tpu.memory_space<vmem_shared>> -> memref<10240xf32, #tpu.memory_space<vmem_shared>>
    tpu.wait_indirect_dma semaphore(%arg8 : memref<!tpu.dma_semaphore, #tpu.memory_space<semaphore_mem>>) src(%arg5 : memref<64xf32, #tpu.memory_space<vmem>>) dst(%dma_wait3A_46 : memref<10240xf32, #tpu.memory_space<vmem_shared>>)
    %dma_wait3A_47 = arith.constant 0 : i32
    %dma_wait3A_48 = arith.constant 4 : i32
    %dma_wait3A_49 = arith.constant 0 : i32
    %dma_wait3A_50 = tpu.memref_slice %arg4[%dma_wait3A_47, %dma_wait3A_48, %dma_wait3A_49] : memref<20x8x64xi32, #tpu.memory_space<vmem>> -> memref<1x1x64xi32, #tpu.memory_space<vmem>>
    %dma_wait3A_51 = tpu.memref_squeeze %dma_wait3A_50 : memref<1x1x64xi32, #tpu.memory_space<vmem>> -> memref<64xi32, #tpu.memory_space<vmem>>
    %dma_wait3A_52 = arith.constant 0 : i32
    %dma_wait3A_53 = tpu.memref_slice %arg7[%dma_wait3A_52] : memref<10240xf32, #tpu.memory_space<vmem_shared>> -> memref<10240xf32, #tpu.memory_space<vmem_shared>>
    tpu.wait_indirect_dma semaphore(%arg8 : memref<!tpu.dma_semaphore, #tpu.memory_space<semaphore_mem>>) src(%arg5 : memref<64xf32, #tpu.memory_space<vmem>>) dst(%dma_wait3A_53 : memref<10240xf32, #tpu.memory_space<vmem_shared>>)
    %dma_wait3A_54 = arith.constant 0 : i32
    %dma_wait3A_55 = arith.constant 5 : i32
    %dma_wait3A_56 = arith.constant 0 : i32
    %dma_wait3A_57 = tpu.memref_slice %arg4[%dma_wait3A_54, %dma_wait3A_55, %dma_wait3A_56] : memref<20x8x64xi32, #tpu.memory_space<vmem>> -> memref<1x1x64xi32, #tpu.memory_space<vmem>>
    %dma_wait3A_58 = tpu.memref_squeeze %dma_wait3A_57 : memref<1x1x64xi32, #tpu.memory_space<vmem>> -> memref<64xi32, #tpu.memory_space<vmem>>
    %dma_wait3A_59 = arith.constant 0 : i32
    %dma_wait3A_60 = tpu.memref_slice %arg7[%dma_wait3A_59] : memref<10240xf32, #tpu.memory_space<vmem_shared>> -> memref<10240xf32, #tpu.memory_space<vmem_shared>>
    tpu.wait_indirect_dma semaphore(%arg8 : memref<!tpu.dma_semaphore, #tpu.memory_space<semaphore_mem>>) src(%arg5 : memref<64xf32, #tpu.memory_space<vmem>>) dst(%dma_wait3A_60 : memref<10240xf32, #tpu.memory_space<vmem_shared>>)
    %dma_wait3A_61 = arith.constant 0 : i32
    %dma_wait3A_62 = arith.constant 6 : i32
    %dma_wait3A_63 = arith.constant 0 : i32
    %dma_wait3A_64 = tpu.memref_slice %arg4[%dma_wait3A_61, %dma_wait3A_62, %dma_wait3A_63] : memref<20x8x64xi32, #tpu.memory_space<vmem>> -> memref<1x1x64xi32, #tpu.memory_space<vmem>>
    %dma_wait3A_65 = tpu.memref_squeeze %dma_wait3A_64 : memref<1x1x64xi32, #tpu.memory_space<vmem>> -> memref<64xi32, #tpu.memory_space<vmem>>
    %dma_wait3A_66 = arith.constant 0 : i32
    %dma_wait3A_67 = tpu.memref_slice %arg7[%dma_wait3A_66] : memref<10240xf32, #tpu.memory_space<vmem_shared>> -> memref<10240xf32, #tpu.memory_space<vmem_shared>>
    tpu.wait_indirect_dma semaphore(%arg8 : memref<!tpu.dma_semaphore, #tpu.memory_space<semaphore_mem>>) src(%arg5 : memref<64xf32, #tpu.memory_space<vmem>>) dst(%dma_wait3A_67 : memref<10240xf32, #tpu.memory_space<vmem_shared>>)
    %dma_wait3A_68 = arith.constant 0 : i32
    %dma_wait3A_69 = arith.constant 7 : i32
    %dma_wait3A_70 = arith.constant 0 : i32
    %dma_wait3A_71 = tpu.memref_slice %arg4[%dma_wait3A_68, %dma_wait3A_69, %dma_wait3A_70] : memref<20x8x64xi32, #tpu.memory_space<vmem>> -> memref<1x1x64xi32, #tpu.memory_space<vmem>>
    %dma_wait3A_72 = tpu.memref_squeeze %dma_wait3A_71 : memref<1x1x64xi32, #tpu.memory_space<vmem>> -> memref<64xi32, #tpu.memory_space<vmem>>
    %dma_wait3A_73 = arith.constant 0 : i32
    %dma_wait3A_74 = tpu.memref_slice %arg7[%dma_wait3A_73] : memref<10240xf32, #tpu.memory_space<vmem_shared>> -> memref<10240xf32, #tpu.memory_space<vmem_shared>>
    tpu.wait_indirect_dma semaphore(%arg8 : memref<!tpu.dma_semaphore, #tpu.memory_space<semaphore_mem>>) src(%arg5 : memref<64xf32, #tpu.memory_space<vmem>>) dst(%dma_wait3A_74 : memref<10240xf32, #tpu.memory_space<vmem_shared>>)
    %barrier3A_75 = arith.constant 0 : index
    tpu.barrier barrier_id(%barrier3A_75)
    %mul3A_76 = arith.constant 640 : i32
    %mul3A_77 = arith.muli %arg1, %mul3A_76 : i32
    "tpu.region"() ({
      %run_scoped3A_80 = tpu.sem_alloc : memref<!tpu.dma_semaphore, #tpu.memory_space<semaphore_mem>>
      %dma_start3A = tpu.memref_slice %arg7[%mul3A_77] : memref<10240xf32, #tpu.memory_space<vmem_shared>> -> memref<640xf32, #tpu.memory_space<vmem_shared>>
      %dma_start3A_81 = tpu.memref_slice %arg7[%mul3A_77] : memref<10240xf32, #tpu.memory_space<vmem_shared>> -> memref<640xf32, #tpu.memory_space<vmem_shared>>
      tpu.enqueue_dma source(%dma_start3A_81 : memref<640xf32, #tpu.memory_space<vmem_shared>>) target(%arg6 : memref<640xf32, #tpu.memory_space<vmem>>) target_semaphore(%run_scoped3A_80 : memref<!tpu.dma_semaphore, #tpu.memory_space<semaphore_mem>>)
      %dma_wait3A_82 = tpu.memref_slice %arg7[%mul3A_77] : memref<10240xf32, #tpu.memory_space<vmem_shared>> -> memref<640xf32, #tpu.memory_space<vmem_shared>>
      %dma_wait3A_83 = tpu.memref_slice %arg7[%mul3A_77] : memref<10240xf32, #tpu.memory_space<vmem_shared>> -> memref<640xf32, #tpu.memory_space<vmem_shared>>
      tpu.wait_dma2 semaphore(%run_scoped3A_80 : memref<!tpu.dma_semaphore, #tpu.memory_space<semaphore_mem>>) src(%dma_wait3A_83 : memref<640xf32, #tpu.memory_space<vmem_shared>>) dst(%arg6 : memref<640xf32, #tpu.memory_space<vmem>>)
      tpu.yield
    }) : () -> ()
    %mul3A_78 = arith.constant 640 : i32
    %mul3A_79 = arith.muli %arg1, %mul3A_78 : i32
    "tpu.region"() ({
      %run_scoped3A_80 = tpu.sem_alloc : memref<!tpu.dma_semaphore, #tpu.memory_space<semaphore_mem>>
      %dma_start3A = tpu.memref_slice %arg3[%arg0, %mul3A_79] : memref<2x10240xf32, #tpu.memory_space<hbm>> -> memref<1x640xf32, #tpu.memory_space<hbm>>
      %dma_start3A_81 = tpu.memref_squeeze %dma_start3A : memref<1x640xf32, #tpu.memory_space<hbm>> -> memref<640xf32, #tpu.memory_space<hbm>>
      %dma_start3A_82 = tpu.memref_slice %arg3[%arg0, %mul3A_79] : memref<2x10240xf32, #tpu.memory_space<hbm>> -> memref<1x640xf32, #tpu.memory_space<hbm>>
      %dma_start3A_83 = tpu.memref_squeeze %dma_start3A_82 : memref<1x640xf32, #tpu.memory_space<hbm>> -> memref<640xf32, #tpu.memory_space<hbm>>
      tpu.enqueue_dma source(%arg6 : memref<640xf32, #tpu.memory_space<vmem>>) target(%dma_start3A_83 : memref<640xf32, #tpu.memory_space<hbm>>) target_semaphore(%run_scoped3A_80 : memref<!tpu.dma_semaphore, #tpu.memory_space<semaphore_mem>>)
      %dma_wait3A_84 = tpu.memref_slice %arg3[%arg0, %mul3A_79] : memref<2x10240xf32, #tpu.memory_space<hbm>> -> memref<1x640xf32, #tpu.memory_space<hbm>>
      %dma_wait3A_85 = tpu.memref_squeeze %dma_wait3A_84 : memref<1x640xf32, #tpu.memory_space<hbm>> -> memref<640xf32, #tpu.memory_space<hbm>>
      %dma_wait3A_86 = tpu.memref_slice %arg3[%arg0, %mul3A_79] : memref<2x10240xf32, #tpu.memory_space<hbm>> -> memref<1x640xf32, #tpu.memory_space<hbm>>
      %dma_wait3A_87 = tpu.memref_squeeze %dma_wait3A_86 : memref<1x640xf32, #tpu.memory_space<hbm>> -> memref<640xf32, #tpu.memory_space<hbm>>
      tpu.wait_dma2 semaphore(%run_scoped3A_80 : memref<!tpu.dma_semaphore, #tpu.memory_space<semaphore_mem>>) src(%arg6 : memref<640xf32, #tpu.memory_space<vmem>>) dst(%dma_wait3A_87 : memref<640xf32, #tpu.memory_space<hbm>>)
      tpu.yield
    }) : () -> ()
    return
  }
}

module attributes {stable_mosaic.version = 14 : i64} {
  func.func @body(%arg0: i32, %arg1: memref<2048x128xf32, #tpu.memory_space<vmem>>, %arg2: memref<128x128xf32, #tpu.memory_space<vmem>>, %arg3: memref<2x2048xf32, #tpu.memory_space<vmem>>, %arg4: memref<2048x128xf32, #tpu.memory_space<vmem>>, %arg5: memref<2048xf32, #tpu.memory_space<vmem>>) attributes {dimension_semantics = [#tpu.dimension_semantics<arbitrary>], iteration_bounds = array<i64: 5>, scalar_prefetch = 0 : i64, scratch_operands = 0 : i64, tpu.core_type = #tpu.core_type<tc>, window_params = [{transform_indices = @transform_0, window_bounds = array<i64: 2048, 128>}, {pipeline_mode = #tpu.pipeline_mode<synchronous>, transform_indices = @transform_1, window_bounds = array<i64: 128, 128>}, {transform_indices = @transform_2, window_bounds = array<i64: 2, 2048>}, {transform_indices = @transform_3, window_bounds = array<i64: 2048, 128>}, {transform_indices = @transform_4, window_bounds = array<i64: 2048>}]} {
    %get3A = arith.constant 0 : index
    %get3A_0 = arith.constant 0 : index
    %get3A_1 = vector.load %arg1[%get3A, %get3A_0] : memref<2048x128xf32, #tpu.memory_space<vmem>>, vector<2048x128xf32>
    %get3A_2 = arith.constant 0 : index
    %get3A_3 = arith.constant 0 : index
    %get3A_4 = vector.load %arg2[%get3A_2, %get3A_3] : memref<128x128xf32, #tpu.memory_space<vmem>>, vector<128x128xf32>
    %dot_general3A = arith.constant dense<0.000000e+00> : vector<2048x128xf32>
    %dot_general3A_5 = tpu.matmul %get3A_1, %get3A_4, %dot_general3A {dimension_numbers = #tpu.dot_dimension_numbers<[1], [0], [0], [1], [0, 0, 1, 1], [], []>, transpose_lhs_hint = false} : vector<2048x128xf32>, vector<128x128xf32>, vector<2048x128xf32> -> vector<2048x128xf32>
    %broadcast_in_dim3A = arith.constant 1.000000e+00 : f32
    %broadcast_in_dim3A_6 = vector.broadcast %broadcast_in_dim3A : f32 to vector<2x1xf32>
    %get3A_7 = arith.constant 0 : index
    %get3A_8 = arith.constant 0 : index
    %get3A_9 = vector.load %arg3[%get3A_7, %get3A_8] : memref<2x2048xf32, #tpu.memory_space<vmem>>, vector<2x2048xf32>
    %dot_general3A_10 = arith.constant dense<0.000000e+00> : vector<2048x1xf32>
    %dot_general3A_11 = tpu.matmul %get3A_9, %broadcast_in_dim3A_6, %dot_general3A_10 {dimension_numbers = #tpu.dot_dimension_numbers<[0], [0], [1], [1], [0, 1, 1, 1], [], []>, transpose_lhs_hint = false} : vector<2x2048xf32>, vector<2x1xf32>, vector<2048x1xf32> -> vector<2048x1xf32>
    %add3A = arith.constant 1.000000e+00 : f32
    %add3A_12 = vector.broadcast %add3A : f32 to vector<2048x1xf32>
    %add3A_13 = arith.addf %dot_general3A_11, %add3A_12 : vector<2048x1xf32>
    %rsqrt3A = math.rsqrt %add3A_13 : vector<2048x1xf32>
    %mul3A = arith.constant 2048 : i32
    %mul3A_14 = arith.muli %arg0, %mul3A : i32
    %iota3A = tpu.iota {dimensions = array<i32: 0>} : vector<2048x1xi32>
    %add3A_15 = vector.broadcast %mul3A_14 : i32 to vector<2048x1xi32>
    %add3A_16 = arith.addi %add3A_15, %iota3A : vector<2048x1xi32>
    %lt3A = arith.constant 10000 : i32
    %lt3A_17 = vector.broadcast %lt3A : i32 to vector<2048x1xi32>
    %lt3A_18 = arith.cmpi slt, %add3A_16, %lt3A_17 : vector<2048x1xi32>
    %mul3A_19 = vector.broadcast %rsqrt3A : vector<2048x1xf32> to vector<2048x128xf32>
    %mul3A_20 = arith.mulf %dot_general3A_5, %mul3A_19 : vector<2048x128xf32>
    %jit3A = arith.constant 0.000000e+00 : f32
    %broadcast_in_dim3A_21 = vector.shape_cast %lt3A_18 : vector<2048x1xi1> to vector<2048x1xi1>
    %broadcast_in_dim3A_22 = vector.broadcast %broadcast_in_dim3A_21 : vector<2048x1xi1> to vector<2048x128xi1>
    %broadcast_in_dim3A_23 = vector.broadcast %jit3A : f32 to vector<2048x128xf32>
    %select_n3A = arith.select %broadcast_in_dim3A_22, %mul3A_20, %broadcast_in_dim3A_23 : vector<2048x128xi1>, vector<2048x128xf32>
    %swap3A = arith.constant 0 : index
    %swap3A_24 = arith.constant 0 : index
    %swap3A_25 = vector.load %arg4[%swap3A, %swap3A_24] : memref<2048x128xf32, #tpu.memory_space<vmem>>, vector<2048x128xf32>
    tpu.vector_store %arg4[%swap3A, %swap3A_24], %select_n3A {strides = array<i32>} : memref<2048x128xf32, #tpu.memory_space<vmem>>, vector<2048x128xf32>,
    %reshape3A = vector.shape_cast %rsqrt3A : vector<2048x1xf32> to vector<2048xf32>
    %swap3A_26 = arith.constant 0 : index
    %swap3A_27 = vector.load %arg5[%swap3A_26] : memref<2048xf32, #tpu.memory_space<vmem>>, vector<2048xf32>
    tpu.vector_store %arg5[%swap3A_26], %reshape3A {strides = array<i32>} : memref<2048xf32, #tpu.memory_space<vmem>>, vector<2048xf32>,
    return
  }
  func.func @transform_0(%arg0: i32) -> (i32, i32) {
    %c0_i32 = arith.constant 0 : i32
    %c0_i32_0 = arith.constant 0 : i32
    return %arg0, %c0_i32 : i32, i32
  }
  func.func @transform_1(%arg0: i32) -> (i32, i32) {
    %c0_i32 = arith.constant 0 : i32
    %c0_i32_0 = arith.constant 0 : i32
    %c0_i32_1 = arith.constant 0 : i32
    return %c0_i32, %c0_i32_0 : i32, i32
  }
  func.func @transform_2(%arg0: i32) -> (i32, i32) {
    %c0_i32 = arith.constant 0 : i32
    %c0_i32_0 = arith.constant 0 : i32
    return %c0_i32, %arg0 : i32, i32
  }
  func.func @transform_3(%arg0: i32) -> (i32, i32) {
    %c0_i32 = arith.constant 0 : i32
    %c0_i32_0 = arith.constant 0 : i32
    return %arg0, %c0_i32 : i32, i32
  }
  func.func @transform_4(%arg0: i32) -> i32 {
    %c0_i32 = arith.constant 0 : i32
    return %arg0 : i32
  }
}

module attributes {stable_mosaic.version = 14 : i64} {
  func.func @body(%arg0: i32, %arg1: memref<1024x32xf32, #tpu.memory_space<vmem>>, %arg2: memref<2x1024x128xf32, #tpu.memory_space<vmem>>, %arg3: memref<1024x128xf32, #tpu.memory_space<vmem>>, %arg4: memref<1024xf32, #tpu.memory_space<vmem>>, %arg5: memref<32x128xf32, #tpu.memory_space<vmem>>, %arg6: memref<1x128xf32, #tpu.memory_space<vmem>>, %arg7: memref<1x128xf32, #tpu.memory_space<vmem>>, %arg8: memref<256x128xf32, #tpu.memory_space<vmem>>, %arg9: memref<1x128xf32, #tpu.memory_space<vmem>>, %arg10: memref<128x64xf32, #tpu.memory_space<vmem>>, %arg11: memref<64x1xf32, #tpu.memory_space<vmem>>, %arg12: memref<64x1024xf32, #tpu.memory_space<vmem>>) attributes {dimension_semantics = [#tpu.dimension_semantics<arbitrary>], iteration_bounds = array<i64: 4>, scalar_prefetch = 0 : i64, scratch_operands = 0 : i64, tpu.core_type = #tpu.core_type<tc>, window_params = [{transform_indices = @transform_0, window_bounds = array<i64: 1024, 32>}, {transform_indices = @transform_1, window_bounds = array<i64: 2, 1024, 128>}, {transform_indices = @transform_2, window_bounds = array<i64: 1024, 128>}, {transform_indices = @transform_3, window_bounds = array<i64: 1024>}, {pipeline_mode = #tpu.pipeline_mode<synchronous>, transform_indices = @transform_4, window_bounds = array<i64: 32, 128>}, {pipeline_mode = #tpu.pipeline_mode<synchronous>, transform_indices = @transform_5, window_bounds = array<i64: 1, 128>}, {pipeline_mode = #tpu.pipeline_mode<synchronous>, transform_indices = @transform_6, window_bounds = array<i64: 1, 128>}, {pipeline_mode = #tpu.pipeline_mode<synchronous>, transform_indices = @transform_7, window_bounds = array<i64: 256, 128>}, {pipeline_mode = #tpu.pipeline_mode<synchronous>, transform_indices = @transform_8, window_bounds = array<i64: 1, 128>}, {pipeline_mode = #tpu.pipeline_mode<synchronous>, transform_indices = @transform_9, window_bounds = array<i64: 128, 64>}, {pipeline_mode = #tpu.pipeline_mode<synchronous>, transform_indices = @transform_10, window_bounds = array<i64: 64, 1>}, {transform_indices = @transform_11, window_bounds = array<i64: 64, 1024>}]} {
    %get3A = arith.constant 0 : index
    %get3A_0 = arith.constant 0 : index
    %get3A_1 = vector.load %arg1[%get3A, %get3A_0] : memref<1024x32xf32, #tpu.memory_space<vmem>>, vector<1024x32xf32>
    %get3A_2 = arith.constant 0 : index
    %get3A_3 = arith.constant 0 : index
    %get3A_4 = vector.load %arg5[%get3A_2, %get3A_3] : memref<32x128xf32, #tpu.memory_space<vmem>>, vector<32x128xf32>
    %dot_general3A = arith.constant dense<0.000000e+00> : vector<1024x128xf32>
    %dot_general3A_5 = tpu.matmul %get3A_1, %get3A_4, %dot_general3A {dimension_numbers = #tpu.dot_dimension_numbers<[1], [0], [0], [1], [0, 0, 1, 1], [], []>, transpose_lhs_hint = false} : vector<1024x32xf32>, vector<32x128xf32>, vector<1024x128xf32> -> vector<1024x128xf32>
    %get3A_6 = arith.constant 0 : index
    %get3A_7 = arith.constant 0 : index
    %get3A_8 = vector.load %arg6[%get3A_6, %get3A_7] : memref<1x128xf32, #tpu.memory_space<vmem>>, vector<1x128xf32>
    %add3A = vector.broadcast %get3A_8 : vector<1x128xf32> to vector<1024x128xf32>
    %add3A_9 = arith.addf %dot_general3A_5, %add3A : vector<1024x128xf32>
    %max3A = arith.constant 0.000000e+00 : f32
    %max3A_10 = vector.broadcast %max3A : f32 to vector<1024x128xf32>
    %max3A_11 = arith.maximumf %add3A_9, %max3A_10 : vector<1024x128xf32>
    %get3A_12 = arith.constant 0 : index
    %get3A_13 = arith.constant 0 : index
    %get3A_14 = arith.constant 0 : index
    %get3A_15 = vector.load %arg2[%get3A_12, %get3A_13, %get3A_14] : memref<2x1024x128xf32, #tpu.memory_space<vmem>>, vector<2x1024x128xf32>
    %get3A_16 = arith.constant 0 : index
    %get3A_17 = vector.load %arg4[%get3A_16] : memref<1024xf32, #tpu.memory_space<vmem>>, vector<1024xf32>
    %reshape3A = vector.shape_cast %get3A_17 : vector<1024xf32> to vector<1024x1xf32>
    %slice3A = vector.extract_strided_slice %get3A_15 {offsets = [0, 0, 0], sizes = [1, 1024, 128], strides = [1, 1, 1]} : vector<2x1024x128xf32> to vector<1x1024x128xf32>
    %squeeze3A = vector.shape_cast %slice3A : vector<1x1024x128xf32> to vector<1024x128xf32>
    %slice3A_18 = vector.extract_strided_slice %get3A_15 {offsets = [1, 0, 0], sizes = [1, 1024, 128], strides = [1, 1, 1]} : vector<2x1024x128xf32> to vector<1x1024x128xf32>
    %squeeze3A_19 = vector.shape_cast %slice3A_18 : vector<1x1024x128xf32> to vector<1024x128xf32>
    %add3A_20 = arith.addf %squeeze3A, %squeeze3A_19 : vector<1024x128xf32>
    %get3A_21 = arith.constant 0 : index
    %get3A_22 = arith.constant 0 : index
    %get3A_23 = vector.load %arg3[%get3A_21, %get3A_22] : memref<1024x128xf32, #tpu.memory_space<vmem>>, vector<1024x128xf32>
    %add3A_24 = arith.addf %add3A_20, %get3A_23 : vector<1024x128xf32>
    %mul3A = vector.broadcast %reshape3A : vector<1024x1xf32> to vector<1024x128xf32>
    %mul3A_25 = arith.mulf %mul3A, %add3A_24 : vector<1024x128xf32>
    %get3A_26 = arith.constant 0 : index
    %get3A_27 = arith.constant 0 : index
    %get3A_28 = vector.load %arg7[%get3A_26, %get3A_27] : memref<1x128xf32, #tpu.memory_space<vmem>>, vector<1x128xf32>
    %add3A_29 = vector.broadcast %get3A_28 : vector<1x128xf32> to vector<1024x128xf32>
    %add3A_30 = arith.addf %mul3A_25, %add3A_29 : vector<1024x128xf32>
    %max3A_31 = arith.constant 0.000000e+00 : f32
    %max3A_32 = vector.broadcast %max3A_31 : f32 to vector<1024x128xf32>
    %max3A_33 = arith.maximumf %add3A_30, %max3A_32 : vector<1024x128xf32>
    %get3A_34 = arith.constant 0 : index
    %get3A_35 = arith.constant 0 : index
    %get3A_36 = vector.load %arg8[%get3A_34, %get3A_35] : memref<256x128xf32, #tpu.memory_space<vmem>>, vector<256x128xf32>
    %slice3A_37 = vector.extract_strided_slice %get3A_36 {offsets = [0, 0], sizes = [128, 128], strides = [1, 1]} : vector<256x128xf32> to vector<128x128xf32>
    %dot_general3A_38 = arith.constant dense<0.000000e+00> : vector<1024x128xf32>
    %dot_general3A_39 = tpu.matmul %max3A_11, %slice3A_37, %dot_general3A_38 {dimension_numbers = #tpu.dot_dimension_numbers<[1], [0], [0], [1], [0, 0, 1, 1], [], []>, transpose_lhs_hint = false} : vector<1024x128xf32>, vector<128x128xf32>, vector<1024x128xf32> -> vector<1024x128xf32>
    %slice3A_40 = vector.extract_strided_slice %get3A_36 {offsets = [128, 0], sizes = [128, 128], strides = [1, 1]} : vector<256x128xf32> to vector<128x128xf32>
    %dot_general3A_41 = arith.constant dense<0.000000e+00> : vector<1024x128xf32>
    %dot_general3A_42 = tpu.matmul %max3A_33, %slice3A_40, %dot_general3A_41 {dimension_numbers = #tpu.dot_dimension_numbers<[1], [0], [0], [1], [0, 0, 1, 1], [], []>, transpose_lhs_hint = false} : vector<1024x128xf32>, vector<128x128xf32>, vector<1024x128xf32> -> vector<1024x128xf32>
    %add3A_43 = arith.addf %dot_general3A_39, %dot_general3A_42 : vector<1024x128xf32>
    %get3A_44 = arith.constant 0 : index
    %get3A_45 = arith.constant 0 : index
    %get3A_46 = vector.load %arg9[%get3A_44, %get3A_45] : memref<1x128xf32, #tpu.memory_space<vmem>>, vector<1x128xf32>
    %add3A_47 = vector.broadcast %get3A_46 : vector<1x128xf32> to vector<1024x128xf32>
    %add3A_48 = arith.addf %add3A_43, %add3A_47 : vector<1024x128xf32>
    %max3A_49 = arith.constant 0.000000e+00 : f32
    %max3A_50 = vector.broadcast %max3A_49 : f32 to vector<1024x128xf32>
    %max3A_51 = arith.maximumf %add3A_48, %max3A_50 : vector<1024x128xf32>
    %get3A_52 = arith.constant 0 : index
    %get3A_53 = arith.constant 0 : index
    %get3A_54 = vector.load %arg10[%get3A_52, %get3A_53] : memref<128x64xf32, #tpu.memory_space<vmem>>, vector<128x64xf32>
    %dot_general3A_55 = arith.constant dense<0.000000e+00> : vector<64x1024xf32>
    %dot_general3A_56 = tpu.matmul %get3A_54, %max3A_51, %dot_general3A_55 {dimension_numbers = #tpu.dot_dimension_numbers<[0], [1], [1], [0], [0, 1, 1, 0], [], []>, transpose_lhs_hint = false} : vector<128x64xf32>, vector<1024x128xf32>, vector<64x1024xf32> -> vector<64x1024xf32>
    %get3A_57 = arith.constant 0 : index
    %get3A_58 = arith.constant 0 : index
    %get3A_59 = vector.load %arg11[%get3A_57, %get3A_58] : memref<64x1xf32, #tpu.memory_space<vmem>>, vector<64x1xf32>
    %add3A_60 = vector.broadcast %get3A_59 : vector<64x1xf32> to vector<64x1024xf32>
    %add3A_61 = arith.addf %dot_general3A_56, %add3A_60 : vector<64x1024xf32>
    %swap3A = arith.constant 0 : index
    %swap3A_62 = arith.constant 0 : index
    %swap3A_63 = vector.load %arg12[%swap3A, %swap3A_62] : memref<64x1024xf32, #tpu.memory_space<vmem>>, vector<64x1024xf32>
    tpu.vector_store %arg12[%swap3A, %swap3A_62], %add3A_61 {strides = array<i32>} : memref<64x1024xf32, #tpu.memory_space<vmem>>, vector<64x1024xf32>,
    return
  }
  func.func @transform_0(%arg0: i32) -> (i32, i32) {
    %c0_i32 = arith.constant 0 : i32
    %c0_i32_0 = arith.constant 0 : i32
    return %arg0, %c0_i32 : i32, i32
  }
  func.func @transform_1(%arg0: i32) -> (i32, i32, i32) {
    %c0_i32 = arith.constant 0 : i32
    %c0_i32_0 = arith.constant 0 : i32
    %c0_i32_1 = arith.constant 0 : i32
    return %c0_i32, %arg0, %c0_i32_0 : i32, i32, i32
  }
  func.func @transform_2(%arg0: i32) -> (i32, i32) {
    %c0_i32 = arith.constant 0 : i32
    %c0_i32_0 = arith.constant 0 : i32
    return %arg0, %c0_i32 : i32, i32
  }
  func.func @transform_3(%arg0: i32) -> i32 {
    %c0_i32 = arith.constant 0 : i32
    return %arg0 : i32
  }
  func.func @transform_4(%arg0: i32) -> (i32, i32) {
    %c0_i32 = arith.constant 0 : i32
    %c0_i32_0 = arith.constant 0 : i32
    %c0_i32_1 = arith.constant 0 : i32
    return %c0_i32, %c0_i32_0 : i32, i32
  }
  func.func @transform_5(%arg0: i32) -> (i32, i32) {
    %c0_i32 = arith.constant 0 : i32
    %c0_i32_0 = arith.constant 0 : i32
    %c0_i32_1 = arith.constant 0 : i32
    return %c0_i32, %c0_i32_0 : i32, i32
  }
  func.func @transform_6(%arg0: i32) -> (i32, i32) {
    %c0_i32 = arith.constant 0 : i32
    %c0_i32_0 = arith.constant 0 : i32
    %c0_i32_1 = arith.constant 0 : i32
    return %c0_i32, %c0_i32_0 : i32, i32
  }
  func.func @transform_7(%arg0: i32) -> (i32, i32) {
    %c0_i32 = arith.constant 0 : i32
    %c0_i32_0 = arith.constant 0 : i32
    %c0_i32_1 = arith.constant 0 : i32
    return %c0_i32, %c0_i32_0 : i32, i32
  }
  func.func @transform_8(%arg0: i32) -> (i32, i32) {
    %c0_i32 = arith.constant 0 : i32
    %c0_i32_0 = arith.constant 0 : i32
    %c0_i32_1 = arith.constant 0 : i32
    return %c0_i32, %c0_i32_0 : i32, i32
  }
  func.func @transform_9(%arg0: i32) -> (i32, i32) {
    %c0_i32 = arith.constant 0 : i32
    %c0_i32_0 = arith.constant 0 : i32
    %c0_i32_1 = arith.constant 0 : i32
    return %c0_i32, %c0_i32_0 : i32, i32
  }
  func.func @transform_10(%arg0: i32) -> (i32, i32) {
    %c0_i32 = arith.constant 0 : i32
    %c0_i32_0 = arith.constant 0 : i32
    %c0_i32_1 = arith.constant 0 : i32
    return %c0_i32, %c0_i32_0 : i32, i32
  }
  func.func @transform_11(%arg0: i32) -> (i32, i32) {
    %c0_i32 = arith.constant 0 : i32
    %c0_i32_0 = arith.constant 0 : i32
    return %c0_i32, %arg0 : i32, i32
  }
}

</mosaic_0001>

<sc_bundles>
// kernel: kernel.6.cloned.1.call-start
scs
__scs_entry_jumppad:
0x0: {  	(pc) =	sbr.rel $0x88, $3  }
0x1: {  	(tag) =	ssettag $0x0;
	lr =	simm.s32 $0x1  }
0x2: {  	[smem:$0x3F95] =	sst lr;
	_ =	strace $0xD0000000  }
0x3: {  	_ = 	snop  }
0x4: {  	_ = 	snop  }
0x5: {  	_ = 	snop  }
0x6: {  	_ = 	snop  }
0x7: {  	_ = 	snop  }
__scs_overlays_trampoline_lowered:
0x8: {  	[smem:$0x3FA4] =	sst s0  }
0x9: {  	[smem:$0x3FA5] =	sst s1  }
0xa: {  	[smem:$0x3FA6] =	sst s2  }
0xb: {  	[smem:$0x3FA7] =	sst s3  }
0xc: {  	[smem:$0x3FA8] =	sst s4  }
0xd: {  	[smem:$0x3FA9] =	sst s5  }
0xe: {  	[smem:$0x3FAA] =	sst s6  }
0xf: {  	[smem:$0x3FAB] =	sst s7  }
0x10: {  	[smem:$0x3FAC] =	sst s8  }
0x11: {  	[smem:$0x3FAD] =	sst s9;
	s0 =	simm.s32 @!p0 $0x0  }
0x12: {  	s1 =	sld [smem:$0x3F93];
	s0 =	simm.s32 @p0 $0x1  }
0x13: {  	[smem:$0x3FAE] =	sst s0;
	s0 =	simm.s32 @!p1 $0x0  }
0x14: {  	s2 =	sld [smem:$0x3F92];
	s0 =	simm.s32 @p1 $0x1  }
0x15: {  	[smem:$0x3FAF] =	sst s0;
	s0 =	simm.s32 @!p2 $0x0  }
0x16: {  	s3 =	sld [smem:$0x3FDB];
	s0 =	simm.s32 @p2 $0x1  }
0x17: {  	s4 =	simm.s32 $0x1BF5;
	[smem:$0x3FB1] =	sst s0  }
0x18: {  	s0 =	sld [smem:$0x3F94];
	_ =	swait.ge [sflag:s4], $0x0  }
0x19: {  	s7 =	sld [smem:$0x3F95]  }
0x1a: {  	s8 =	sadd.s32 $0xFFFFE003, lr  }
0x1b: {  	s9 =	sadd.s32 $0xFFFFFEF7, lr;
	s5 =	simm.s32 $0xFFFFFFFF;
	p2 =	slt.u32 s8, $0xFFFFF086  }
0x1c: {  	p1 =	slt.u32 s9, $0xF7A;
	s5 =	simm.s32 @!p2 $0x0  }
0x1d: {  	s5 =	simm.s32 @p1 $0x1;
	p0 =	seq.s32 s7, s2  }
0x1e: {  	s7 =	smul.u32 @!p0 $0xF7A, s2;
	p2 =	seq.s32 @!p0 s5, $0x0  }
0x1f: {  	s9 =	smul.u32 $0xF7A, s1;
	s8 =	simm.s32 @!p0 $0x1BF5;
	p2 =	por !p2, p0  }
0x20: {  	[sflag:s8] =	ssyncset.s32 @!p0 $0xFFFFF086;
	s6 =	sadd.s32 @!p0 s3, s7;
	s7 =	simm.s32 @!p0 $0x108  }
0x21: {  	s3 =	sadd.s32 s3, s9;
	s6 =	sadd.s32 @!p0 $0x88, s6;
	s7 =	simm.s32 @p2 $0x1082  }
0x22: {  	[simem:s7], [sflag:s8] =	dma.local @!p0 [hbm:s6], $0xF7A  }
0x23: {  	s9 =	sor.u32 $0xD0000000, s2;
	s6 =	simm.s32 $0x108;
	_ =	swait.ge @!p0 [sflag:s8], $0x0  }
0x24: {  	s3 =	sadd.s32 $0x88, s3;
	s6 =	simm.s32 @!p1 $0x1082;
	[sflag:s4] =	ssyncset.s32 $0xFFFFF086  }
0x25: {  	[simem:s6], [sflag:s4] =	dma.local [hbm:s3], $0xF7A  }
0x26: {  	[smem:$0x3F95] =	sst s1;
	(tag) =	ssettag s2;
	_ =	strace s9  }
0x27: {  	s1 =	sld [smem:$0x3FA5]  }
0x28: {  	s2 =	sld [smem:$0x3FA6]  }
0x29: {  	s4 =	sld [smem:$0x3FA8]  }
0x2a: {  	p0 =	seq.s32 s5, $0x0;
	s5 =	sld [smem:$0x3FA9]  }
0x2b: {  	s6 =	sld [smem:$0x3FAA]  }
0x2c: {  	s7 =	sld [smem:$0x3FAB]  }
0x2d: {  	s3 =	simm.s32 $0x108;
	s8 =	sld [smem:$0x3FAC]  }
0x2e: {  	s3 =	simm.s32 @!p0 $0x1082;
	s9 =	sld [smem:$0x3FAD]  }
0x2f: {  	lr =	sadd.s32 s0, s3;
	s0 =	sld [smem:$0x3FA4]  }
0x30: {  	s3 =	sld [smem:$0x3FA7]  }
0x31: {  	[smem:$0x3FB0] =	sst s10  }
0x32: {  	s10 =	sld [smem:$0x3FAE];
	_ =	sdelay $0x3  }
0x33: {  	p0 =	seq.s32 s10, $0x1;
	s10 =	sld [smem:$0x3FB0];
	_ =	sdelay $0x3  }
0x34: {  	[smem:$0x3FB0] =	sst s10  }
0x35: {  	s10 =	sld [smem:$0x3FAF];
	_ =	sdelay $0x3  }
0x36: {  	p1 =	seq.s32 s10, $0x1;
	s10 =	sld [smem:$0x3FB0];
	_ =	sdelay $0x3  }
0x37: {  	[smem:$0x3FB0] =	sst s10  }
0x38: {  	s10 =	sld [smem:$0x3FB1]  }
0x39: {  	_ = 	snop;
	(pc) =	sbr.ind lr, $3  }
0x3a: {  	_ = 	snop  }
0x3b: {  	_ = 	snop  }
0x3c: {  	p2 =	seq.s32 s10, $0x1;
	s10 =	sld [smem:$0x3FB0]  }
0x3d: {  	_ =	shalt  }
0x3e: {  	_ =	shalt  }
0x3f: {  	_ =	shalt  }
0x40: {  	_ =	shalt  }
0x41: {  	_ =	shalt  }
0x42: {  	_ =	shalt  }
0x43: {  	_ =	shalt  }
0x44: {  	_ =	shalt  }
0x45: {  	_ =	shalt  }
0x46: {  	_ =	shalt  }
0x47: {  	_ =	shalt  }
0x48: {  	_ =	shalt  }
0x49: {  	_ =	shalt  }
0x4a: {  	_ =	shalt  }
0x4b: {  	_ =	shalt  }
0x4c: {  	_ =	shalt  }
0x4d: {  	_ =	shalt  }
0x4e: {  	_ =	shalt  }
0x4f: {  	_ =	shalt  }
0x50: {  	_ =	shalt  }
0x51: {  	_ =	shalt  }
0x52: {  	_ =	shalt  }
0x53: {  	_ =	shalt  }
0x54: {  	_ =	shalt  }
0x55: {  	_ =	shalt  }
0x56: {  	_ =	shalt  }
0x57: {  	_ =	shalt  }
0x58: {  	_ =	shalt  }
0x59: {  	_ =	shalt  }
0x5a: {  	_ =	shalt  }
0x5b: {  	_ =	shalt  }
0x5c: {  	_ =	shalt  }
0x5d: {  	_ =	shalt  }
0x5e: {  	_ =	shalt  }
0x5f: {  	_ =	shalt  }
0x60: {  	_ =	shalt  }
0x61: {  	_ =	shalt  }
0x62: {  	_ =	shalt  }
0x63: {  	_ =	shalt  }
0x64: {  	_ =	shalt  }
0x65: {  	_ =	shalt  }
0x66: {  	_ =	shalt  }
0x67: {  	_ =	shalt  }
0x68: {  	_ =	shalt  }
0x69: {  	_ =	shalt  }
0x6a: {  	_ =	shalt  }
0x6b: {  	_ =	shalt  }
0x6c: {  	_ =	shalt  }
0x6d: {  	_ =	shalt  }
0x6e: {  	_ =	shalt  }
0x6f: {  	_ =	shalt  }
0x70: {  	_ =	shalt  }
0x71: {  	_ =	shalt  }
0x72: {  	_ =	shalt  }
0x73: {  	_ =	shalt  }
0x74: {  	_ =	shalt  }
0x75: {  	_ =	shalt  }
0x76: {  	_ =	shalt  }
0x77: {  	_ =	shalt  }
0x78: {  	_ =	shalt  }
0x79: {  	_ =	shalt  }
0x7a: {  	_ =	shalt  }
0x7b: {  	_ =	shalt  }
0x7c: {  	_ =	shalt  }
0x7d: {  	_ =	shalt  }
0x7e: {  	_ =	shalt  }
0x7f: {  	_ =	shalt  }
0x80: {  	_ =	shalt  }
0x81: {  	_ =	shalt  }
0x82: {  	_ =	shalt  }
0x83: {  	_ =	shalt  }
0x84: {  	_ =	shalt  }
0x85: {  	_ =	shalt  }
0x86: {  	_ =	shalt  }
0x87: {  	_ =	shalt  }
.Lfunc_end0:
.L_simem_size_0:
called_computation_lowered:
.L_overlay_start_0:
0x88: {  	s2 =	sld [smem:$0x3FD9]  }
0x89: {  	s3 =	sld [smem:$0x3FFE];
	_ =	sdelay $0x1  }
0x8a: {  	s1 =	srdreg.scid  }
0x8b: {  	s0 =	sand.u32 $0x1, s1  }
0x8c: {  	s17 =	sshll.u32 s0, $0xA;
	s2 =	sadd.s32 s3, s2  }
0x8d: {  	s2 =	sadd.s32 s2, s17  }
0x8e: {  	[smem:$0x3FBC] =	sst s2  }
0x8f: {  	_ = 	snop  }
0x90: {  	s2 =	sld [smem:$0x3FD0];
	(tm) =	ssettm $0x1  }
0x91: {  	s18 =	sld [smem:$0x3FFB];
	_ =	sdelay $0x3  }
0x92: {  	_ =	strace s18  }
0x93: {  	s3 =	sld [smem:$0x3FFC];
	_ =	sdelay $0x3  }
0x94: {  	_ =	strace s3  }
0x95: {  	s3 =	sld [smem:$0x3FFD];
	_ =	sdelay $0x3  }
0x96: {  	_ =	strace s3  }
0x97: {  	_ =	strace $0x8FFFFFFF  }
0x98: {  	s19 =	sld [smem:$0x3FDB];
	_ =	sdelay $0x1  }
0x99: {  	s4 =	simm.s32 $_scs_section_size  }
0x9a: {  	s5 =	simm.s32 $_size__tile_overlayer_lowered;
	s6 =	simm.s32 $_tile_overlayer_lowered  }
0x9b: {  	s22 =	simm.s32 $0x1BFF;
	s21 =	sshll.u32 s6, $0x1;
	s3 =	sadd.s32 s4, s19  }
0x9c: {  	s7 =	simm.s32 $0x0;
	s20 =	sshll.u32 s5, $0x1;
	s5 =	sadd.s32 s21, s3  }
0x9d: {  	[timem:s7], [sflag:s22] =	dma.local [hbm:s5], s20  }
0x9e: {  	_ =	swait.ge [sflag:s22], s20  }
0x9f: {  	s4 =	ssub.s32 $0x0, s20;
	[sflag:s22] =	ssyncset.done $0x0  }
0xa0: {  	[sflag:s22] =	ssyncadd.s32 s4;
	_ =	sdelay $0x1  }
0xa1: {  	s23 =	simm.s32 $0x1B8B  }
0xa2: {  	_ =	swait.ge [sflag:s23], $0x1  }
0xa3: {  	[sflag:s23] =	ssyncset.done $0x0  }
0xa4: {  	s25 =	simm.s32 $0x1B8E;
	s24 =	sld [smem:$0x3FFE];
	[sflag:s23] =	ssyncadd.s32 $0xFFFFFFFF  }
0xa5: {  	s26 =	simm.s32 $execute0_lowered;
	[smem:$0x3FD2] =	sst s25  }
0xa6: {  	s5 =	sshll.u32 s26, $0x1;
	_ =	strace $0x80000046;
	[dreg:$0x1] =	wrdreg $0xFFFFFFFF  }
0xa7: {  	s28 =	simm.s32 $_size_execute0_lowered;
	s3 =	sadd.s32 s3, s5;
	[dreg:$0x0] =	wrdreg $0x0  }
0xa8: {  	s5 =	sshll.u32 s28, $0x1;
	[dreg:$0x2] =	wrdreg s3  }
0xa9: {  	[dreg:$0x3] =	wrdreg s5  }
0xaa: {  	[dreg:$0x4] =	wrdreg $0xC0  }
0xab: {  	_ =	task [dreg:s7], $0x5FFFF  }
0xac: {  	[dreg:$0x1] =	wrdreg $0xFFFFFFFF  }
0xad: {  	[dreg:$0x0] =	wrdreg $0x60  }
0xae: {  	[dreg:$0x2] =	wrdreg s24  }
0xaf: {  	[dreg:$0x3] =	wrdreg s2  }
0xb0: {  	[dreg:$0x4] =	wrdreg $0x53000  }
0xb1: {  	[dreg:$0x5] =	wrdreg $0x9  }
0xb2: {  	_ =	task.clear_ibuf [dreg:s7], $0x6FFFF;
	_ =	strace $0x90000046  }
0xb3: {  	s29 =	simm.s32 $0x9;
	_ =	strace $0x80000048  }
0xb4: {  	_ =	swait.ge [sflag:s29], $0x1  }
0xb5: {  	[sflag:s29] =	ssyncadd.s32 $0xFFFFFFFF  }
0xb6: {  	_ =	strace $0x90000048  }
0xb7: {  	_ =	sfence  }
0xb8: {  	s30 =	sld [smem:$0x0];
	_ =	sdelay $0x2  }
0xb9: {  	s31 =	sshll.u32 s1, $0xD;
	s1 =	sshrl.u32 s1, $0x2  }
0xba: {  	s3 =	sand.u32 $0x4000, s31;
	s1 =	sadd.s32 s1, s30  }
0xbb: {  	s0 =	sor.u32 s3, s0;
	s1 =	sshll.u32 s1, $0x11  }
0xbc: {  	s0 =	sor.u32 s1, s0  }
0xbd: {  	s0 =	sadd.s32 $0x8F2B, s0  }
0xbe: {  	[sflag:s0] =	ssyncadd.remote.s32 $0x1  }
0xbf: {  	_ =	sfence.sel $0xFFFF  }
0xc0: {  	[dreg:$0x0] =	wrdreg $0xFFFFFFFF;
	(pc) =	sbr.abs _section_cstart, $3  }
0xc1: {  	[dreg:$0x1] =	wrdreg $0xFFFFFFFF  }
0xc2: {  	_ =	task.clear_ibuf [dreg:s7], $0x2FFFF;
	_ =	strace $0x9FFFFFFF  }
0xc3: {  	(tm) =	ssettm $0x7FFFFFFF  }
tec
execute0_lowered:
.L_overlay_start_1:
0x0: {  	(tag) =	ssettag $0x1  }
0x1: {  	s4 =	rddreg [dreg:$0x0]  }
0x2: {  	s6 =	rddreg [dreg:$0x1]  }
0x3: {  	s0 =	srdreg.scid;
	s2 =	rddreg [dreg:$0x2];
	s3 =	simm.s32 $0x0  }
0x4: {  	s12 =	simm.s32 $0x80;
	s13 =	simm.s32 $0x100;
	s14 =	simm.s32 $0x180  }
0x5: {  	s15 =	simm.s32 $0x200;
	s16 =	simm.s32 $0x280;
	s17 =	simm.s32 $0x300  }
0x6: {  	s18 =	simm.s32 $0x380;
	s19 =	simm.s32 $0x1;
	s20 =	simm.s32 $0x0  }
0x7: {  	s5 =	sand.u32 $0x1, s0;
	s0 =	stileid.u32;
	[smem:$0x7FF] =	sst s3  }
0x8: {  	s1 =	sshll.u32 s5, $0x4;
	s8 =	ssub.s32 $0x2, s5;
	s9 =	smul.u32 $0xA00, s0  }
0x9: {  	s11 =	smul.u32 $0x500, s0;
	s5 =	sshll.u32 s5, $0x7;
	s7 =	sor.u32 s0, s1  }
0xa: {  	s1 =	rddreg [dreg:$0x3];
	_ =	strace $0x80000047;
	s10 =	sshrl.u32 s8, $0x1  }
0xb: {  	s7 =	smul.u32 $0x5000, s7;
	s8 =	ssub.s32 s8, s10;
	s29 =	sshrl.u32 s9, $0x2  }
0xc: {  	s30 =	sor.u32 s5, s11;
	s9 =	simm.s32 $0x5080;
	s10 =	simm.s32 $0x40  }
0xd: {  	s11 =	simm.s32 $0x5000;
	s31 =	sshrl.u32 s30, $0x3;
	s7 =	sshrl.u32 s7, $0x3  }
0xe: {  	s5 =	sadd.s32 s29, s2;
	s6 =	sadd.s32 s6, s31;
	s4 =	sadd.s32 s4, s7  }
0xf: {  	v0 =	vimm.f32 $0.0e+00;
	v1 =	vimm.f32 $1.000000000e+00;
	s7 =	smax.u32 s8, $0x1;
	s8 =	simm.s32 $0x2;
	s4 =	sadd.s32 $0x17400, s4  }
.LBB2_1:
0x10: {  	[tilespmem:$0x5080] =	vst v0  }
0x11: {  	[tilespmem:$0x5090] =	vst v0  }
0x12: {  	[tilespmem:$0x50A0] =	vst v0  }
0x13: {  	[tilespmem:$0x50B0] =	vst v0  }
0x14: {  	[tilespmem:$0x50C0] =	vst v0  }
0x15: {  	[tilespmem:$0x50D0] =	vst v0  }
0x16: {  	[tilespmem:$0x50E0] =	vst v0  }
0x17: {  	[tilespmem:$0x50F0] =	vst v0  }
0x18: {  	[tilespmem:$0x5100] =	vst v0  }
0x19: {  	[tilespmem:$0x5110] =	vst v0  }
0x1a: {  	[tilespmem:$0x5120] =	vst v0  }
0x1b: {  	[tilespmem:$0x5130] =	vst v0  }
0x1c: {  	[tilespmem:$0x5140] =	vst v0  }
0x1d: {  	[tilespmem:$0x5150] =	vst v0  }
0x1e: {  	[tilespmem:$0x5160] =	vst v0  }
0x1f: {  	[tilespmem:$0x5170] =	vst v0  }
0x20: {  	[tilespmem:$0x5180] =	vst v0  }
0x21: {  	[tilespmem:$0x5190] =	vst v0  }
0x22: {  	[tilespmem:$0x51A0] =	vst v0  }
0x23: {  	[tilespmem:$0x51B0] =	vst v0  }
0x24: {  	[tilespmem:$0x51C0] =	vst v0  }
0x25: {  	[tilespmem:$0x51D0] =	vst v0  }
0x26: {  	[tilespmem:$0x51E0] =	vst v0  }
0x27: {  	[tilespmem:$0x51F0] =	vst v0  }
0x28: {  	[tilespmem:$0x5200] =	vst v0  }
0x29: {  	[tilespmem:$0x5210] =	vst v0  }
0x2a: {  	[tilespmem:$0x5220] =	vst v0  }
0x2b: {  	[tilespmem:$0x5230] =	vst v0  }
0x2c: {  	[tilespmem:$0x5240] =	vst v0  }
0x2d: {  	[tilespmem:$0x5250] =	vst v0  }
0x2e: {  	[tilespmem:$0x5260] =	vst v0  }
0x2f: {  	[tilespmem:$0x5270] =	vst v0  }
0x30: {  	[tilespmem:$0x5280] =	vst v0  }
0x31: {  	[tilespmem:$0x5290] =	vst v0  }
0x32: {  	[tilespmem:$0x52A0] =	vst v0  }
0x33: {  	[tilespmem:$0x52B0] =	vst v0  }
0x34: {  	[tilespmem:$0x52C0] =	vst v0  }
0x35: {  	[tilespmem:$0x52D0] =	vst v0  }
0x36: {  	[tilespmem:$0x52E0] =	vst v0  }
0x37: {  	[tilespmem:$0x52F0] =	vst v0  }
0x38: {  	[tilespmem:$0x5000] =	vst v1  }
0x39: {  	[tilespmem:$0x5010] =	vst v1  }
0x3a: {  	[tilespmem:$0x5020] =	vst v1  }
0x3b: {  	[tilespmem:$0x5030] =	vst v1  }
0x3c: {  	[tilespmem:s3], [sflag:$0x2] =	stream.linear.gather [hbm4b:s4+s3], $0x5000, $0x38;
	[tilespmem:$0x5580] =	vst v63  }
0x3d: {  	_ =	swait.ge [sflag:s8], $0x5000  }
0x3e: {  	[sflag:s8] =	ssyncset.done $0x0  }
0x3f: {  	[sflag:s8] =	ssyncadd.s32 $0xFFFFB000  }
0x40: {  	[spmem:s5] =	stream.linear.scatter [tilespmem:s9], [sflag:$0x2], $0x280, $0x38;
	[tilespmem:$0x5580] =	vst v63  }
0x41: {  	_ =	swait.ge [sflag:s8], $0x280  }
0x42: {  	[sflag:s8] =	ssyncset.done $0x0  }
0x43: {  	[sflag:s8] =	ssyncadd.s32 $0xFFFFFD80  }
0x44: {  	[bflag:$0x0] =	sbarrier.arrive $0xFFFF  }
0x45: {  	[spmem:s2] =	stream.indirect.scatter.add.f32 [tilespmem:s11], [sflag:$0x1], $0x1, s3, s10, $0xb8;
	[tilespmem:$0x5580] =	vst v63  }
0x46: {  	_ = 	snop  }
0x47: {  	[spmem:s2] =	stream.indirect.scatter.add.f32 [tilespmem:s11], [sflag:$0x1], $0x1, s12, s10, $0xb8;
	[tilespmem:$0x5580] =	vst v63  }
0x48: {  	_ = 	snop  }
0x49: {  	[spmem:s2] =	stream.indirect.scatter.add.f32 [tilespmem:s11], [sflag:$0x1], $0x1, s13, s10, $0xb8;
	[tilespmem:$0x5580] =	vst v63  }
0x4a: {  	_ = 	snop  }
0x4b: {  	[spmem:s2] =	stream.indirect.scatter.add.f32 [tilespmem:s11], [sflag:$0x1], $0x1, s14, s10, $0xb8;
	[tilespmem:$0x5580] =	vst v63  }
0x4c: {  	_ = 	snop  }
0x4d: {  	[spmem:s2] =	stream.indirect.scatter.add.f32 [tilespmem:s11], [sflag:$0x1], $0x1, s15, s10, $0xb8;
	[tilespmem:$0x5580] =	vst v63  }
0x4e: {  	_ = 	snop  }
0x4f: {  	[spmem:s2] =	stream.indirect.scatter.add.f32 [tilespmem:s11], [sflag:$0x1], $0x1, s16, s10, $0xb8;
	[tilespmem:$0x5580] =	vst v63  }
0x50: {  	_ = 	snop  }
0x51: {  	[spmem:s2] =	stream.indirect.scatter.add.f32 [tilespmem:s11], [sflag:$0x1], $0x1, s17, s10, $0xb8;
	[tilespmem:$0x5580] =	vst v63  }
0x52: {  	_ = 	snop  }
0x53: {  	[spmem:s2] =	stream.indirect.scatter.add.f32 [tilespmem:s11], [sflag:$0x1], $0x1, s18, s10, $0xb8;
	[tilespmem:$0x5580] =	vst v63  }
0x54: {  	s21 =	simm.s32 $0x400  }
0x55: {  	[spmem:s2] =	stream.indirect.scatter.add.f32 [tilespmem:s11], [sflag:$0x1], $0x1, s21, s10, $0xb8;
	[tilespmem:$0x5580] =	vst v63  }
0x56: {  	_ =	swait.ge [sflag:s19], $0x40  }
0x57: {  	[sflag:s19] =	ssyncset.done $0x0  }
0x58: {  	s24 =	simm.s32 $0x480;
	[sflag:s19] =	ssyncadd.s32 $0xFFFFFFC0  }
0x59: {  	[spmem:s2] =	stream.indirect.scatter.add.f32 [tilespmem:s11], [sflag:$0x1], $0x1, s24, s10, $0xb8;
	[tilespmem:$0x5580] =	vst v63  }
0x5a: {  	_ =	swait.ge [sflag:s19], $0x40  }
0x5b: {  	[sflag:s19] =	ssyncset.done $0x0  }
0x5c: {  	s25 =	simm.s32 $0x500;
	[sflag:s19] =	ssyncadd.s32 $0xFFFFFFC0  }
0x5d: {  	[spmem:s2] =	stream.indirect.scatter.add.f32 [tilespmem:s11], [sflag:$0x1], $0x1, s25, s10, $0xb8;
	[tilespmem:$0x5580] =	vst v63  }
0x5e: {  	_ =	swait.ge [sflag:s19], $0x40  }
0x5f: {  	[sflag:s19] =	ssyncset.done $0x0  }
0x60: {  	s26 =	simm.s32 $0x580;
	[sflag:s19] =	ssyncadd.s32 $0xFFFFFFC0  }
0x61: {  	[spmem:s2] =	stream.indirect.scatter.add.f32 [tilespmem:s11], [sflag:$0x1], $0x1, s26, s10, $0xb8;
	[tilespmem:$0x5580] =	vst v63  }
0x62: {  	_ =	swait.ge [sflag:s19], $0x40  }
0x63: {  	[sflag:s19] =	ssyncset.done $0x0  }
0x64: {  	s28 =	simm.s32 $0x600;
	[sflag:s19] =	ssyncadd.s32 $0xFFFFFFC0  }
0x65: {  	[spmem:s2] =	stream.indirect.scatter.add.f32 [tilespmem:s11], [sflag:$0x1], $0x1, s28, s10, $0xb8;
	[tilespmem:$0x5580] =	vst v63  }
0x66: {  	_ =	swait.ge [sflag:s19], $0x40  }
0x67: {  	[sflag:s19] =	ssyncset.done $0x0  }
0x68: {  	s29 =	simm.s32 $0x680;
	[sflag:s19] =	ssyncadd.s32 $0xFFFFFFC0  }
0x69: {  	[spmem:s2] =	stream.indirect.scatter.add.f32 [tilespmem:s11], [sflag:$0x1], $0x1, s29, s10, $0xb8;
	[tilespmem:$0x5580] =	vst v63  }
0x6a: {  	_ =	swait.ge [sflag:s19], $0x40  }
0x6b: {  	[sflag:s19] =	ssyncset.done $0x0  }
0x6c: {  	s30 =	simm.s32 $0x700;
	[sflag:s19] =	ssyncadd.s32 $0xFFFFFFC0  }
0x6d: {  	[spmem:s2] =	stream.indirect.scatter.add.f32 [tilespmem:s11], [sflag:$0x1], $0x1, s30, s10, $0xb8;
	[tilespmem:$0x5580] =	vst v63  }
0x6e: {  	_ =	swait.ge [sflag:s19], $0x40  }
0x6f: {  	[sflag:s19] =	ssyncset.done $0x0  }
0x70: {  	s31 =	simm.s32 $0x780;
	[sflag:s19] =	ssyncadd.s32 $0xFFFFFFC0  }
0x71: {  	[spmem:s2] =	stream.indirect.scatter.add.f32 [tilespmem:s11], [sflag:$0x1], $0x1, s31, s10, $0xb8;
	[tilespmem:$0x5580] =	vst v63  }
0x72: {  	_ =	swait.ge [sflag:s19], $0x40  }
0x73: {  	s21 =	simm.s32 $0x400;
	s24 =	simm.s32 $0x2000;
	[sflag:s19] =	ssyncset.done $0x0  }
.LBB2_2:
0x74: {  	s25 =	sadd.s32 $0x400, s21  }
0x75: {  	[sflag:s19] =	ssyncadd.s32 $0xFFFFFFC0;
	s23 =	smov.u32 s24;
	s22 =	sadd.s32 $0x1000, s24  }
0x76: {  	[spmem:s2] =	stream.indirect.scatter.add.f32 [tilespmem:s11], [sflag:$0x1], $0x1, s25, s10, $0xb8;
	[tilespmem:$0x5580] =	vst v63  }
0x77: {  	p0 =	sne.s32 s24, $0x12000;
	_ =	swait.ge [sflag:s19], $0x40  }
0x78: {  	[sflag:s19] =	ssyncset.done $0x0  }
0x79: {  	s24 =	sadd.s32 $0x480, s21;
	[sflag:s19] =	ssyncadd.s32 $0xFFFFFFC0  }
0x7a: {  	[spmem:s2] =	stream.indirect.scatter.add.f32 [tilespmem:s11], [sflag:$0x1], $0x1, s24, s10, $0xb8;
	[tilespmem:$0x5580] =	vst v63  }
0x7b: {  	_ =	swait.ge [sflag:s19], $0x40  }
0x7c: {  	[sflag:s19] =	ssyncset.done $0x0  }
0x7d: {  	s24 =	sadd.s32 $0x500, s21;
	[sflag:s19] =	ssyncadd.s32 $0xFFFFFFC0  }
0x7e: {  	[spmem:s2] =	stream.indirect.scatter.add.f32 [tilespmem:s11], [sflag:$0x1], $0x1, s24, s10, $0xb8;
	[tilespmem:$0x5580] =	vst v63  }
0x7f: {  	_ =	swait.ge [sflag:s19], $0x40  }
0x80: {  	[sflag:s19] =	ssyncset.done $0x0  }
0x81: {  	s24 =	sadd.s32 $0x580, s21;
	[sflag:s19] =	ssyncadd.s32 $0xFFFFFFC0  }
0x82: {  	[spmem:s2] =	stream.indirect.scatter.add.f32 [tilespmem:s11], [sflag:$0x1], $0x1, s24, s10, $0xb8;
	[tilespmem:$0x5580] =	vst v63  }
0x83: {  	_ =	swait.ge [sflag:s19], $0x40  }
0x84: {  	[sflag:s19] =	ssyncset.done $0x0  }
0x85: {  	s24 =	sadd.s32 $0x600, s21;
	[sflag:s19] =	ssyncadd.s32 $0xFFFFFFC0  }
0x86: {  	[spmem:s2] =	stream.indirect.scatter.add.f32 [tilespmem:s11], [sflag:$0x1], $0x1, s24, s10, $0xb8;
	[tilespmem:$0x5580] =	vst v63  }
0x87: {  	_ =	swait.ge [sflag:s19], $0x40  }
0x88: {  	[sflag:s19] =	ssyncset.done $0x0  }
0x89: {  	s24 =	sadd.s32 $0x680, s21;
	[sflag:s19] =	ssyncadd.s32 $0xFFFFFFC0  }
0x8a: {  	[spmem:s2] =	stream.indirect.scatter.add.f32 [tilespmem:s11], [sflag:$0x1], $0x1, s24, s10, $0xb8;
	[tilespmem:$0x5580] =	vst v63  }
0x8b: {  	_ =	swait.ge [sflag:s19], $0x40  }
0x8c: {  	[sflag:s19] =	ssyncset.done $0x0  }
0x8d: {  	s24 =	sadd.s32 $0x700, s21;
	[sflag:s19] =	ssyncadd.s32 $0xFFFFFFC0  }
0x8e: {  	[spmem:s2] =	stream.indirect.scatter.add.f32 [tilespmem:s11], [sflag:$0x1], $0x1, s24, s10, $0xb8;
	[tilespmem:$0x5580] =	vst v63  }
0x8f: {  	_ =	swait.ge [sflag:s19], $0x40  }
.Ltmp0:
0x90: {  	[sflag:s19] =	ssyncset.done $0x0;
	(pc) =	sbr.rel @p0 .LBB2_2-.Ltmp0, $4  }
0x91: {  	s21 =	sadd.s32 $0x780, s21;
	[sflag:s19] =	ssyncadd.s32 $0xFFFFFFC0  }
0x92: {  	[spmem:s2] =	stream.indirect.scatter.add.f32 [tilespmem:s11], [sflag:$0x1], $0x1, s21, s10, $0xb8;
	[tilespmem:$0x5580] =	vst v63  }
0x93: {  	_ =	swait.ge [sflag:s19], $0x40  }
0x94: {  	s24 =	smov.u32 s22;
	s21 =	sshra.s32 s23, $0x2;
	[sflag:s19] =	ssyncset.done $0x0  }
0x95: {  	s22 =	sadd.s32 $0x400, s21;
	[sflag:s19] =	ssyncadd.s32 $0xFFFFFFC0  }
0x96: {  	[spmem:s2] =	stream.indirect.scatter.add.f32 [tilespmem:s11], [sflag:$0x1], $0x1, s22, s10, $0xb8;
	[tilespmem:$0x5580] =	vst v63  }
0x97: {  	_ =	swait.ge [sflag:s19], $0x40  }
0x98: {  	[sflag:s19] =	ssyncset.done $0x0  }
0x99: {  	s24 =	sadd.s32 $0x480, s21;
	[sflag:s19] =	ssyncadd.s32 $0xFFFFFFC0  }
0x9a: {  	[spmem:s2] =	stream.indirect.scatter.add.f32 [tilespmem:s11], [sflag:$0x1], $0x1, s24, s10, $0xb8;
	[tilespmem:$0x5580] =	vst v63  }
0x9b: {  	_ =	swait.ge [sflag:s19], $0x40  }
0x9c: {  	[sflag:s19] =	ssyncset.done $0x0  }
0x9d: {  	s25 =	sadd.s32 $0x500, s21;
	[sflag:s19] =	ssyncadd.s32 $0xFFFFFFC0  }
0x9e: {  	[spmem:s2] =	stream.indirect.scatter.add.f32 [tilespmem:s11], [sflag:$0x1], $0x1, s25, s10, $0xb8;
	[tilespmem:$0x5580] =	vst v63  }
0x9f: {  	_ =	swait.ge [sflag:s19], $0x40  }
0xa0: {  	[sflag:s19] =	ssyncset.done $0x0  }
0xa1: {  	s26 =	sadd.s32 $0x580, s21;
	[sflag:s19] =	ssyncadd.s32 $0xFFFFFFC0  }
0xa2: {  	[spmem:s2] =	stream.indirect.scatter.add.f32 [tilespmem:s11], [sflag:$0x1], $0x1, s26, s10, $0xb8;
	[tilespmem:$0x5580] =	vst v63  }
0xa3: {  	_ =	swait.ge [sflag:s19], $0x40  }
0xa4: {  	[sflag:s19] =	ssyncset.done $0x0  }
0xa5: {  	s28 =	sadd.s32 $0x600, s21;
	[sflag:s19] =	ssyncadd.s32 $0xFFFFFFC0  }
0xa6: {  	[spmem:s2] =	stream.indirect.scatter.add.f32 [tilespmem:s11], [sflag:$0x1], $0x1, s28, s10, $0xb8;
	[tilespmem:$0x5580] =	vst v63  }
0xa7: {  	_ =	swait.ge [sflag:s19], $0x40  }
0xa8: {  	[sflag:s19] =	ssyncset.done $0x0  }
0xa9: {  	s29 =	sadd.s32 $0x680, s21;
	[sflag:s19] =	ssyncadd.s32 $0xFFFFFFC0  }
0xaa: {  	[spmem:s2] =	stream.indirect.scatter.add.f32 [tilespmem:s11], [sflag:$0x1], $0x1, s29, s10, $0xb8;
	[tilespmem:$0x5580] =	vst v63  }
0xab: {  	_ =	swait.ge [sflag:s19], $0x40  }
0xac: {  	[sflag:s19] =	ssyncset.done $0x0  }
0xad: {  	s30 =	sadd.s32 $0x700, s21;
	[sflag:s19] =	ssyncadd.s32 $0xFFFFFFC0  }
0xae: {  	[spmem:s2] =	stream.indirect.scatter.add.f32 [tilespmem:s11], [sflag:$0x1], $0x1, s30, s10, $0xb8;
	[tilespmem:$0x5580] =	vst v63  }
0xaf: {  	_ =	swait.ge [sflag:s19], $0x40  }
0xb0: {  	[sflag:s19] =	ssyncset.done $0x0  }
0xb1: {  	s31 =	sadd.s32 $0x780, s21;
	[sflag:s19] =	ssyncadd.s32 $0xFFFFFFC0  }
0xb2: {  	[spmem:s2] =	stream.indirect.scatter.add.f32 [tilespmem:s11], [sflag:$0x1], $0x1, s31, s10, $0xb8;
	[tilespmem:$0x5580] =	vst v63  }
0xb3: {  	_ =	swait.ge [sflag:s19], $0x40  }
0xb4: {  	[sflag:s19] =	ssyncset.done $0x0  }
0xb5: {  	[sflag:s19] =	ssyncadd.s32 $0xFFFFFFC0  }
0xb6: {  	_ =	swait.ge [sflag:s19], $0x40  }
0xb7: {  	[sflag:s19] =	ssyncset.done $0x0  }
0xb8: {  	[sflag:s19] =	ssyncadd.s32 $0xFFFFFFC0  }
0xb9: {  	_ =	swait.ge [sflag:s19], $0x40  }
0xba: {  	[sflag:s19] =	ssyncset.done $0x0  }
0xbb: {  	[sflag:s19] =	ssyncadd.s32 $0xFFFFFFC0  }
0xbc: {  	_ =	swait.ge [sflag:s19], $0x40  }
0xbd: {  	[sflag:s19] =	ssyncset.done $0x0  }
0xbe: {  	[sflag:s19] =	ssyncadd.s32 $0xFFFFFFC0  }
0xbf: {  	_ =	swait.ge [sflag:s19], $0x40  }
0xc0: {  	[sflag:s19] =	ssyncset.done $0x0  }
0xc1: {  	[sflag:s19] =	ssyncadd.s32 $0xFFFFFFC0  }
0xc2: {  	_ =	swait.ge [sflag:s19], $0x40  }
0xc3: {  	[sflag:s19] =	ssyncset.done $0x0  }
0xc4: {  	[sflag:s19] =	ssyncadd.s32 $0xFFFFFFC0  }
0xc5: {  	_ =	swait.ge [sflag:s19], $0x40  }
0xc6: {  	[sflag:s19] =	ssyncset.done $0x0  }
0xc7: {  	[sflag:s19] =	ssyncadd.s32 $0xFFFFFFC0  }
0xc8: {  	_ =	swait.ge [sflag:s19], $0x40  }
0xc9: {  	[sflag:s19] =	ssyncset.done $0x0  }
0xca: {  	[sflag:s19] =	ssyncadd.s32 $0xFFFFFFC0  }
0xcb: {  	_ =	swait.ge [sflag:s19], $0x40  }
0xcc: {  	[sflag:s19] =	ssyncset.done $0x0  }
0xcd: {  	[sflag:s19] =	ssyncadd.s32 $0xFFFFFFC0  }
0xce: {  	[bflag:$0x0] =	sbarrier.arrive $0xFFFF  }
0xcf: {  	[tilespmem:s9], [sflag:$0x2] =	stream.linear.gather [spmem:s5], $0x280, $0x38;
	[tilespmem:$0x5580] =	vst v63  }
0xd0: {  	s20 =	sadd.s32 $0x1, s20;
	_ =	swait.ge [sflag:s8], $0x280  }
0xd1: {  	p0 =	sne.s32 s20, s7;
	[sflag:s8] =	ssyncset.done $0x0  }
.Ltmp1:
0xd2: {  	[sflag:s8] =	ssyncadd.s32 $0xFFFFFD80;
	(pc) =	sbr.rel @p0 .LBB2_1-.Ltmp1, $4  }
0xd3: {  	[hbm4b:s6+s12] =	stream.strided.scatter [tilespmem:s9], [sflag:$0x2], $0x280, s13, s12, $0x38;
	[tilespmem:$0x5580] =	vst v63  }
0xd4: {  	_ =	swait.ge [sflag:s8], $0x280  }
0xd5: {  	[sflag:s8] =	ssyncset.done $0x0  }
0xd6: {  	[sflag:s8] =	ssyncadd.s32 $0xFFFFFD80  }
0xd7: {  	_ =	sfence.sel $0x180000  }
0xd8: {  	[bflag:$0x0] =	sbarrier.arrive $0xFFFF  }
0xd9: {  	p0 =	sne.s32 s0, $0x0;
	_ =	strace $0x90000047  }
0xda: {  	s0 =	sadd.s32 @!p0 $0x100000, s1;
	[bflag:$0x2] =	sbarrier.arrive $0xFFFF  }
0xdb: {  	[sflag:s0] =	ssyncadd.tile.s32 @!p0 $0x1;
	_ =	shalt  }
.Lfunc_end2:
_tile_overlayer_lowered:
.L_overlay_start_2:
0xdc: {  	(tag) =	ssettag $0x2  }
0xdd: {  	s0 =	rddreg [dreg:$0x0];
	s2 =	stileid.u32  }
0xde: {  	s1 =	rddreg [dreg:$0x1];
	p0 =	sne.s32 s2, $0x0  }
0xdf: {  	s3 =	rddreg [dreg:$0x2];
	[bflag:$0x3] =	sbarrier.arrive $0xFFFF;
	s2 =	simm.s32 @!p0 $0x1C02  }
0xe0: {  	[timem:s3], [sflag:s2] =	dma.local @!p0 [hbm:s0], s1  }
0xe1: {  	s0 =	simm.s32 @!p0 $0x2  }
0xe2: {  	_ =	swait.ge @!p0 [sflag:s0], s1  }
0xe3: {  	s1 =	ssub.s32 @!p0 $0x0, s1;
	[sflag:s0] =	ssyncset.done @!p0 $0x0  }
0xe4: {  	[sflag:s0] =	ssyncadd.s32 @!p0 s1  }
0xe5: {  	[bflag:$0x3] =	sbarrier.arrive $0xFFFF  }
0xe6: {  	_ =	shalt  }

// kernel: kernel.9.cloned.1.call-start
scs
__scs_entry_jumppad:
0x0: {  	(pc) =	sbr.rel $0x88, $3  }
0x1: {  	(tag) =	ssettag $0x0;
	lr =	simm.s32 $0x1  }
0x2: {  	[smem:$0x3F95] =	sst lr;
	_ =	strace $0xD0000000  }
0x3: {  	_ = 	snop  }
0x4: {  	_ = 	snop  }
0x5: {  	_ = 	snop  }
0x6: {  	_ = 	snop  }
0x7: {  	_ = 	snop  }
__scs_overlays_trampoline_lowered:
0x8: {  	[smem:$0x3FA4] =	sst s0  }
0x9: {  	[smem:$0x3FA5] =	sst s1  }
0xa: {  	[smem:$0x3FA6] =	sst s2  }
0xb: {  	[smem:$0x3FA7] =	sst s3  }
0xc: {  	[smem:$0x3FA8] =	sst s4  }
0xd: {  	[smem:$0x3FA9] =	sst s5  }
0xe: {  	[smem:$0x3FAA] =	sst s6  }
0xf: {  	[smem:$0x3FAB] =	sst s7  }
0x10: {  	[smem:$0x3FAC] =	sst s8  }
0x11: {  	[smem:$0x3FAD] =	sst s9;
	s0 =	simm.s32 @!p0 $0x0  }
0x12: {  	s1 =	sld [smem:$0x3F93];
	s0 =	simm.s32 @p0 $0x1  }
0x13: {  	[smem:$0x3FAE] =	sst s0;
	s0 =	simm.s32 @!p1 $0x0  }
0x14: {  	s2 =	sld [smem:$0x3F92];
	s0 =	simm.s32 @p1 $0x1  }
0x15: {  	[smem:$0x3FAF] =	sst s0;
	s0 =	simm.s32 @!p2 $0x0  }
0x16: {  	s3 =	sld [smem:$0x3FDB];
	s0 =	simm.s32 @p2 $0x1  }
0x17: {  	s4 =	simm.s32 $0x1BF5;
	[smem:$0x3FB1] =	sst s0  }
0x18: {  	s0 =	sld [smem:$0x3F94];
	_ =	swait.ge [sflag:s4], $0x0  }
0x19: {  	s7 =	sld [smem:$0x3F95]  }
0x1a: {  	s8 =	sadd.s32 $0xFFFFE003, lr  }
0x1b: {  	s9 =	sadd.s32 $0xFFFFFEF7, lr;
	s5 =	simm.s32 $0xFFFFFFFF;
	p2 =	slt.u32 s8, $0xFFFFF086  }
0x1c: {  	p1 =	slt.u32 s9, $0xF7A;
	s5 =	simm.s32 @!p2 $0x0  }
0x1d: {  	s5 =	simm.s32 @p1 $0x1;
	p0 =	seq.s32 s7, s2  }
0x1e: {  	s7 =	smul.u32 @!p0 $0xF7A, s2;
	p2 =	seq.s32 @!p0 s5, $0x0  }
0x1f: {  	s9 =	smul.u32 $0xF7A, s1;
	s8 =	simm.s32 @!p0 $0x1BF5;
	p2 =	por !p2, p0  }
0x20: {  	[sflag:s8] =	ssyncset.s32 @!p0 $0xFFFFF086;
	s6 =	sadd.s32 @!p0 s3, s7;
	s7 =	simm.s32 @!p0 $0x108  }
0x21: {  	s3 =	sadd.s32 s3, s9;
	s6 =	sadd.s32 @!p0 $0x88, s6;
	s7 =	simm.s32 @p2 $0x1082  }
0x22: {  	[simem:s7], [sflag:s8] =	dma.local @!p0 [hbm:s6], $0xF7A  }
0x23: {  	s9 =	sor.u32 $0xD0000000, s2;
	s6 =	simm.s32 $0x108;
	_ =	swait.ge @!p0 [sflag:s8], $0x0  }
0x24: {  	s3 =	sadd.s32 $0x88, s3;
	s6 =	simm.s32 @!p1 $0x1082;
	[sflag:s4] =	ssyncset.s32 $0xFFFFF086  }
0x25: {  	[simem:s6], [sflag:s4] =	dma.local [hbm:s3], $0xF7A  }
0x26: {  	[smem:$0x3F95] =	sst s1;
	(tag) =	ssettag s2;
	_ =	strace s9  }
0x27: {  	s1 =	sld [smem:$0x3FA5]  }
0x28: {  	s2 =	sld [smem:$0x3FA6]  }
0x29: {  	s4 =	sld [smem:$0x3FA8]  }
0x2a: {  	p0 =	seq.s32 s5, $0x0;
	s5 =	sld [smem:$0x3FA9]  }
0x2b: {  	s6 =	sld [smem:$0x3FAA]  }
0x2c: {  	s7 =	sld [smem:$0x3FAB]  }
0x2d: {  	s3 =	simm.s32 $0x108;
	s8 =	sld [smem:$0x3FAC]  }
0x2e: {  	s3 =	simm.s32 @!p0 $0x1082;
	s9 =	sld [smem:$0x3FAD]  }
0x2f: {  	lr =	sadd.s32 s0, s3;
	s0 =	sld [smem:$0x3FA4]  }
0x30: {  	s3 =	sld [smem:$0x3FA7]  }
0x31: {  	[smem:$0x3FB0] =	sst s10  }
0x32: {  	s10 =	sld [smem:$0x3FAE];
	_ =	sdelay $0x3  }
0x33: {  	p0 =	seq.s32 s10, $0x1;
	s10 =	sld [smem:$0x3FB0];
	_ =	sdelay $0x3  }
0x34: {  	[smem:$0x3FB0] =	sst s10  }
0x35: {  	s10 =	sld [smem:$0x3FAF];
	_ =	sdelay $0x3  }
0x36: {  	p1 =	seq.s32 s10, $0x1;
	s10 =	sld [smem:$0x3FB0];
	_ =	sdelay $0x3  }
0x37: {  	[smem:$0x3FB0] =	sst s10  }
0x38: {  	s10 =	sld [smem:$0x3FB1]  }
0x39: {  	_ = 	snop;
	(pc) =	sbr.ind lr, $3  }
0x3a: {  	_ = 	snop  }
0x3b: {  	_ = 	snop  }
0x3c: {  	p2 =	seq.s32 s10, $0x1;
	s10 =	sld [smem:$0x3FB0]  }
0x3d: {  	_ =	shalt  }
0x3e: {  	_ =	shalt  }
0x3f: {  	_ =	shalt  }
0x40: {  	_ =	shalt  }
0x41: {  	_ =	shalt  }
0x42: {  	_ =	shalt  }
0x43: {  	_ =	shalt  }
0x44: {  	_ =	shalt  }
0x45: {  	_ =	shalt  }
0x46: {  	_ =	shalt  }
0x47: {  	_ =	shalt  }
0x48: {  	_ =	shalt  }
0x49: {  	_ =	shalt  }
0x4a: {  	_ =	shalt  }
0x4b: {  	_ =	shalt  }
0x4c: {  	_ =	shalt  }
0x4d: {  	_ =	shalt  }
0x4e: {  	_ =	shalt  }
0x4f: {  	_ =	shalt  }
0x50: {  	_ =	shalt  }
0x51: {  	_ =	shalt  }
0x52: {  	_ =	shalt  }
0x53: {  	_ =	shalt  }
0x54: {  	_ =	shalt  }
0x55: {  	_ =	shalt  }
0x56: {  	_ =	shalt  }
0x57: {  	_ =	shalt  }
0x58: {  	_ =	shalt  }
0x59: {  	_ =	shalt  }
0x5a: {  	_ =	shalt  }
0x5b: {  	_ =	shalt  }
0x5c: {  	_ =	shalt  }
0x5d: {  	_ =	shalt  }
0x5e: {  	_ =	shalt  }
0x5f: {  	_ =	shalt  }
0x60: {  	_ =	shalt  }
0x61: {  	_ =	shalt  }
0x62: {  	_ =	shalt  }
0x63: {  	_ =	shalt  }
0x64: {  	_ =	shalt  }
0x65: {  	_ =	shalt  }
0x66: {  	_ =	shalt  }
0x67: {  	_ =	shalt  }
0x68: {  	_ =	shalt  }
0x69: {  	_ =	shalt  }
0x6a: {  	_ =	shalt  }
0x6b: {  	_ =	shalt  }
0x6c: {  	_ =	shalt  }
0x6d: {  	_ =	shalt  }
0x6e: {  	_ =	shalt  }
0x6f: {  	_ =	shalt  }
0x70: {  	_ =	shalt  }
0x71: {  	_ =	shalt  }
0x72: {  	_ =	shalt  }
0x73: {  	_ =	shalt  }
0x74: {  	_ =	shalt  }
0x75: {  	_ =	shalt  }
0x76: {  	_ =	shalt  }
0x77: {  	_ =	shalt  }
0x78: {  	_ =	shalt  }
0x79: {  	_ =	shalt  }
0x7a: {  	_ =	shalt  }
0x7b: {  	_ =	shalt  }
0x7c: {  	_ =	shalt  }
0x7d: {  	_ =	shalt  }
0x7e: {  	_ =	shalt  }
0x7f: {  	_ =	shalt  }
0x80: {  	_ =	shalt  }
0x81: {  	_ =	shalt  }
0x82: {  	_ =	shalt  }
0x83: {  	_ =	shalt  }
0x84: {  	_ =	shalt  }
0x85: {  	_ =	shalt  }
0x86: {  	_ =	shalt  }
0x87: {  	_ =	shalt  }
.Lfunc_end0:
.L_simem_size_0:
called_computation.1_lowered:
.L_overlay_start_0:
0x88: {  	s2 =	sld [smem:$0x3FD9]  }
0x89: {  	s3 =	sld [smem:$0x3FFE];
	_ =	sdelay $0x1  }
0x8a: {  	s1 =	srdreg.scid  }
0x8b: {  	s0 =	sand.u32 $0x1, s1  }
0x8c: {  	s17 =	sshll.u32 s0, $0xA;
	s2 =	sadd.s32 s3, s2  }
0x8d: {  	s2 =	sadd.s32 s2, s17  }
0x8e: {  	[smem:$0x3FBC] =	sst s2  }
0x8f: {  	_ = 	snop  }
0x90: {  	s2 =	sld [smem:$0x3FC6]  }
0x91: {  	s18 =	sld [smem:$0x3FD0];
	(tm) =	ssettm $0x1  }
0x92: {  	s4 =	sld [smem:$0x3FFB];
	_ =	sdelay $0x3  }
0x93: {  	_ =	strace s4  }
0x94: {  	s4 =	sld [smem:$0x3FFC];
	_ =	sdelay $0x3  }
0x95: {  	_ =	strace s4  }
0x96: {  	s4 =	sld [smem:$0x3FFD];
	_ =	sdelay $0x3  }
0x97: {  	_ =	strace s4  }
0x98: {  	_ =	strace $0x8FFFFFFF  }
0x99: {  	s19 =	sld [smem:$0x3FDB];
	_ =	sdelay $0x1  }
0x9a: {  	s5 =	simm.s32 $_scs_section_size  }
0x9b: {  	s6 =	simm.s32 $_size__tile_overlayer_lowered;
	s7 =	simm.s32 $_tile_overlayer_lowered  }
0x9c: {  	s22 =	simm.s32 $0x1BFF;
	s21 =	sshll.u32 s7, $0x1;
	s4 =	sadd.s32 s5, s19  }
0x9d: {  	s8 =	simm.s32 $0x0;
	s20 =	sshll.u32 s6, $0x1;
	s6 =	sadd.s32 s21, s4  }
0x9e: {  	[timem:s8], [sflag:s22] =	dma.local [hbm:s6], s20  }
0x9f: {  	_ =	swait.ge [sflag:s22], s20  }
0xa0: {  	s5 =	ssub.s32 $0x0, s20;
	[sflag:s22] =	ssyncset.done $0x0  }
0xa1: {  	[sflag:s22] =	ssyncadd.s32 s5;
	_ =	sdelay $0x1  }
0xa2: {  	s23 =	simm.s32 $0x1B8B  }
0xa3: {  	_ =	swait.ge [sflag:s23], $0x1  }
0xa4: {  	[sflag:s23] =	ssyncset.done $0x0  }
0xa5: {  	s25 =	simm.s32 $0x1B8E;
	s24 =	sld [smem:$0x3FFE];
	[sflag:s23] =	ssyncadd.s32 $0xFFFFFFFF  }
0xa6: {  	s26 =	simm.s32 $execute0_lowered;
	[smem:$0x3FD2] =	sst s25  }
0xa7: {  	s6 =	sshll.u32 s26, $0x1;
	_ =	strace $0x80000049;
	[dreg:$0x1] =	wrdreg $0xFFFFFFFF  }
0xa8: {  	s28 =	simm.s32 $_size_execute0_lowered;
	s4 =	sadd.s32 s4, s6;
	[dreg:$0x0] =	wrdreg $0x0  }
0xa9: {  	s6 =	sshll.u32 s28, $0x1;
	[dreg:$0x2] =	wrdreg s4  }
0xaa: {  	[dreg:$0x3] =	wrdreg s6  }
0xab: {  	[dreg:$0x4] =	wrdreg $0xC0  }
0xac: {  	_ =	task [dreg:s8], $0x5FFFF  }
0xad: {  	[dreg:$0x1] =	wrdreg $0xFFFFFFFF  }
0xae: {  	[dreg:$0x0] =	wrdreg $0x60  }
0xaf: {  	[dreg:$0x2] =	wrdreg s24  }
0xb0: {  	[dreg:$0x3] =	wrdreg s2  }
0xb1: {  	[dreg:$0x4] =	wrdreg s18  }
0xb2: {  	[dreg:$0x5] =	wrdreg $0xB2000  }
0xb3: {  	[dreg:$0x6] =	wrdreg $0x9  }
0xb4: {  	_ =	task.clear_ibuf [dreg:s8], $0x7FFFF;
	_ =	strace $0x90000049  }
0xb5: {  	s29 =	simm.s32 $0x9;
	_ =	strace $0x8000004B  }
0xb6: {  	_ =	swait.ge [sflag:s29], $0x1  }
0xb7: {  	[sflag:s29] =	ssyncadd.s32 $0xFFFFFFFF  }
0xb8: {  	_ =	strace $0x9000004B  }
0xb9: {  	_ =	sfence  }
0xba: {  	s30 =	sld [smem:$0x0];
	_ =	sdelay $0x2  }
0xbb: {  	s31 =	sshll.u32 s1, $0xD;
	s1 =	sshrl.u32 s1, $0x2  }
0xbc: {  	s3 =	sand.u32 $0x4000, s31;
	s1 =	sadd.s32 s1, s30  }
0xbd: {  	s0 =	sor.u32 s3, s0;
	s1 =	sshll.u32 s1, $0x11  }
0xbe: {  	s0 =	sor.u32 s1, s0  }
0xbf: {  	s0 =	sadd.s32 $0x8F2B, s0  }
0xc0: {  	[sflag:s0] =	ssyncadd.remote.s32 $0x1  }
0xc1: {  	_ =	sfence.sel $0xFFFF  }
0xc2: {  	[dreg:$0x0] =	wrdreg $0xFFFFFFFF;
	(pc) =	sbr.abs _section_cstart, $3  }
0xc3: {  	[dreg:$0x1] =	wrdreg $0xFFFFFFFF  }
0xc4: {  	_ =	task.clear_ibuf [dreg:s8], $0x2FFFF;
	_ =	strace $0x9FFFFFFF  }
0xc5: {  	(tm) =	ssettm $0x7FFFFFFF  }
tec
execute0_lowered:
.L_overlay_start_1:
0x0: {  	(tag) =	ssettag $0x1  }
0x1: {  	s0 =	rddreg [dreg:$0x0]  }
0x2: {  	s1 =	rddreg [dreg:$0x1]  }
0x3: {  	s2 =	rddreg [dreg:$0x3]  }
0x4: {  	s3 =	simm.s32 $0x0;
	s4 =	srdreg.scid;
	s14 =	stileid.u32  }
0x5: {  	[smem:$0x7FF] =	sst s3;
	s4 =	sand.u32 $0x1, s4;
	s9 =	sshll.u32 s14, $0xC  }
0x6: {  	s26 =	sshll.u32 s14, $0x5;
	s12 =	smul.u32 $0x50000, s14;
	_ =	strace $0x8000004A  }
0x7: {  	s7 =	sshll.u32 s4, $0x10;
	s8 =	sshll.u32 s4, $0x4;
	s10 =	sshll.u32 s4, $0xB  }
0x8: {  	s11 =	ssub.s32 $0x2, s4;
	s1 =	sadd.s32 s1, s26;
	s20 =	sshll.u32 s4, $0x7  }
0x9: {  	s8 =	sor.u32 s14, s8;
	s7 =	sor.u32 s9, s7;
	s9 =	sor.u32 s10, s9  }
0xa: {  	s13 =	sshrl.u32 s11, $0x1;
	[dreg:$0x7] =	wrdreg s1;
	s21 =	sor.u32 $0x1000, s20  }
0xb: {  	s30 =	sshrl.u32 s12, $0x2;
	s23 =	sor.u32 $0x1040, s20;
	[dreg:$0x13] =	wrdreg s21  }
0xc: {  	s10 =	sadd.s32 s9, s0;
	s9 =	sadd.s32 s30, s2;
	[dreg:$0x15] =	wrdreg s23  }
0xd: {  	s28 =	ssub.s32 s11, s13;
	s11 =	sadd.s32 $0x2000, s9;
	[dreg:$0x8] =	wrdreg s9  }
0xe: {  	s7 =	sadd.s32 s7, s0;
	s12 =	sadd.s32 $0x4000, s9;
	[dreg:$0x9] =	wrdreg s11  }
0xf: {  	s13 =	smul.u32 $0x5000, s14;
	s14 =	sadd.s32 $0x6000, s9;
	[dreg:$0xa] =	wrdreg s12  }
0x10: {  	s16 =	sadd.s32 $0x53400, s7;
	[dreg:$0xb] =	wrdreg s14  }
0x11: {  	s17 =	sadd.s32 $0x53800, s7;
	[dreg:$0xd] =	wrdreg s16  }
0x12: {  	s5 =	sadd.s32 $0x2B400, s0;
	s18 =	sadd.s32 $0x53C00, s7;
	[dreg:$0xe] =	wrdreg s17  }
0x13: {  	s6 =	sadd.s32 $0x3400, s0;
	s7 =	sadd.s32 $0x54000, s7;
	[dreg:$0xf] =	wrdreg s18  }
0x14: {  	s31 =	smul.u32 $0x50000, s4;
	s22 =	sadd.s32 $0x73400, s10;
	[dreg:$0x10] =	wrdreg s7  }
0x15: {  	s0 =	sadd.s32 s26, s0;
	s24 =	sadd.s32 $0x73800, s10;
	[dreg:$0x14] =	wrdreg s22  }
0x16: {  	p0 =	sne.s32 s4, $0x0;
	s0 =	sadd.s32 $0x83400, s0;
	[dreg:$0x16] =	wrdreg s24  }
0x17: {  	s20 =	simm.s32 $0x5100;
	s25 =	smax.u32 s28, $0x1;
	[dreg:$0x17] =	wrdreg s0  }
0x18: {  	s8 =	smul.u32 $0x5000, s8;
	s26 =	sadd.s32 $0xA000, s9;
	[dreg:$0x18] =	wrdreg s25  }
0x19: {  	s28 =	sadd.s32 $0xC000, s9;
	s30 =	sadd.s32 $0x10000, s9;
	[dreg:$0x19] =	wrdreg s26  }
0x1a: {  	s8 =	sshrl.u32 s8, $0x3;
	s1 =	sadd.s32 s13, s31;
	[dreg:$0x1a] =	wrdreg s28  }
0x1b: {  	[dreg:$0x1c] =	wrdreg s30;
	s31 =	sadd.s32 $0x12000, s9;
	s0 =	simm.s32 $0x4  }
0x1c: {  	s18 =	simm.s32 $0x1000;
	s11 =	simm.s32 $0x7100;
	s12 =	simm.s32 $0x9100  }
0x1d: {  	s13 =	simm.s32 $0x3;
	s14 =	simm.s32 $0x1;
	s16 =	simm.s32 $0x0  }
0x1e: {  	s15 =	sadd.s32 s6, s8;
	s19 =	sadd.s32 $0xA0400, s1;
	[dreg:$0x1d] =	wrdreg s31  }
0x1f: {  	s1 =	sor.u32 $0x400, s1;
	[dreg:$0x5] =	wrdreg s15;
	s29 =	sadd.s32 $0x14000, s15  }
0x20: {  	s15 =	sadd.s32 $0x8000, s9;
	s7 =	sshrl.u32 s19, $0x3;
	[dreg:$0x6] =	wrdreg s29  }
0x21: {  	s1 =	sshrl.u32 s1, $0x3;
	[dreg:$0xc] =	wrdreg s15;
	s7 =	sadd.s32 s7, s6  }
0x22: {  	s19 =	simm.s32 $0x3100;
	s1 =	sadd.s32 s1, s6;
	[dreg:$0x11] =	wrdreg s7  }
0x23: {  	s29 =	sadd.s32 $0xE000, s9;
	s15 =	simm.s32 $0x2;
	[dreg:$0x12] =	wrdreg s1  }
0x24: {  	v0 =	vimm.f32 $0.0e+00;
	[dreg:$0x1b] =	wrdreg s29;
	s1 =	simm.s32 $0x40;
	s7 =	simm.s32 $0x1100  }
.LBB2_1:
0x25: {  	s4 =	rddreg [dreg:$0x5]  }
0x26: {  	[tilespmem:s3], [sflag:$0x4] =	stream.linear.gather [hbm4b:s4+s3], $0x400, $0x38;
	[tilespmem:$0x1F200] =	vst v63  }
0x27: {  	_ =	swait.ge [sflag:s0], $0x400  }
0x28: {  	[sflag:s0] =	ssyncset.done $0x0  }
0x29: {  	s6 =	simm.s32 $0x800;
	s26 =	rddreg [dreg:$0x6];
	[sflag:s0] =	ssyncadd.s32 $0xFFFFFC00  }
0x2a: {  	[tilespmem:s6], [sflag:$0x4] =	stream.linear.gather [hbm4b:s26+s3], $0x400, $0x38;
	[tilespmem:$0x1F200] =	vst v63  }
0x2b: {  	_ =	swait.ge [sflag:s0], $0x400  }
0x2c: {  	[sflag:s0] =	ssyncset.done $0x0  }
0x2d: {  	s28 =	rddreg [dreg:$0x7];
	[sflag:s0] =	ssyncadd.s32 $0xFFFFFC00  }
0x2e: {  	[tilespmem:s18], [sflag:$0x4] =	stream.linear.gather [hbm4b:s28+s3], $0x100, $0x38;
	[tilespmem:$0x1F200] =	vst v63  }
0x2f: {  	_ =	swait.ge [sflag:s0], $0x100  }
0x30: {  	[sflag:s0] =	ssyncset.done $0x0  }
0x31: {  	[sflag:s0] =	ssyncadd.s32 $0xFFFFFF00  }
0x32: {  	[tilespmem:s7], [sflag:$0x1] =	stream.indirect.gather [hbm4b:s5+s1], $0x80, s3, s1, $0xb8;
	[tilespmem:$0x1F200] =	vst v63  }
0x33: {  	s29 =	simm.s32 $0x80  }
0x34: {  	[tilespmem:s19], [sflag:$0x1] =	stream.indirect.gather [hbm4b:s5+s1], $0x80, s29, s1, $0xb8;
	[tilespmem:$0x1F200] =	vst v63  }
0x35: {  	s30 =	simm.s32 $0x100  }
0x36: {  	[tilespmem:s20], [sflag:$0x1] =	stream.indirect.gather [hbm4b:s5+s1], $0x80, s30, s1, $0xb8;
	[tilespmem:$0x1F200] =	vst v63  }
0x37: {  	s31 =	simm.s32 $0x180;
	s4 =	simm.s32 $0x0;
	s6 =	simm.s32 $0x200  }
0x38: {  	[tilespmem:s11], [sflag:$0x1] =	stream.indirect.gather [hbm4b:s5+s1], $0x80, s31, s1, $0xb8;
	[tilespmem:$0x1F200] =	vst v63  }
.LBB2_2:
0x39: {  	p1 =	sne.s32 s6, $0x7E00;
	[tilespmem:s4+$0x9170] =	vst v0  }
0x3a: {  	[tilespmem:s4+$0x9100] =	vst v0  }
0x3b: {  	[tilespmem:s4+$0x9110] =	vst v0  }
.Ltmp0:
0x3c: {  	[tilespmem:s4+$0x9120] =	vst v0;
	(pc) =	sbr.rel @p1 .LBB2_2-.Ltmp0, $4  }
0x3d: {  	[tilespmem:s4+$0x9130] =	vst v0  }
0x3e: {  	[tilespmem:s4+$0x9140] =	vst v0  }
0x3f: {  	[tilespmem:s4+$0x9150] =	vst v0  }
0x40: {  	[tilespmem:s4+$0x9160] =	vst v0;
	s4 =	sshra.s32 s6, $0x2;
	s6 =	sadd.s32 $0x200, s6  }
0x41: {  	[tilespmem:s4+$0x9170] =	vst v0  }
0x42: {  	[tilespmem:s4+$0x9100] =	vst v0  }
0x43: {  	[tilespmem:s4+$0x9110] =	vst v0  }
0x44: {  	[tilespmem:s4+$0x9120] =	vst v0  }
0x45: {  	[tilespmem:s4+$0x9130] =	vst v0  }
0x46: {  	[tilespmem:s4+$0x9140] =	vst v0  }
0x47: {  	[tilespmem:s4+$0x9150] =	vst v0  }
0x48: {  	[tilespmem:s4+$0x9160] =	vst v0;
	s21 =	rddreg [dreg:$0x8]  }
0x49: {  	[spmem:s21] =	stream.linear.scatter [tilespmem:s12], [sflag:$0x3], $0x2000, $0x38;
	[tilespmem:$0x1F200] =	vst v63  }
0x4a: {  	s22 =	rddreg [dreg:$0x9]  }
0x4b: {  	[spmem:s22] =	stream.linear.scatter [tilespmem:s12], [sflag:$0x3], $0x2000, $0x38;
	[tilespmem:$0x1F200] =	vst v63  }
0x4c: {  	s23 =	rddreg [dreg:$0xa]  }
0x4d: {  	[spmem:s23] =	stream.linear.scatter [tilespmem:s12], [sflag:$0x3], $0x2000, $0x38;
	[tilespmem:$0x1F200] =	vst v63  }
0x4e: {  	s24 =	rddreg [dreg:$0xb]  }
0x4f: {  	[spmem:s24] =	stream.linear.scatter [tilespmem:s12], [sflag:$0x3], $0x2000, $0x38;
	[tilespmem:$0x1F200] =	vst v63  }
0x50: {  	s25 =	rddreg [dreg:$0xc]  }
0x51: {  	[spmem:s25] =	stream.linear.scatter [tilespmem:s12], [sflag:$0x3], $0x2000, $0x38;
	[tilespmem:$0x1F200] =	vst v63  }
0x52: {  	s26 =	rddreg [dreg:$0x19]  }
0x53: {  	[spmem:s26] =	stream.linear.scatter [tilespmem:s12], [sflag:$0x3], $0x2000, $0x38;
	[tilespmem:$0x1F200] =	vst v63  }
0x54: {  	s28 =	rddreg [dreg:$0x1a]  }
0x55: {  	[spmem:s28] =	stream.linear.scatter [tilespmem:s12], [sflag:$0x3], $0x2000, $0x38;
	[tilespmem:$0x1F200] =	vst v63  }
0x56: {  	s29 =	rddreg [dreg:$0x1b]  }
0x57: {  	[spmem:s29] =	stream.linear.scatter [tilespmem:s12], [sflag:$0x3], $0x2000, $0x38;
	[tilespmem:$0x1F200] =	vst v63  }
0x58: {  	s30 =	rddreg [dreg:$0x1c]  }
0x59: {  	[spmem:s30] =	stream.linear.scatter [tilespmem:s12], [sflag:$0x3], $0x2000, $0x38;
	[tilespmem:$0x1F200] =	vst v63  }
0x5a: {  	s31 =	rddreg [dreg:$0x1d]  }
0x5b: {  	[spmem:s31] =	stream.linear.scatter [tilespmem:s12], [sflag:$0x3], $0x2000, $0x38;
	[tilespmem:$0x1F200] =	vst v63  }
0x5c: {  	_ =	swait.ge [sflag:s13], $0x2000  }
0x5d: {  	[sflag:s13] =	ssyncset.done $0x0  }
0x5e: {  	[sflag:s13] =	ssyncadd.s32 $0xFFFFE000  }
0x5f: {  	_ =	swait.ge [sflag:s13], $0x2000  }
0x60: {  	[sflag:s13] =	ssyncset.done $0x0  }
0x61: {  	[sflag:s13] =	ssyncadd.s32 $0xFFFFE000  }
0x62: {  	_ =	swait.ge [sflag:s13], $0x2000  }
0x63: {  	[sflag:s13] =	ssyncset.done $0x0  }
0x64: {  	[sflag:s13] =	ssyncadd.s32 $0xFFFFE000  }
0x65: {  	_ =	swait.ge [sflag:s13], $0x2000  }
0x66: {  	[sflag:s13] =	ssyncset.done $0x0  }
0x67: {  	[sflag:s13] =	ssyncadd.s32 $0xFFFFE000  }
0x68: {  	_ =	swait.ge [sflag:s13], $0x2000  }
0x69: {  	[sflag:s13] =	ssyncset.done $0x0  }
0x6a: {  	[sflag:s13] =	ssyncadd.s32 $0xFFFFE000  }
0x6b: {  	_ =	swait.ge [sflag:s13], $0x2000  }
0x6c: {  	[sflag:s13] =	ssyncset.done $0x0  }
0x6d: {  	[sflag:s13] =	ssyncadd.s32 $0xFFFFE000  }
0x6e: {  	_ =	swait.ge [sflag:s13], $0x2000  }
0x6f: {  	[sflag:s13] =	ssyncset.done $0x0  }
0x70: {  	[sflag:s13] =	ssyncadd.s32 $0xFFFFE000  }
0x71: {  	_ =	swait.ge [sflag:s13], $0x2000  }
0x72: {  	[sflag:s13] =	ssyncset.done $0x0  }
0x73: {  	[sflag:s13] =	ssyncadd.s32 $0xFFFFE000  }
0x74: {  	_ =	swait.ge [sflag:s13], $0x2000  }
0x75: {  	[sflag:s13] =	ssyncset.done $0x0  }
0x76: {  	[sflag:s13] =	ssyncadd.s32 $0xFFFFE000  }
0x77: {  	_ =	swait.ge [sflag:s13], $0x2000  }
0x78: {  	[sflag:s13] =	ssyncset.done $0x0  }
0x79: {  	[sflag:s13] =	ssyncadd.s32 $0xFFFFE000  }
0x7a: {  	[bflag:$0x0] =	sbarrier.arrive $0xFFFF  }
0x7b: {  	s19 =	rddreg [dreg:$0x12]  }
0x7c: {  	s6 =	simm.s32 $0x0;
	s21 =	simm.s32 $0x0;
	s18 =	rddreg [dreg:$0x11]  }
.LBB2_4:
0x7d: {  	s20 =	sshll.u32 s21, $0x3  }
0x7e: {  	s4 =	sand.u32 $0xF8, s20  }
0x7f: {  	s4 =	smul.u32 $0xCD, s4;
	_ =	sdelay $0x1  }
0x80: {  	s4 =	sshrl.u32 s4, $0xA  }
0x81: {  	s4 =	smul.u32 $0x5, s4  }
0x82: {  	_ =	swait.ge [sflag:s14], $0x2000;
	s17 =	sand.u32 $0x400, s6;
	p1 =	seq.s32 s21, $0x0  }
0x83: {  	[sflag:s14] =	ssyncset.done $0x0;
	s22 =	sor.u32 $0x800, s17;
	s4 =	ssub.s32 s20, s4  }
0x84: {  	p2 =	seq.s32 @!p1 s21, $0x13;
	s21 =	sadd.s32 $0x1, s21;
	s4 =	sand.u32 $0xFF, s4  }
0x85: {  	s30 =	sor.u32 $0x4, s20;
	s24 =	sor.u32 $0x1, s20;
	s4 =	sshll.u32 s4, $0xD  }
0x86: {  	s8 =	sor.u32 $0x5, s20;
	[sflag:s14] =	ssyncadd.s32 $0xFFFFE000;
	s4 =	sor.u32 $0x1100, s4  }
0x87: {  	[spmem:s2] =	stream.indirect.scatter.add.f32 [tilespmem:s4], [sflag:$0x2], $0x80, s22, s1, $0xb8;
	[tilespmem:$0x1F200] =	vst v63  }
0x88: {  	p2 =	por p1, !p2;
	s23 =	sand.u32 $0xFF, s30;
	s4 =	simm.s32 @!p1 $0x2  }
0x89: {  	s25 =	sand.u32 $0xFF, s24;
	s23 =	smul.u32 $0xCD, s23;
	_ =	swait.ge @!p1 [sflag:s4], $0x2000  }
0x8a: {  	s31 =	smul.u32 $0xCD, s25;
	s22 =	sand.u32 $0x1, s21;
	[sflag:s4] =	ssyncset.done @!p1 $0x0  }
0x8b: {  	s23 =	sshrl.u32 s23, $0xA;
	[sflag:s4] =	ssyncadd.s32 @!p1 $0xFFFFE000;
	s4 =	sshll.u32 @p2 s22, $0xA  }
0x8c: {  	[tilespmem:s4], [sflag:$0x3] =	stream.linear.gather @p2 [hbm4b:s19+s3], $0x400, $0x38;
	[tilespmem:$0x1F200] =	vst v63  }
0x8d: {  	s28 =	sadd.s32 $0x880, s17;
	s23 =	smul.u32 $0x5, s23;
	s4 =	sor.u32 @p2 $0x800, s4  }
0x8e: {  	[tilespmem:s4], [sflag:$0x3] =	stream.linear.gather @p2 [hbm4b:s18+s3], $0x400, $0x38;
	[tilespmem:$0x1F200] =	vst v63  }
0x8f: {  	s10 =	sor.u32 $0x2, s20;
	s4 =	ssub.s32 s30, s23;
	s23 =	sshrl.u32 s31, $0xA  }
0x90: {  	s26 =	sand.u32 $0xFF, s8;
	s4 =	sand.u32 $0xFF, s4;
	s23 =	smul.u32 $0x5, s23  }
0x91: {  	s29 =	sand.u32 $0xFF, s10;
	s26 =	smul.u32 $0xCD, s26;
	s4 =	sshll.u32 s4, $0xD  }
0x92: {  	s25 =	sor.u32 $0x1100, s4;
	s4 =	sor.u32 $0x200, s17;
	s23 =	ssub.s32 s24, s23  }
0x93: {  	[tilespmem:s25], [sflag:$0x1] =	stream.indirect.gather [hbm4b:s5+s1], $0x80, s4, s1, $0xb8;
	[tilespmem:$0x1F200] =	vst v63  }
0x94: {  	s9 =	sshrl.u32 s26, $0xA;
	s23 =	sand.u32 $0xFF, s23;
	_ =	swait.ge [sflag:s14], $0x2000  }
0x95: {  	s30 =	smul.u32 $0xCD, s29;
	s23 =	sshll.u32 s23, $0xD;
	[sflag:s14] =	ssyncset.done $0x0  }
0x96: {  	s31 =	sor.u32 $0x6, s20;
	s23 =	sor.u32 $0x1100, s23;
	[sflag:s14] =	ssyncadd.s32 $0xFFFFE000  }
0x97: {  	[spmem:s2] =	stream.indirect.scatter.add.f32 [tilespmem:s23], [sflag:$0x2], $0x80, s28, s1, $0xb8;
	[tilespmem:$0x1F200] =	vst v63  }
0x98: {  	s29 =	sand.u32 $0xFF, s31;
	s23 =	smul.u32 $0x5, s9  }
0x99: {  	s29 =	smul.u32 $0xCD, s29;
	s24 =	sor.u32 $0x280, s17  }
0x9a: {  	s28 =	sshrl.u32 s30, $0xA;
	s30 =	sadd.s32 $0x900, s17;
	s23 =	ssub.s32 s8, s23  }
0x9b: {  	_ =	swait.ge [sflag:s15], $0x2000;
	s28 =	smul.u32 $0x5, s28;
	s23 =	sand.u32 $0xFF, s23  }
0x9c: {  	s9 =	sor.u32 $0x3, s20;
	[sflag:s15] =	ssyncset.done $0x0;
	s23 =	sshll.u32 s23, $0xD  }
0x9d: {  	[sflag:s15] =	ssyncadd.s32 $0xFFFFE000;
	s26 =	ssub.s32 s10, s28;
	s23 =	sor.u32 $0x1100, s23  }
0x9e: {  	[tilespmem:s23], [sflag:$0x1] =	stream.indirect.gather [hbm4b:s5+s1], $0x80, s24, s1, $0xb8;
	[tilespmem:$0x1F200] =	vst v63  }
0x9f: {  	s8 =	sshrl.u32 s29, $0xA;
	s26 =	sand.u32 $0xFF, s26;
	_ =	swait.ge [sflag:s14], $0x2000  }
0xa0: {  	s10 =	sand.u32 $0xFF, s9;
	s26 =	sshll.u32 s26, $0xD;
	[sflag:s14] =	ssyncset.done $0x0  }
0xa1: {  	s29 =	smul.u32 $0xCD, s10;
	s26 =	sor.u32 $0x1100, s26;
	[sflag:s14] =	ssyncadd.s32 $0xFFFFE000  }
0xa2: {  	[spmem:s2] =	stream.indirect.scatter.add.f32 [tilespmem:s26], [sflag:$0x2], $0x80, s30, s1, $0xb8;
	[tilespmem:$0x1F200] =	vst v63  }
0xa3: {  	s26 =	smul.u32 $0x5, s8;
	_ =	sdelay $0x1  }
0xa4: {  	s26 =	ssub.s32 s31, s26;
	s31 =	sshrl.u32 s29, $0xA  }
0xa5: {  	_ =	swait.ge [sflag:s15], $0x2000;
	s26 =	sand.u32 $0xFF, s26;
	s31 =	smul.u32 $0x5, s31  }
0xa6: {  	[sflag:s15] =	ssyncset.done $0x0;
	s29 =	sor.u32 $0x300, s17;
	s26 =	sshll.u32 s26, $0xD  }
0xa7: {  	[sflag:s15] =	ssyncadd.s32 $0xFFFFE000;
	s28 =	sor.u32 $0x1100, s26;
	s26 =	ssub.s32 s9, s31  }
0xa8: {  	[tilespmem:s28], [sflag:$0x1] =	stream.indirect.gather [hbm4b:s5+s1], $0x80, s29, s1, $0xb8;
	[tilespmem:$0x1F200] =	vst v63  }
0xa9: {  	s8 =	sadd.s32 $0x980, s17;
	s26 =	sand.u32 $0xFF, s26;
	_ =	swait.ge [sflag:s14], $0x2000  }
0xaa: {  	s9 =	sor.u32 $0x7, s20;
	s26 =	sshll.u32 s26, $0xD;
	[sflag:s14] =	ssyncset.done $0x0  }
0xab: {  	s10 =	sand.u32 $0xFF, s9;
	s26 =	sor.u32 $0x1100, s26;
	[sflag:s14] =	ssyncadd.s32 $0xFFFFE000  }
0xac: {  	[spmem:s2] =	stream.indirect.scatter.add.f32 [tilespmem:s26], [sflag:$0x2], $0x80, s8, s1, $0xb8;
	[tilespmem:$0x1F200] =	vst v63  }
0xad: {  	p1 =	por @!p1 $0x1, $0x1;
	s30 =	smul.u32 $0xCD, s10;
	_ =	swait.ge [sflag:s15], $0x2000  }
0xae: {  	p1 =	por @p2 $0x0, $0x0;
	[sflag:s15] =	ssyncset.done $0x0  }
0xaf: {  	s31 =	simm.s32 @!p1 $0x3;
	s30 =	sshrl.u32 s30, $0xA;
	[sflag:s15] =	ssyncadd.s32 $0xFFFFE000  }
0xb0: {  	s30 =	smul.u32 $0x5, s30;
	_ =	swait.ge @!p1 [sflag:s31], $0x400  }
0xb1: {  	[sflag:s31] =	ssyncset.done @!p1 $0x0  }
0xb2: {  	s26 =	ssub.s32 s9, s30;
	[sflag:s31] =	ssyncadd.s32 @!p1 $0xFFFFFC00  }
0xb3: {  	s26 =	sand.u32 $0xFF, s26;
	_ =	swait.ge @!p1 [sflag:s31], $0x400  }
0xb4: {  	s26 =	sshll.u32 s26, $0xD;
	[sflag:s31] =	ssyncset.done @!p1 $0x0  }
0xb5: {  	s17 =	sor.u32 $0x380, s17;
	s26 =	sor.u32 $0x1100, s26;
	[sflag:s31] =	ssyncadd.s32 @!p1 $0xFFFFFC00  }
0xb6: {  	[tilespmem:s26], [sflag:$0x1] =	stream.indirect.gather [hbm4b:s5+s1], $0x80, s17, s1, $0xb8;
	[tilespmem:$0x1F200] =	vst v63  }
0xb7: {  	_ =	swait.ge [sflag:s14], $0x2000  }
0xb8: {  	[sflag:s14] =	ssyncset.done $0x0  }
0xb9: {  	s4 =	sor.u32 $0x800, s4;
	[sflag:s14] =	ssyncadd.s32 $0xFFFFE000  }
0xba: {  	[spmem:s2] =	stream.indirect.scatter.add.f32 [tilespmem:s25], [sflag:$0x2], $0x80, s4, s1, $0xb8;
	[tilespmem:$0x1F200] =	vst v63  }
0xbb: {  	s4 =	sadd.s32 @!p1 $0x8, s20;
	_ =	swait.ge [sflag:s15], $0x2000  }
0xbc: {  	s30 =	sand.u32 @!p1 $0xFF, s4;
	[sflag:s15] =	ssyncset.done $0x0  }
0xbd: {  	s25 =	simm.s32 @p1 $0x1;
	s30 =	smul.u32 @!p1 $0xCD, s30;
	[sflag:s15] =	ssyncadd.s32 $0xFFFFE000  }
0xbe: {  	_ =	swait.ge @p1 [sflag:s25], $0x2000  }
0xbf: {  	s9 =	simm.s32 @p1 $0x40;
	s30 =	sshrl.u32 @!p1 s30, $0xA;
	[sflag:s25] =	ssyncset.done @p1 $0x0  }
0xc0: {  	s31 =	sor.u32 @p1 $0x800, s24;
	s30 =	smul.u32 @!p1 $0x5, s30;
	[sflag:s25] =	ssyncadd.s32 @p1 $0xFFFFE000  }
0xc1: {  	[spmem:s2] =	stream.indirect.scatter.add.f32 @p1 [tilespmem:s23], [sflag:$0x2], $0x80, s31, s9, $0xb8;
	[tilespmem:$0x1F200] =	vst v63  }
0xc2: {  	s31 =	simm.s32 @p1 $0x2  }
0xc3: {  	s4 =	ssub.s32 @!p1 s4, s30;
	_ =	swait.ge @p1 [sflag:s31], $0x2000  }
0xc4: {  	s4 =	sand.u32 @!p1 $0xFF, s4;
	[sflag:s31] =	ssyncset.done @p1 $0x0  }
0xc5: {  	s4 =	sshll.u32 @!p1 s4, $0xD;
	[sflag:s31] =	ssyncadd.s32 @p1 $0xFFFFE000  }
0xc6: {  	s30 =	sor.u32 @!p1 $0x1100, s4;
	s4 =	sshll.u32 @!p1 s22, $0xA;
	s22 =	simm.s32 @!p1 $0x40  }
0xc7: {  	[tilespmem:s30], [sflag:$0x1] =	stream.indirect.gather @!p1 [hbm4b:s5+s22], $0x80, s4, s22, $0xb8;
	[tilespmem:$0x1F200] =	vst v63  }
0xc8: {  	s30 =	sadd.s32 @!p1 $0x9, s20  }
0xc9: {  	s8 =	sand.u32 @!p1 $0xFF, s30  }
0xca: {  	s10 =	simm.s32 @!p1 $0x1;
	s8 =	smul.u32 @!p1 $0xCD, s8  }
0xcb: {  	_ =	swait.ge @!p1 [sflag:s10], $0x2000  }
0xcc: {  	[sflag:s10] =	ssyncset.done @!p1 $0x0;
	s8 =	sshrl.u32 @!p1 s8, $0xA  }
0xcd: {  	s24 =	sor.u32 @!p1 $0x800, s24;
	[sflag:s10] =	ssyncadd.s32 @!p1 $0xFFFFE000;
	s8 =	smul.u32 @!p1 $0x5, s8  }
0xce: {  	[spmem:s2] =	stream.indirect.scatter.add.f32 @!p1 [tilespmem:s23], [sflag:$0x2], $0x80, s24, s22, $0xb8;
	[tilespmem:$0x1F200] =	vst v63  }
0xcf: {  	s23 =	simm.s32 @!p1 $0x2;
	s8 =	ssub.s32 @!p1 s30, s8  }
0xd0: {  	_ =	swait.ge @!p1 [sflag:s23], $0x2000;
	s8 =	sand.u32 @!p1 $0xFF, s8  }
0xd1: {  	[sflag:s23] =	ssyncset.done @!p1 $0x0;
	s8 =	sshll.u32 @!p1 s8, $0xD  }
0xd2: {  	s24 =	sor.u32 @!p1 $0x80, s4;
	[sflag:s23] =	ssyncadd.s32 @!p1 $0xFFFFE000;
	s8 =	sor.u32 @!p1 $0x1100, s8  }
0xd3: {  	[tilespmem:s8], [sflag:$0x1] =	stream.indirect.gather @!p1 [hbm4b:s5+s22], $0x80, s24, s22, $0xb8;
	[tilespmem:$0x1F200] =	vst v63  }
0xd4: {  	_ =	swait.ge [sflag:s14], $0x2000  }
0xd5: {  	s8 =	sadd.s32 @!p1 $0xA, s20;
	[sflag:s14] =	ssyncset.done $0x0  }
0xd6: {  	s30 =	sor.u32 $0x800, s29;
	s24 =	sand.u32 @!p1 $0xFF, s8;
	[sflag:s14] =	ssyncadd.s32 $0xFFFFE000  }
0xd7: {  	[spmem:s2] =	stream.indirect.scatter.add.f32 [tilespmem:s28], [sflag:$0x2], $0x80, s30, s1, $0xb8;
	[tilespmem:$0x1F200] =	vst v63  }
0xd8: {  	s24 =	smul.u32 @!p1 $0xCD, s24;
	_ =	swait.ge [sflag:s15], $0x2000  }
0xd9: {  	[sflag:s15] =	ssyncset.done $0x0  }
0xda: {  	s24 =	sshrl.u32 @!p1 s24, $0xA;
	[sflag:s15] =	ssyncadd.s32 $0xFFFFE000  }
0xdb: {  	s24 =	smul.u32 @!p1 $0x5, s24;
	_ =	swait.ge @p1 [sflag:s25], $0x2000  }
0xdc: {  	[sflag:s25] =	ssyncset.done @p1 $0x0  }
0xdd: {  	s8 =	ssub.s32 @!p1 s8, s24;
	[sflag:s25] =	ssyncadd.s32 @p1 $0xFFFFE000;
	s25 =	sor.u32 @p1 $0x800, s17  }
0xde: {  	[spmem:s2] =	stream.indirect.scatter.add.f32 @p1 [tilespmem:s26], [sflag:$0x2], $0x80, s25, s9, $0xb8;
	[tilespmem:$0x1F200] =	vst v63  }
0xdf: {  	s8 =	sand.u32 @!p1 $0xFF, s8;
	_ =	swait.ge @p1 [sflag:s31], $0x2000  }
0xe0: {  	s8 =	sshll.u32 @!p1 s8, $0xD;
	[sflag:s31] =	ssyncset.done @p1 $0x0  }
0xe1: {  	s8 =	sor.u32 @!p1 $0x1100, s8;
	s9 =	sor.u32 @!p1 $0x100, s4;
	[sflag:s31] =	ssyncadd.s32 @p1 $0xFFFFE000  }
0xe2: {  	[tilespmem:s8], [sflag:$0x1] =	stream.indirect.gather @!p1 [hbm4b:s5+s22], $0x80, s9, s22, $0xb8;
	[tilespmem:$0x1F200] =	vst v63  }
0xe3: {  	s8 =	sadd.s32 @!p1 $0xB, s20  }
0xe4: {  	s9 =	sand.u32 @!p1 $0xFF, s8  }
0xe5: {  	s9 =	smul.u32 @!p1 $0xCD, s9  }
0xe6: {  	_ =	swait.ge @!p1 [sflag:s10], $0x2000  }
0xe7: {  	[sflag:s10] =	ssyncset.done @!p1 $0x0;
	s9 =	sshrl.u32 @!p1 s9, $0xA  }
0xe8: {  	[sflag:s10] =	ssyncadd.s32 @!p1 $0xFFFFE000;
	s10 =	sor.u32 @!p1 $0x800, s17;
	s9 =	smul.u32 @!p1 $0x5, s9  }
0xe9: {  	[spmem:s2] =	stream.indirect.scatter.add.f32 @!p1 [tilespmem:s26], [sflag:$0x2], $0x80, s10, s22, $0xb8;
	[tilespmem:$0x1F200] =	vst v63  }
0xea: {  	s8 =	ssub.s32 @!p1 s8, s9  }
0xeb: {  	_ =	swait.ge @!p1 [sflag:s23], $0x2000;
	s8 =	sand.u32 @!p1 $0xFF, s8  }
0xec: {  	[sflag:s23] =	ssyncset.done @!p1 $0x0;
	s8 =	sshll.u32 @!p1 s8, $0xD  }
0xed: {  	s4 =	sor.u32 @!p1 $0x180, s4;
	[sflag:s23] =	ssyncadd.s32 @!p1 $0xFFFFE000;
	s8 =	sor.u32 @!p1 $0x1100, s8  }
0xee: {  	[tilespmem:s8], [sflag:$0x1] =	stream.indirect.gather @!p1 [hbm4b:s5+s22], $0x80, s4, s22, $0xb8;
	[tilespmem:$0x1F200] =	vst v63  }
0xef: {  	p1 =	sne.s32 s21, $0x14  }
.Ltmp1:
0xf0: {  	_ = 	snop;
	(pc) =	sbr.rel @p1 .LBB2_4-.Ltmp1, $2  }
0xf1: {  	_ =	sdelay $0x2  }
0xf2: {  	s6 =	sadd.s32 $0x400, s6;
	s19 =	sadd.s32 $0x80, s19;
	s18 =	sadd.s32 $0x80, s18  }
0xf3: {  	_ =	swait.ge [sflag:s15], $0x2000  }
0xf4: {  	[sflag:s15] =	ssyncset.done $0x0  }
0xf5: {  	[sflag:s15] =	ssyncadd.s32 $0xFFFFE000  }
0xf6: {  	s18 =	simm.s32 $0x1000;
	[bflag:$0x0] =	sbarrier.arrive $0xFFFF  }
0xf7: {  	[tilespmem:s7], [sflag:$0x1] =	stream.indirect.gather [spmem:s2], $0x80, s18, s1, $0xb8;
	[tilespmem:$0x1F200] =	vst v63  }
0xf8: {  	_ =	swait.ge [sflag:s14], $0x2000  }
0xf9: {  	[sflag:s14] =	ssyncset.done $0x0  }
0xfa: {  	s4 =	rddreg [dreg:$0xd];
	[sflag:s14] =	ssyncadd.s32 $0xFFFFE000  }
0xfb: {  	[hbm4b:s4+s3] =	stream.linear.scatter [tilespmem:s7], [sflag:$0x4], $0x2000, $0x38;
	[tilespmem:$0x1F200] =	vst v63  }
0xfc: {  	_ =	swait.ge [sflag:s0], $0x2000  }
0xfd: {  	[sflag:s0] =	ssyncset.done $0x0  }
0xfe: {  	s19 =	simm.s32 $0x3100;
	s20 =	simm.s32 $0x1040;
	[sflag:s0] =	ssyncadd.s32 $0xFFFFE000  }
0xff: {  	[tilespmem:s19], [sflag:$0x1] =	stream.indirect.gather [spmem:s2], $0x80, s20, s1, $0xb8;
	[tilespmem:$0x1F200] =	vst v63  }
0x100: {  	_ =	swait.ge [sflag:s14], $0x2000  }
0x101: {  	[sflag:s14] =	ssyncset.done $0x0  }
0x102: {  	s21 =	rddreg [dreg:$0xe];
	[sflag:s14] =	ssyncadd.s32 $0xFFFFE000  }
0x103: {  	[hbm4b:s21+s3] =	stream.linear.scatter [tilespmem:s19], [sflag:$0x4], $0x2000, $0x38;
	[tilespmem:$0x1F200] =	vst v63  }
0x104: {  	_ =	swait.ge [sflag:s0], $0x2000  }
0x105: {  	[sflag:s0] =	ssyncset.done $0x0  }
0x106: {  	s22 =	simm.s32 $0x1080;
	s20 =	simm.s32 $0x5100;
	[sflag:s0] =	ssyncadd.s32 $0xFFFFE000  }
0x107: {  	[tilespmem:s20], [sflag:$0x1] =	stream.indirect.gather [spmem:s2], $0x80, s22, s1, $0xb8;
	[tilespmem:$0x1F200] =	vst v63  }
0x108: {  	_ =	swait.ge [sflag:s14], $0x2000  }
0x109: {  	[sflag:s14] =	ssyncset.done $0x0  }
0x10a: {  	s23 =	rddreg [dreg:$0xf];
	[sflag:s14] =	ssyncadd.s32 $0xFFFFE000  }
0x10b: {  	[hbm4b:s23+s3] =	stream.linear.scatter [tilespmem:s20], [sflag:$0x4], $0x2000, $0x38;
	[tilespmem:$0x1F200] =	vst v63  }
0x10c: {  	_ =	swait.ge [sflag:s0], $0x2000  }
0x10d: {  	[sflag:s0] =	ssyncset.done $0x0  }
0x10e: {  	s24 =	simm.s32 $0x10C0;
	[sflag:s0] =	ssyncadd.s32 $0xFFFFE000  }
0x10f: {  	[tilespmem:s11], [sflag:$0x1] =	stream.indirect.gather [spmem:s2], $0x80, s24, s1, $0xb8;
	[tilespmem:$0x1F200] =	vst v63  }
0x110: {  	_ =	swait.ge [sflag:s14], $0x2000  }
0x111: {  	[sflag:s14] =	ssyncset.done $0x0  }
0x112: {  	s25 =	rddreg [dreg:$0x10];
	[sflag:s14] =	ssyncadd.s32 $0xFFFFE000  }
0x113: {  	[hbm4b:s25+s3] =	stream.linear.scatter [tilespmem:s11], [sflag:$0x4], $0x2000, $0x38;
	[tilespmem:$0x1F200] =	vst v63  }
0x114: {  	_ =	swait.ge [sflag:s0], $0x2000  }
0x115: {  	[sflag:s0] =	ssyncset.done $0x0  }
0x116: {  	s26 =	rddreg [dreg:$0x13];
	[sflag:s0] =	ssyncadd.s32 $0xFFFFE000  }
0x117: {  	[tilespmem:s12], [sflag:$0x1] =	stream.indirect.gather [hbm4b:s5+s1], $0x80, s26, s1, $0xb8;
	[tilespmem:$0x1F200] =	vst v63  }
0x118: {  	_ =	swait.ge [sflag:s14], $0x2000  }
0x119: {  	[sflag:s14] =	ssyncset.done $0x0  }
0x11a: {  	s28 =	rddreg [dreg:$0x14];
	[sflag:s14] =	ssyncadd.s32 $0xFFFFE000  }
0x11b: {  	[hbm4b:s28+s3] =	stream.linear.scatter [tilespmem:s12], [sflag:$0x4], $0x2000, $0x38;
	[tilespmem:$0x1F200] =	vst v63  }
0x11c: {  	_ =	swait.ge [sflag:s0], $0x2000  }
0x11d: {  	[sflag:s0] =	ssyncset.done $0x0  }
0x11e: {  	s29 =	rddreg [dreg:$0x15];
	[sflag:s0] =	ssyncadd.s32 $0xFFFFE000  }
0x11f: {  	[tilespmem:s7], [sflag:$0x1] =	stream.indirect.gather [hbm4b:s5+s1], $0x80, s29, s1, $0xb8;
	[tilespmem:$0x1F200] =	vst v63  }
0x120: {  	_ =	swait.ge [sflag:s14], $0x2000  }
0x121: {  	[sflag:s14] =	ssyncset.done $0x0  }
0x122: {  	s30 =	rddreg [dreg:$0x16];
	[sflag:s14] =	ssyncadd.s32 $0xFFFFE000  }
0x123: {  	[hbm4b:s30+s3] =	stream.linear.scatter [tilespmem:s7], [sflag:$0x4], $0x2000, $0x38;
	[tilespmem:$0x1F200] =	vst v63  }
0x124: {  	_ =	swait.ge [sflag:s0], $0x2000  }
0x125: {  	[sflag:s0] =	ssyncset.done $0x0  }
0x126: {  	s6 =	simm.s32 @!p0 $0x1000;
	[sflag:s0] =	ssyncadd.s32 $0xFFFFE000  }
0x127: {  	s8 =	simm.s32 @!p0 $0xB100;
	s4 =	simm.s32 @!p0 $0x80;
	s17 =	rddreg [dreg:$0x2]  }
0x128: {  	[tilespmem:s8], [sflag:$0x1] =	stream.indirect.gather @!p0 [hbm4b:s17+s4], $0x1, s6, s4, $0xb8;
	[tilespmem:$0x1F200] =	vst v63  }
0x129: {  	s6 =	simm.s32 @!p0 $0x1  }
0x12a: {  	_ =	swait.ge @!p0 [sflag:s6], $0x80  }
0x12b: {  	[sflag:s6] =	ssyncset.done @!p0 $0x0  }
0x12c: {  	s9 =	simm.s32 @!p0 $0x1080;
	s10 =	simm.s32 @!p0 $0xB180;
	[sflag:s6] =	ssyncadd.s32 @!p0 $0xFFFFFF80  }
0x12d: {  	[tilespmem:s10], [sflag:$0x1] =	stream.indirect.gather @!p0 [hbm4b:s17+s4], $0x1, s9, s4, $0xb8;
	[tilespmem:$0x1F200] =	vst v63  }
0x12e: {  	_ =	swait.ge @!p0 [sflag:s6], $0x80  }
0x12f: {  	[sflag:s6] =	ssyncset.done @!p0 $0x0  }
0x130: {  	s4 =	simm.s32 @!p0 $0x0;
	[sflag:s6] =	ssyncadd.s32 @!p0 $0xFFFFFF80;
	s6 =	rddreg [dreg:$0x17]  }
0x131: {  	[hbm4b:s6+s4] =	stream.linear.scatter @!p0 [tilespmem:s8], [sflag:$0x4], $0x100, $0x38;
	[tilespmem:$0x1F200] =	vst v63  }
0x132: {  	s4 =	simm.s32 @!p0 $0x4  }
0x133: {  	_ =	swait.ge @!p0 [sflag:s4], $0x100  }
0x134: {  	s16 =	sadd.s32 $0x1, s16;
	s31 =	rddreg [dreg:$0x18]  }
0x135: {  	p1 =	sne.s32 s16, s31  }
.Ltmp2:
0x136: {  	_ = 	snop;
	(pc) =	sbr.rel @p1 .LBB2_1-.Ltmp2, $3  }
0x137: {  	_ =	sdelay $0x1  }
0x138: {  	[sflag:s4] =	ssyncset.done @!p0 $0x0  }
0x139: {  	[sflag:s4] =	ssyncadd.s32 @!p0 $0xFFFFFF00  }
0x13a: {  	_ =	sfence.sel $0x180000  }
0x13b: {  	[bflag:$0x0] =	sbarrier.arrive $0xFFFF  }
0x13c: {  	_ =	strace $0x9000004A  }
0x13d: {  	s0 =	stileid.u32;
	[bflag:$0x2] =	sbarrier.arrive $0xFFFF  }
0x13e: {  	p0 =	sne.s32 s0, $0x0;
	s0 =	rddreg [dreg:$0x4]  }
0x13f: {  	s0 =	sadd.s32 @!p0 $0x100000, s0  }
0x140: {  	[sflag:s0] =	ssyncadd.tile.s32 @!p0 $0x1;
	_ =	shalt  }
.Lfunc_end2:
_tile_overlayer_lowered:
.L_overlay_start_2:
0x141: {  	(tag) =	ssettag $0x2  }
0x142: {  	s0 =	rddreg [dreg:$0x0];
	s2 =	stileid.u32  }
0x143: {  	s1 =	rddreg [dreg:$0x1];
	p0 =	sne.s32 s2, $0x0  }
0x144: {  	s3 =	rddreg [dreg:$0x2];
	[bflag:$0x3] =	sbarrier.arrive $0xFFFF;
	s2 =	simm.s32 @!p0 $0x1C04  }
0x145: {  	[timem:s3], [sflag:s2] =	dma.local @!p0 [hbm:s0], s1  }
0x146: {  	s0 =	simm.s32 @!p0 $0x4  }
0x147: {  	_ =	swait.ge @!p0 [sflag:s0], s1  }
0x148: {  	s1 =	ssub.s32 @!p0 $0x0, s1;
	[sflag:s0] =	ssyncset.done @!p0 $0x0  }
0x149: {  	[sflag:s0] =	ssyncadd.s32 @!p0 s1  }
0x14a: {  	[bflag:$0x3] =	sbarrier.arrive $0xFFFF  }
0x14b: {  	_ =	shalt  }

</sc_bundles>
